<compile_context>
chip_gen: v7x
topology: tpu7x:2x2x1
jax: 0.10.2.dev20260603
libtpu: 0.0.44.dev20260713+nightly
codegen_flags: <defaults>
</compile_context>

<pallas_src>
import jax
import jax.numpy as jnp
from jax import lax
from jax.experimental import pallas as pl
from jax.experimental.pallas import tpu as pltpu
from jax.experimental.pallas import tpu_sc as plsc

H = 64
NV = H // 16
SEQ = 200
BLK = 128
NC = 2
NS = 16
NW = NC * NS
NBUF = 4


def _lane_sum(v):
  ps = plsc.cumsum(v)
  last = lax.iota(jnp.int32, 16) | 15
  return ps.at[last].get(mode="promise_in_bounds")


def _rsqrt(x):
  i = lax.bitcast_convert_type(x, jnp.int32)
  i = jnp.int32(0x5F3759DF) - (i >> 1)
  y = lax.bitcast_convert_type(i, jnp.float32)
  y = y * (1.5 - 0.5 * x * y * y)
  return y * (1.5 - 0.5 * x * y * y)


def _body(ids_hbm, table_hbm, pos_hbm, gam_hbm, bet_hbm, out_hbm,
          idx_all, rows, outs, pos_v, gam_v, bet_v, gsems, osems):
  bpw = ids_hbm.shape[0] // NW
  wid = lax.axis_index("s") * NC + lax.axis_index("c")
  base = wid * bpw

  pltpu.sync_copy(ids_hbm.at[pl.ds(base, bpw)], idx_all)
  pltpu.sync_copy(pos_hbm, pos_v)
  pltpu.sync_copy(gam_hbm, gam_v)
  pltpu.sync_copy(bet_hbm, bet_v)
  g = [gam_v[pl.ds(16 * j, 16)] for j in range(NV)]
  b = [bet_v[pl.ds(16 * j, 16)] for j in range(NV)]
  lanes = lax.iota(jnp.int32, 16)
  hidx = [(lanes + 16 * j) >> 3 for j in range(NV)]
  midx = [(lanes + 16 * j) & 7 for j in range(NV)]
  zidx = lanes & 0

  def oref(blk):
    return out_hbm.at[blk // 32, :, pl.ds(blk % 32, 1)]

  def compute_block(rv, ov, t, carry):
    p = [pos_v[t, pl.ds(16 * j, 16)] for j in range(NV)]

    @plsc.parallel_loop(0, BLK, unroll=2)
    def row_body(r):
      x = [rv[r, pl.ds(16 * j, 16)] + p[j] for j in range(NV)]
      s = (x[0] + x[1]) + (x[2] + x[3])
      q = (x[0] * x[0] + x[1] * x[1]) + (x[2] * x[2] + x[3] * x[3])
      mean = _lane_sum(s) * (1.0 / H)
      var = _lane_sum(q) * (1.0 / H) - mean * mean
      inv = _rsqrt(var + 1e-12)
      rsp = jnp.full((16,), r, dtype=jnp.int32)
      for j in range(NV):
        y = (x[j] - mean) * inv * g[j] + b[j]
        plsc.store_scatter(ov, [hidx[j], zidx, midx[j], rsp], y)
    return carry

  pltpu.async_copy(table_hbm.at[idx_all.at[0]], rows[0], gsems[0])
  pltpu.async_copy(table_hbm.at[idx_all.at[1]], rows[1], gsems[1])
  pltpu.async_copy(table_hbm.at[idx_all.at[2]], rows[2], gsems[2])

  def ring_body(it, carry):
    for bb in range(NBUF):
      c = it * NBUF + bb
      b2 = (bb + 3) % NBUF

      @pl.when(c + 3 < bpw)
      def _():
        pltpu.async_copy(
            table_hbm.at[idx_all.at[c + 3]], rows[b2], gsems[b2])

      pltpu.make_async_copy(
          table_hbm.at[idx_all.at[c]], rows[bb], gsems[bb]).wait()

      @pl.when(c >= NBUF)
      def _():
        pltpu.make_async_copy(outs[bb].at[:, :, :, pl.ds(0, BLK)],
                              oref(base + c - NBUF), osems[bb]).wait()

      compute_block(rows[bb], outs[bb], (base + c) // 32, 0)
      pltpu.async_copy(outs[bb].at[:, :, :, pl.ds(0, BLK)],
                       oref(base + c), osems[bb])
    return carry

  lax.fori_loop(0, bpw // NBUF, ring_body, 0)

  for bb in range(NBUF):
    pltpu.make_async_copy(
        outs[bb].at[:, :, :, pl.ds(0, BLK)],
        oref(base + bpw - NBUF + bb), osems[bb]).wait()


def kernel(input_ids, item_table, pos_table, ln_gamma, ln_beta):
  batch, seq = input_ids.shape
  nblk = batch * seq // BLK
  ids_t = (input_ids.T.astype(jnp.int32) * 2).reshape(nblk, BLK)
  item_table = jnp.pad(item_table, ((0, 0), (0, 64)))
  item_table = item_table.reshape(2 * item_table.shape[0] // 2, 2 * 64).reshape(-1, 64)

  def body(ids_hbm, table_hbm, pos_hbm, gam_hbm, bet_hbm, out_hbm,
           idx_all, r0, r1, r2, r3, o0, o1, o2, o3, pos_v, gam_v, bet_v,
           g0, g1, g2, g3, s0, s1, s2, s3):
    _body(ids_hbm, table_hbm, pos_hbm, gam_hbm, bet_hbm, out_hbm,
          idx_all, [r0, r1, r2, r3], [o0, o1, o2, o3], pos_v, gam_v, bet_v,
          [g0, g1, g2, g3], [s0, s1, s2, s3])

  mesh = plsc.VectorSubcoreMesh(core_axis_name="c", subcore_axis_name="s")
  run = pl.kernel(
      body,
      mesh=mesh,
      compiler_params=pltpu.CompilerParams(
          use_tc_tiling_on_sc=False, needs_layout_passes=False),
      out_type=jax.ShapeDtypeStruct((SEQ, 8, batch // BLK, 8, BLK),
                                    jnp.float32),
      scratch_types=(
          [pltpu.VMEM((nblk // NW, BLK), jnp.int32)]
          + [pltpu.VMEM((BLK, H), jnp.float32) for _ in range(NBUF)]
          + [pltpu.VMEM((8, 1, 8, BLK + 1), jnp.float32) for _ in range(NBUF)]
          + [pltpu.VMEM((SEQ, H), jnp.float32),
             pltpu.VMEM((H,), jnp.float32),
             pltpu.VMEM((H,), jnp.float32)]
          + [pltpu.SemaphoreType.DMA for _ in range(2 * NBUF)]
      ),
  )
  out5 = run(ids_t, item_table, pos_table, ln_gamma, ln_beta)
  return out5.transpose(2, 4, 0, 1, 3).reshape(batch, seq, H)

# --- scband reference (transcript-rebuilt; emitter-appended) ---
"""Pipeline reference for scband-sequential-rec-model-12034498363465 (READ-ONLY COPY).

The authoritative reference and input builder live on the scoring server;
editing this copy changes nothing except your own understanding.
"""

import jax, jax.numpy as jnp
import numpy as np

ITEM_SIZE = 1000000
HIDDEN = 64
MAX_SEQ = 200
BATCH = 4096


def setup_inputs(seed: int = 0) -> dict:
    key = jax.random.key(seed)
    k1, k2, k3 = jax.random.split(key, 3)
    input_ids = jax.random.randint(k1, (BATCH, MAX_SEQ), 0, ITEM_SIZE, dtype=jnp.int64 if jax.config.read('jax_enable_x64') else jnp.int32)
    item_table = jax.random.normal(k2, (ITEM_SIZE, HIDDEN), dtype=jnp.float32) * 0.02
    item_table = item_table.at[0].set(0.0)  # padding_idx=0
    pos_table = jax.random.normal(k3, (MAX_SEQ, HIDDEN), dtype=jnp.float32) * 0.02
    ln_gamma = jnp.ones((HIDDEN,), dtype=jnp.float32)
    ln_beta = jnp.zeros((HIDDEN,), dtype=jnp.float32)
    return {"input_ids": input_ids, "item_table": item_table, "pos_table": pos_table, "ln_gamma": ln_gamma, "ln_beta": ln_beta}


def _layer_norm(x, gamma, beta, eps=1e-12):
    mu = jnp.mean(x, axis=-1, keepdims=True)
    var = jnp.mean((x - mu) ** 2, axis=-1, keepdims=True)
    return (x - mu) / jnp.sqrt(var + eps) * gamma + beta


def reference(input_ids, item_table, pos_table, ln_gamma, ln_beta):
    # add_position_embedding: item emb gather + position emb gather, sum, LayerNorm (dropout = identity in eval)
    seq_length = input_ids.shape[1]
    position_ids = jnp.arange(seq_length, dtype=input_ids.dtype)
    position_ids = jnp.broadcast_to(position_ids[None, :], input_ids.shape)
    item_embeddings = jnp.take(item_table, input_ids, axis=0)
    position_embeddings = jnp.take(pos_table, position_ids, axis=0)
    sequence_emb = item_embeddings + position_embeddings
    sequence_emb = _layer_norm(sequence_emb, ln_gamma, ln_beta)
    return sequence_emb

if __name__ == "__main__":
    import jax
    _d = setup_inputs()
    print(jax.jit(kernel)(*tuple(_d.values())))

</pallas_src>

<mosaic_0001>
#map = affine_map<(d0, d1) -> (0, 0)>
#map1 = affine_map<(d0, d1) -> (0)>
#map2 = affine_map<(d0, d1) -> (0, 0, 0, 0, 0)>
module attributes {stable_mosaic.version = 14 : i64} {
  func.func @body(%arg0: i32, %arg1: i32, %arg2: memref<6400x128xi32, #tpu.memory_space<hbm>>, %arg3: memref<2000000x64xf32, #tpu.memory_space<hbm>>, %arg4: memref<200x64xf32, #tpu.memory_space<hbm>>, %arg5: memref<64xf32, #tpu.memory_space<hbm>>, %arg6: memref<64xf32, #tpu.memory_space<hbm>>, %arg7: memref<200x8x32x8x128xf32, #tpu.memory_space<hbm>>, %arg8: memref<200x128xi32, #tpu.memory_space<vmem>>, %arg9: memref<128x64xf32, #tpu.memory_space<vmem>>, %arg10: memref<128x64xf32, #tpu.memory_space<vmem>>, %arg11: memref<128x64xf32, #tpu.memory_space<vmem>>, %arg12: memref<128x64xf32, #tpu.memory_space<vmem>>, %arg13: memref<8x1x8x129xf32, #tpu.memory_space<vmem>>, %arg14: memref<8x1x8x129xf32, #tpu.memory_space<vmem>>, %arg15: memref<8x1x8x129xf32, #tpu.memory_space<vmem>>, %arg16: memref<8x1x8x129xf32, #tpu.memory_space<vmem>>, %arg17: memref<200x64xf32, #tpu.memory_space<vmem>>, %arg18: memref<64xf32, #tpu.memory_space<vmem>>, %arg19: memref<64xf32, #tpu.memory_space<vmem>>, %arg20: memref<!tpu.dma_semaphore, #tpu.memory_space<semaphore_mem>>, %arg21: memref<!tpu.dma_semaphore, #tpu.memory_space<semaphore_mem>>, %arg22: memref<!tpu.dma_semaphore, #tpu.memory_space<semaphore_mem>>, %arg23: memref<!tpu.dma_semaphore, #tpu.memory_space<semaphore_mem>>, %arg24: memref<!tpu.dma_semaphore, #tpu.memory_space<semaphore_mem>>, %arg25: memref<!tpu.dma_semaphore, #tpu.memory_space<semaphore_mem>>, %arg26: memref<!tpu.dma_semaphore, #tpu.memory_space<semaphore_mem>>, %arg27: memref<!tpu.dma_semaphore, #tpu.memory_space<semaphore_mem>>) attributes {dimension_semantics = [#tpu.dimension_semantics<core_parallel>, #tpu.dimension_semantics<subcore_parallel>], iteration_bounds = array<i64: 2, 16>, scalar_prefetch = 0 : i64, scratch_operands = 20 : i64, tpu.core_type = #tpu.core_type<sc_vector_subcore>, window_params = [{transform_indices = #map}, {transform_indices = #map}, {transform_indices = #map}, {transform_indices = #map1}, {transform_indices = #map1}, {transform_indices = #map2}]} {
    %mul3A = arith.constant 2 : i32
    %mul3A_0 = arith.muli %arg1, %mul3A : i32
    %add3A = arith.addi %mul3A_0, %arg0 : i32
    %mul3A_1 = arith.constant 200 : i32
    %mul3A_2 = arith.muli %add3A, %mul3A_1 : i32
    "tpu.region"() ({
      %run_scoped3A = tpu.sem_alloc : memref<!tpu.dma_semaphore, #tpu.memory_space<semaphore_mem>>
      %dma_start3A_346 = arith.constant 0 : i32
      %dma_start3A_347 = tpu.memref_slice %arg2[%mul3A_2, %dma_start3A_346] : memref<6400x128xi32, #tpu.memory_space<hbm>> -> memref<200x128xi32, #tpu.memory_space<hbm>>
      %dma_start3A_348 = arith.constant 0 : i32
      %dma_start3A_349 = tpu.memref_slice %arg2[%mul3A_2, %dma_start3A_348] : memref<6400x128xi32, #tpu.memory_space<hbm>> -> memref<200x128xi32, #tpu.memory_space<hbm>>
      tpu.enqueue_dma source(%dma_start3A_349 : memref<200x128xi32, #tpu.memory_space<hbm>>) target(%arg8 : memref<200x128xi32, #tpu.memory_space<vmem>>) target_semaphore(%run_scoped3A : memref<!tpu.dma_semaphore, #tpu.memory_space<semaphore_mem>>)
      %dma_wait3A_350 = arith.constant 0 : i32
      %dma_wait3A_351 = tpu.memref_slice %arg2[%mul3A_2, %dma_wait3A_350] : memref<6400x128xi32, #tpu.memory_space<hbm>> -> memref<200x128xi32, #tpu.memory_space<hbm>>
      %dma_wait3A_352 = arith.constant 0 : i32
      %dma_wait3A_353 = tpu.memref_slice %arg2[%mul3A_2, %dma_wait3A_352] : memref<6400x128xi32, #tpu.memory_space<hbm>> -> memref<200x128xi32, #tpu.memory_space<hbm>>
      tpu.wait_dma2 semaphore(%run_scoped3A : memref<!tpu.dma_semaphore, #tpu.memory_space<semaphore_mem>>) src(%dma_wait3A_353 : memref<200x128xi32, #tpu.memory_space<hbm>>) dst(%arg8 : memref<200x128xi32, #tpu.memory_space<vmem>>)
      tpu.yield
    }) : () -> ()
    "tpu.region"() ({
      %run_scoped3A = tpu.sem_alloc : memref<!tpu.dma_semaphore, #tpu.memory_space<semaphore_mem>>
      tpu.enqueue_dma source(%arg4 : memref<200x64xf32, #tpu.memory_space<hbm>>) target(%arg17 : memref<200x64xf32, #tpu.memory_space<vmem>>) target_semaphore(%run_scoped3A : memref<!tpu.dma_semaphore, #tpu.memory_space<semaphore_mem>>)
      tpu.wait_dma2 semaphore(%run_scoped3A : memref<!tpu.dma_semaphore, #tpu.memory_space<semaphore_mem>>) src(%arg4 : memref<200x64xf32, #tpu.memory_space<hbm>>) dst(%arg17 : memref<200x64xf32, #tpu.memory_space<vmem>>)
      tpu.yield
    }) : () -> ()
    "tpu.region"() ({
      %run_scoped3A = tpu.sem_alloc : memref<!tpu.dma_semaphore, #tpu.memory_space<semaphore_mem>>
      tpu.enqueue_dma source(%arg5 : memref<64xf32, #tpu.memory_space<hbm>>) target(%arg18 : memref<64xf32, #tpu.memory_space<vmem>>) target_semaphore(%run_scoped3A : memref<!tpu.dma_semaphore, #tpu.memory_space<semaphore_mem>>)
      tpu.wait_dma2 semaphore(%run_scoped3A : memref<!tpu.dma_semaphore, #tpu.memory_space<semaphore_mem>>) src(%arg5 : memref<64xf32, #tpu.memory_space<hbm>>) dst(%arg18 : memref<64xf32, #tpu.memory_space<vmem>>)
      tpu.yield
    }) : () -> ()
    "tpu.region"() ({
      %run_scoped3A = tpu.sem_alloc : memref<!tpu.dma_semaphore, #tpu.memory_space<semaphore_mem>>
      tpu.enqueue_dma source(%arg6 : memref<64xf32, #tpu.memory_space<hbm>>) target(%arg19 : memref<64xf32, #tpu.memory_space<vmem>>) target_semaphore(%run_scoped3A : memref<!tpu.dma_semaphore, #tpu.memory_space<semaphore_mem>>)
      tpu.wait_dma2 semaphore(%run_scoped3A : memref<!tpu.dma_semaphore, #tpu.memory_space<semaphore_mem>>) src(%arg6 : memref<64xf32, #tpu.memory_space<hbm>>) dst(%arg19 : memref<64xf32, #tpu.memory_space<vmem>>)
      tpu.yield
    }) : () -> ()
    %get3A = arith.constant 0 : index
    %get3A_3 = tpu.vector_load %arg18[%get3A] {strides = array<i32>} : memref<64xf32, #tpu.memory_space<vmem>>, vector<16xf32>,
    %get3A_4 = arith.constant 16 : index
    %get3A_5 = tpu.vector_load %arg18[%get3A_4] {strides = array<i32>} : memref<64xf32, #tpu.memory_space<vmem>>, vector<16xf32>,
    %get3A_6 = arith.constant 32 : index
    %get3A_7 = tpu.vector_load %arg18[%get3A_6] {strides = array<i32>} : memref<64xf32, #tpu.memory_space<vmem>>, vector<16xf32>,
    %get3A_8 = arith.constant 48 : index
    %get3A_9 = tpu.vector_load %arg18[%get3A_8] {strides = array<i32>} : memref<64xf32, #tpu.memory_space<vmem>>, vector<16xf32>,
    %get3A_10 = arith.constant 0 : index
    %get3A_11 = tpu.vector_load %arg19[%get3A_10] {strides = array<i32>} : memref<64xf32, #tpu.memory_space<vmem>>, vector<16xf32>,
    %get3A_12 = arith.constant 16 : index
    %get3A_13 = tpu.vector_load %arg19[%get3A_12] {strides = array<i32>} : memref<64xf32, #tpu.memory_space<vmem>>, vector<16xf32>,
    %get3A_14 = arith.constant 32 : index
    %get3A_15 = tpu.vector_load %arg19[%get3A_14] {strides = array<i32>} : memref<64xf32, #tpu.memory_space<vmem>>, vector<16xf32>,
    %get3A_16 = arith.constant 48 : index
    %get3A_17 = tpu.vector_load %arg19[%get3A_16] {strides = array<i32>} : memref<64xf32, #tpu.memory_space<vmem>>, vector<16xf32>,
    %iota3A = tpu.iota {dimensions = array<i32: 0>} : vector<16xi32>
    %add3A_18 = arith.constant 0 : i32
    %add3A_19 = vector.broadcast %add3A_18 : i32 to vector<16xi32>
    %add3A_20 = arith.addi %iota3A, %add3A_19 : vector<16xi32>
    %shift_right_arithmetic3A = arith.constant 3 : i32
    %shift_right_arithmetic3A_21 = vector.broadcast %shift_right_arithmetic3A : i32 to vector<16xi32>
    %shift_right_arithmetic3A_22 = arith.shrsi %add3A_20, %shift_right_arithmetic3A_21 : vector<16xi32>
    %add3A_23 = arith.constant 16 : i32
    %add3A_24 = vector.broadcast %add3A_23 : i32 to vector<16xi32>
    %add3A_25 = arith.addi %iota3A, %add3A_24 : vector<16xi32>
    %shift_right_arithmetic3A_26 = arith.constant 3 : i32
    %shift_right_arithmetic3A_27 = vector.broadcast %shift_right_arithmetic3A_26 : i32 to vector<16xi32>
    %shift_right_arithmetic3A_28 = arith.shrsi %add3A_25, %shift_right_arithmetic3A_27 : vector<16xi32>
    %add3A_29 = arith.constant 32 : i32
    %add3A_30 = vector.broadcast %add3A_29 : i32 to vector<16xi32>
    %add3A_31 = arith.addi %iota3A, %add3A_30 : vector<16xi32>
    %shift_right_arithmetic3A_32 = arith.constant 3 : i32
    %shift_right_arithmetic3A_33 = vector.broadcast %shift_right_arithmetic3A_32 : i32 to vector<16xi32>
    %shift_right_arithmetic3A_34 = arith.shrsi %add3A_31, %shift_right_arithmetic3A_33 : vector<16xi32>
    %add3A_35 = arith.constant 48 : i32
    %add3A_36 = vector.broadcast %add3A_35 : i32 to vector<16xi32>
    %add3A_37 = arith.addi %iota3A, %add3A_36 : vector<16xi32>
    %shift_right_arithmetic3A_38 = arith.constant 3 : i32
    %shift_right_arithmetic3A_39 = vector.broadcast %shift_right_arithmetic3A_38 : i32 to vector<16xi32>
    %shift_right_arithmetic3A_40 = arith.shrsi %add3A_37, %shift_right_arithmetic3A_39 : vector<16xi32>
    %add3A_41 = arith.constant 0 : i32
    %add3A_42 = vector.broadcast %add3A_41 : i32 to vector<16xi32>
    %add3A_43 = arith.addi %iota3A, %add3A_42 : vector<16xi32>
    %and3A = arith.constant 7 : i32
    %and3A_44 = vector.broadcast %and3A : i32 to vector<16xi32>
    %and3A_45 = arith.andi %add3A_43, %and3A_44 : vector<16xi32>
    %add3A_46 = arith.constant 16 : i32
    %add3A_47 = vector.broadcast %add3A_46 : i32 to vector<16xi32>
    %add3A_48 = arith.addi %iota3A, %add3A_47 : vector<16xi32>
    %and3A_49 = arith.constant 7 : i32
    %and3A_50 = vector.broadcast %and3A_49 : i32 to vector<16xi32>
    %and3A_51 = arith.andi %add3A_48, %and3A_50 : vector<16xi32>
    %add3A_52 = arith.constant 32 : i32
    %add3A_53 = vector.broadcast %add3A_52 : i32 to vector<16xi32>
    %add3A_54 = arith.addi %iota3A, %add3A_53 : vector<16xi32>
    %and3A_55 = arith.constant 7 : i32
    %and3A_56 = vector.broadcast %and3A_55 : i32 to vector<16xi32>
    %and3A_57 = arith.andi %add3A_54, %and3A_56 : vector<16xi32>
    %add3A_58 = arith.constant 48 : i32
    %add3A_59 = vector.broadcast %add3A_58 : i32 to vector<16xi32>
    %add3A_60 = arith.addi %iota3A, %add3A_59 : vector<16xi32>
    %and3A_61 = arith.constant 7 : i32
    %and3A_62 = vector.broadcast %and3A_61 : i32 to vector<16xi32>
    %and3A_63 = arith.andi %add3A_60, %and3A_62 : vector<16xi32>
    %and3A_64 = arith.constant 0 : i32
    %and3A_65 = vector.broadcast %and3A_64 : i32 to vector<16xi32>
    %and3A_66 = arith.andi %iota3A, %and3A_65 : vector<16xi32>
    %dma_start3A = arith.constant 0 : i32
    %dma_start3A_67 = arith.constant 0 : i32
    %dma_start3A_68 = tpu.memref_slice %arg8[%dma_start3A, %dma_start3A_67] : memref<200x128xi32, #tpu.memory_space<vmem>> -> memref<1x128xi32, #tpu.memory_space<vmem>>
    %dma_start3A_69 = tpu.memref_squeeze %dma_start3A_68 : memref<1x128xi32, #tpu.memory_space<vmem>> -> memref<128xi32, #tpu.memory_space<vmem>>
    %dma_start3A_70 = arith.constant 0 : i32
    %dma_start3A_71 = arith.constant 0 : i32
    %dma_start3A_72 = tpu.memref_slice %arg3[%dma_start3A_70, %dma_start3A_71] : memref<2000000x64xf32, #tpu.memory_space<hbm>> -> memref<2000000x64xf32, #tpu.memory_space<hbm>>
    tpu.enqueue_indirect_dma source(%dma_start3A_72 : memref<2000000x64xf32, #tpu.memory_space<hbm>>) target(%arg9 : memref<128x64xf32, #tpu.memory_space<vmem>>) offsets(%dma_start3A_69 : memref<128xi32, #tpu.memory_space<vmem>>) semaphore(%arg20 : memref<!tpu.dma_semaphore, #tpu.memory_space<semaphore_mem>>)
    %dma_start3A_73 = arith.constant 1 : i32
    %dma_start3A_74 = arith.constant 0 : i32
    %dma_start3A_75 = tpu.memref_slice %arg8[%dma_start3A_73, %dma_start3A_74] : memref<200x128xi32, #tpu.memory_space<vmem>> -> memref<1x128xi32, #tpu.memory_space<vmem>>
    %dma_start3A_76 = tpu.memref_squeeze %dma_start3A_75 : memref<1x128xi32, #tpu.memory_space<vmem>> -> memref<128xi32, #tpu.memory_space<vmem>>
    %dma_start3A_77 = arith.constant 0 : i32
    %dma_start3A_78 = arith.constant 0 : i32
    %dma_start3A_79 = tpu.memref_slice %arg3[%dma_start3A_77, %dma_start3A_78] : memref<2000000x64xf32, #tpu.memory_space<hbm>> -> memref<2000000x64xf32, #tpu.memory_space<hbm>>
    tpu.enqueue_indirect_dma source(%dma_start3A_79 : memref<2000000x64xf32, #tpu.memory_space<hbm>>) target(%arg10 : memref<128x64xf32, #tpu.memory_space<vmem>>) offsets(%dma_start3A_76 : memref<128xi32, #tpu.memory_space<vmem>>) semaphore(%arg21 : memref<!tpu.dma_semaphore, #tpu.memory_space<semaphore_mem>>)
    %dma_start3A_80 = arith.constant 2 : i32
    %dma_start3A_81 = arith.constant 0 : i32
    %dma_start3A_82 = tpu.memref_slice %arg8[%dma_start3A_80, %dma_start3A_81] : memref<200x128xi32, #tpu.memory_space<vmem>> -> memref<1x128xi32, #tpu.memory_space<vmem>>
    %dma_start3A_83 = tpu.memref_squeeze %dma_start3A_82 : memref<1x128xi32, #tpu.memory_space<vmem>> -> memref<128xi32, #tpu.memory_space<vmem>>
    %dma_start3A_84 = arith.constant 0 : i32
    %dma_start3A_85 = arith.constant 0 : i32
    %dma_start3A_86 = tpu.memref_slice %arg3[%dma_start3A_84, %dma_start3A_85] : memref<2000000x64xf32, #tpu.memory_space<hbm>> -> memref<2000000x64xf32, #tpu.memory_space<hbm>>
    tpu.enqueue_indirect_dma source(%dma_start3A_86 : memref<2000000x64xf32, #tpu.memory_space<hbm>>) target(%arg11 : memref<128x64xf32, #tpu.memory_space<vmem>>) offsets(%dma_start3A_83 : memref<128xi32, #tpu.memory_space<vmem>>) semaphore(%arg22 : memref<!tpu.dma_semaphore, #tpu.memory_space<semaphore_mem>>)
    %scan3A = arith.constant 0 : i32
    %scan3A_87 = arith.constant 0 : i32
    %scan3A_88 = arith.constant 50 : i32
    %scan3A_89 = arith.addi %scan3A_87, %scan3A_88 : i32
    %scan3A_90 = arith.constant 1 : i32
    scf.for %scan3A_346 = %scan3A_87 to %scan3A_89 step %scan3A_90  : i32 {
      %mul3A_347 = arith.constant 4 : i32
      %mul3A_348 = arith.muli %scan3A_346, %mul3A_347 : i32
      %add3A_349 = arith.constant 0 : i32
      %add3A_350 = arith.addi %mul3A_348, %add3A_349 : i32
      %add3A_351 = arith.constant 3 : i32
      %add3A_352 = arith.addi %add3A_350, %add3A_351 : i32
      %lt3A_353 = arith.constant 200 : i32
      %lt3A_354 = arith.cmpi slt, %add3A_352, %lt3A_353 : i32
      %convert_element_type3A = arith.extui %lt3A_354 : i1 to i32
      %cond3A = arith.constant 0 : i32
      %cond3A_355 = arith.cmpi ne, %convert_element_type3A, %cond3A : i32
      scf.if %cond3A_355 {
        %add3A_835 = arith.constant 3 : i32
        %add3A_836 = arith.addi %add3A_350, %add3A_835 : i32
        %dma_start3A_837 = arith.constant 0 : i32
        %dma_start3A_838 = tpu.memref_slice %arg8[%add3A_836, %dma_start3A_837] : memref<200x128xi32, #tpu.memory_space<vmem>> -> memref<1x128xi32, #tpu.memory_space<vmem>>
        %dma_start3A_839 = tpu.memref_squeeze %dma_start3A_838 : memref<1x128xi32, #tpu.memory_space<vmem>> -> memref<128xi32, #tpu.memory_space<vmem>>
        %dma_start3A_840 = arith.constant 0 : i32
        %dma_start3A_841 = arith.constant 0 : i32
        %dma_start3A_842 = tpu.memref_slice %arg3[%dma_start3A_840, %dma_start3A_841] : memref<2000000x64xf32, #tpu.memory_space<hbm>> -> memref<2000000x64xf32, #tpu.memory_space<hbm>>
        tpu.enqueue_indirect_dma source(%dma_start3A_842 : memref<2000000x64xf32, #tpu.memory_space<hbm>>) target(%arg12 : memref<128x64xf32, #tpu.memory_space<vmem>>) offsets(%dma_start3A_839 : memref<128xi32, #tpu.memory_space<vmem>>) semaphore(%arg23 : memref<!tpu.dma_semaphore, #tpu.memory_space<semaphore_mem>>)
      } else {
      }
      %dma_wait3A_356 = arith.constant 0 : i32
      %dma_wait3A_357 = tpu.memref_slice %arg8[%add3A_350, %dma_wait3A_356] : memref<200x128xi32, #tpu.memory_space<vmem>> -> memref<1x128xi32, #tpu.memory_space<vmem>>
      %dma_wait3A_358 = tpu.memref_squeeze %dma_wait3A_357 : memref<1x128xi32, #tpu.memory_space<vmem>> -> memref<128xi32, #tpu.memory_space<vmem>>
      %dma_wait3A_359 = arith.constant 0 : i32
      %dma_wait3A_360 = arith.constant 0 : i32
      %dma_wait3A_361 = tpu.memref_slice %arg3[%dma_wait3A_359, %dma_wait3A_360] : memref<2000000x64xf32, #tpu.memory_space<hbm>> -> memref<2000000x64xf32, #tpu.memory_space<hbm>>
      tpu.wait_indirect_dma semaphore(%arg20 : memref<!tpu.dma_semaphore, #tpu.memory_space<semaphore_mem>>) src(%dma_wait3A_361 : memref<2000000x64xf32, #tpu.memory_space<hbm>>) dst(%arg9 : memref<128x64xf32, #tpu.memory_space<vmem>>)
      %ge3A = arith.constant 4 : i32
      %ge3A_362 = arith.cmpi sge, %add3A_350, %ge3A : i32
      %convert_element_type3A_363 = arith.extui %ge3A_362 : i1 to i32
      %cond3A_364 = arith.constant 0 : i32
      %cond3A_365 = arith.cmpi ne, %convert_element_type3A_363, %cond3A_364 : i32
      scf.if %cond3A_365 {
        %add3A_835 = arith.addi %mul3A_2, %add3A_350 : i32
        %sub3A_836 = arith.constant 4 : i32
        %sub3A_837 = arith.subi %add3A_835, %sub3A_836 : i32
        %jit3A_838 = arith.constant 32 : i32
        %div3A_839 = arith.divsi %sub3A_837, %jit3A_838 : i32
        %sign3A_840 = arith.constant 0 : i32
        %sign3A_841 = arith.cmpi sgt, %sub3A_837, %sign3A_840 : i32
        %sign3A_842 = arith.extui %sign3A_841 : i1 to i32
        %sign3A_843 = arith.constant 0 : i32
        %sign3A_844 = arith.cmpi slt, %sub3A_837, %sign3A_843 : i32
        %sign3A_845 = arith.extui %sign3A_844 : i1 to i32
        %sign3A_846 = arith.subi %sign3A_842, %sign3A_845 : i32
        %sign3A_847 = arith.constant 0 : i32
        %sign3A_848 = arith.cmpi sgt, %jit3A_838, %sign3A_847 : i32
        %sign3A_849 = arith.extui %sign3A_848 : i1 to i32
        %sign3A_850 = arith.constant 0 : i32
        %sign3A_851 = arith.cmpi slt, %jit3A_838, %sign3A_850 : i32
        %sign3A_852 = arith.extui %sign3A_851 : i1 to i32
        %sign3A_853 = arith.subi %sign3A_849, %sign3A_852 : i32
        %ne3A_854 = arith.cmpi ne, %sign3A_846, %sign3A_853 : i32
        %rem3A_855 = arith.remsi %sub3A_837, %jit3A_838 : i32
        %ne3A_856 = arith.constant 0 : i32
        %ne3A_857 = arith.cmpi ne, %rem3A_855, %ne3A_856 : i32
        %and3A_858 = arith.andi %ne3A_854, %ne3A_857 : i1
        %sub3A_859 = arith.constant 1 : i32
        %sub3A_860 = arith.subi %div3A_839, %sub3A_859 : i32
        %select_n3A_861 = arith.select %and3A_858, %sub3A_860, %div3A_839 : i32
        %jit3A_862 = arith.constant 32 : i32
        %eq3A_863 = arith.constant 0 : i32
        %eq3A_864 = arith.cmpi eq, %jit3A_862, %eq3A_863 : i32
        %jit3A_865 = arith.constant 1 : i32
        %select_n3A_866 = arith.select %eq3A_864, %jit3A_865, %jit3A_862 : i32
        %rem3A_867 = arith.remsi %sub3A_837, %select_n3A_866 : i32
        %ne3A_868 = arith.constant 0 : i32
        %ne3A_869 = arith.cmpi ne, %rem3A_867, %ne3A_868 : i32
        %lt3A_870 = arith.constant 0 : i32
        %lt3A_871 = arith.cmpi slt, %rem3A_867, %lt3A_870 : i32
        %lt3A_872 = arith.constant 0 : i32
        %lt3A_873 = arith.cmpi slt, %select_n3A_866, %lt3A_872 : i32
        %ne3A_874 = arith.xori %lt3A_871, %lt3A_873 : i1
        %and3A_875 = arith.andi %ne3A_874, %ne3A_869 : i1
        %add3A_876 = arith.addi %rem3A_867, %select_n3A_866 : i32
        %select_n3A_877 = arith.select %and3A_875, %add3A_876, %rem3A_867 : i32
        %dma_wait3A_878 = arith.constant 0 : i32
        %dma_wait3A_879 = arith.constant 0 : i32
        %dma_wait3A_880 = arith.constant 0 : i32
        %dma_wait3A_881 = arith.constant 0 : i32
        %dma_wait3A_882 = tpu.memref_slice %arg13[%dma_wait3A_878, %dma_wait3A_879, %dma_wait3A_880, %dma_wait3A_881] : memref<8x1x8x129xf32, #tpu.memory_space<vmem>> -> memref<8x1x8x128xf32, #tpu.memory_space<vmem>>
        %dma_wait3A_883 = arith.constant 0 : i32
        %dma_wait3A_884 = arith.constant 0 : i32
        %dma_wait3A_885 = arith.constant 0 : i32
        %dma_wait3A_886 = tpu.memref_slice %arg7[%select_n3A_861, %dma_wait3A_883, %select_n3A_877, %dma_wait3A_884, %dma_wait3A_885] : memref<200x8x32x8x128xf32, #tpu.memory_space<hbm>> -> memref<1x8x1x8x128xf32, #tpu.memory_space<hbm>>
        %dma_wait3A_887 = tpu.memref_squeeze %dma_wait3A_886 : memref<1x8x1x8x128xf32, #tpu.memory_space<hbm>> -> memref<8x1x8x128xf32, #tpu.memory_space<hbm>>
        %dma_wait3A_888 = arith.constant 0 : i32
        %dma_wait3A_889 = arith.constant 0 : i32
        %dma_wait3A_890 = arith.constant 0 : i32
        %dma_wait3A_891 = tpu.memref_slice %arg7[%select_n3A_861, %dma_wait3A_888, %select_n3A_877, %dma_wait3A_889, %dma_wait3A_890] : memref<200x8x32x8x128xf32, #tpu.memory_space<hbm>> -> memref<1x8x1x8x128xf32, #tpu.memory_space<hbm>>
        %dma_wait3A_892 = tpu.memref_squeeze %dma_wait3A_891 : memref<1x8x1x8x128xf32, #tpu.memory_space<hbm>> -> memref<8x1x8x128xf32, #tpu.memory_space<hbm>>
        %dma_wait3A_893 = arith.constant 0 : i32
        %dma_wait3A_894 = arith.constant 0 : i32
        %dma_wait3A_895 = arith.constant 0 : i32
        %dma_wait3A_896 = arith.constant 0 : i32
        %dma_wait3A_897 = tpu.memref_slice %arg13[%dma_wait3A_893, %dma_wait3A_894, %dma_wait3A_895, %dma_wait3A_896] : memref<8x1x8x129xf32, #tpu.memory_space<vmem>> -> memref<8x1x8x128xf32, #tpu.memory_space<vmem>>
        tpu.wait_dma2 semaphore(%arg24 : memref<!tpu.dma_semaphore, #tpu.memory_space<semaphore_mem>>) src(%dma_wait3A_897 : memref<8x1x8x128xf32, #tpu.memory_space<vmem>>) dst(%dma_wait3A_892 : memref<8x1x8x128xf32, #tpu.memory_space<hbm>>)
      } else {
      }
      %add3A_366 = arith.addi %mul3A_2, %add3A_350 : i32
      %jit3A_367 = arith.constant 32 : i32
      %div3A_368 = arith.divsi %add3A_366, %jit3A_367 : i32
      %sign3A_369 = arith.constant 0 : i32
      %sign3A_370 = arith.cmpi sgt, %add3A_366, %sign3A_369 : i32
      %sign3A_371 = arith.extui %sign3A_370 : i1 to i32
      %sign3A_372 = arith.constant 0 : i32
      %sign3A_373 = arith.cmpi slt, %add3A_366, %sign3A_372 : i32
      %sign3A_374 = arith.extui %sign3A_373 : i1 to i32
      %sign3A_375 = arith.subi %sign3A_371, %sign3A_374 : i32
      %sign3A_376 = arith.constant 0 : i32
      %sign3A_377 = arith.cmpi sgt, %jit3A_367, %sign3A_376 : i32
      %sign3A_378 = arith.extui %sign3A_377 : i1 to i32
      %sign3A_379 = arith.constant 0 : i32
      %sign3A_380 = arith.cmpi slt, %jit3A_367, %sign3A_379 : i32
      %sign3A_381 = arith.extui %sign3A_380 : i1 to i32
      %sign3A_382 = arith.subi %sign3A_378, %sign3A_381 : i32
      %ne3A_383 = arith.cmpi ne, %sign3A_375, %sign3A_382 : i32
      %rem3A_384 = arith.remsi %add3A_366, %jit3A_367 : i32
      %ne3A_385 = arith.constant 0 : i32
      %ne3A_386 = arith.cmpi ne, %rem3A_384, %ne3A_385 : i32
      %and3A_387 = arith.andi %ne3A_383, %ne3A_386 : i1
      %sub3A_388 = arith.constant 1 : i32
      %sub3A_389 = arith.subi %div3A_368, %sub3A_388 : i32
      %select_n3A_390 = arith.select %and3A_387, %sub3A_389, %div3A_368 : i32
      %get3A_391 = arith.index_cast %select_n3A_390 : i32 to index
      %get3A_392 = arith.constant 0 : index
      %get3A_393 = tpu.vector_load %arg17[%get3A_391, %get3A_392] {strides = array<i32>} : memref<200x64xf32, #tpu.memory_space<vmem>>, vector<16xf32>,
      %get3A_394 = arith.index_cast %select_n3A_390 : i32 to index
      %get3A_395 = arith.constant 16 : index
      %get3A_396 = tpu.vector_load %arg17[%get3A_394, %get3A_395] {strides = array<i32>} : memref<200x64xf32, #tpu.memory_space<vmem>>, vector<16xf32>,
      %get3A_397 = arith.index_cast %select_n3A_390 : i32 to index
      %get3A_398 = arith.constant 32 : index
      %get3A_399 = tpu.vector_load %arg17[%get3A_397, %get3A_398] {strides = array<i32>} : memref<200x64xf32, #tpu.memory_space<vmem>>, vector<16xf32>,
      %get3A_400 = arith.index_cast %select_n3A_390 : i32 to index
      %get3A_401 = arith.constant 48 : index
      %get3A_402 = tpu.vector_load %arg17[%get3A_400, %get3A_401] {strides = array<i32>} : memref<200x64xf32, #tpu.memory_space<vmem>>, vector<16xf32>,
      %parallel_loop3A = arith.constant 0 : i32
      %parallel_loop3A_403 = arith.constant 128 : i32
      %parallel_loop3A_404 = arith.constant 1 : i32
      scf.for %parallel_loop3A_835 = %parallel_loop3A to %parallel_loop3A_403 step %parallel_loop3A_404  : i32 {
        %parallel_loop3A_836 = arith.index_cast %parallel_loop3A_835 : i32 to index
        %parallel_loop3A_837 = arith.constant 0 : index
        %parallel_loop3A_838 = tpu.vector_load %arg9[%parallel_loop3A_836, %parallel_loop3A_837] {strides = array<i32>} : memref<128x64xf32, #tpu.memory_space<vmem>>, vector<16xf32>,
        %parallel_loop3A_839 = arith.addf %parallel_loop3A_838, %get3A_393 : vector<16xf32>
        %parallel_loop3A_840 = arith.index_cast %parallel_loop3A_835 : i32 to index
        %parallel_loop3A_841 = arith.constant 16 : index
        %parallel_loop3A_842 = tpu.vector_load %arg9[%parallel_loop3A_840, %parallel_loop3A_841] {strides = array<i32>} : memref<128x64xf32, #tpu.memory_space<vmem>>, vector<16xf32>,
        %parallel_loop3A_843 = arith.addf %parallel_loop3A_842, %get3A_396 : vector<16xf32>
        %parallel_loop3A_844 = arith.index_cast %parallel_loop3A_835 : i32 to index
        %parallel_loop3A_845 = arith.constant 32 : index
        %parallel_loop3A_846 = tpu.vector_load %arg9[%parallel_loop3A_844, %parallel_loop3A_845] {strides = array<i32>} : memref<128x64xf32, #tpu.memory_space<vmem>>, vector<16xf32>,
        %parallel_loop3A_847 = arith.addf %parallel_loop3A_846, %get3A_399 : vector<16xf32>
        %parallel_loop3A_848 = arith.index_cast %parallel_loop3A_835 : i32 to index
        %parallel_loop3A_849 = arith.constant 48 : index
        %parallel_loop3A_850 = tpu.vector_load %arg9[%parallel_loop3A_848, %parallel_loop3A_849] {strides = array<i32>} : memref<128x64xf32, #tpu.memory_space<vmem>>, vector<16xf32>,
        %parallel_loop3A_851 = arith.addf %parallel_loop3A_850, %get3A_402 : vector<16xf32>
        %parallel_loop3A_852 = arith.addf %parallel_loop3A_839, %parallel_loop3A_843 : vector<16xf32>
        %parallel_loop3A_853 = arith.addf %parallel_loop3A_847, %parallel_loop3A_851 : vector<16xf32>
        %parallel_loop3A_854 = arith.addf %parallel_loop3A_852, %parallel_loop3A_853 : vector<16xf32>
        %parallel_loop3A_855 = arith.mulf %parallel_loop3A_839, %parallel_loop3A_839 : vector<16xf32>
        %parallel_loop3A_856 = arith.mulf %parallel_loop3A_843, %parallel_loop3A_843 : vector<16xf32>
        %parallel_loop3A_857 = arith.addf %parallel_loop3A_855, %parallel_loop3A_856 : vector<16xf32>
        %parallel_loop3A_858 = arith.mulf %parallel_loop3A_847, %parallel_loop3A_847 : vector<16xf32>
        %parallel_loop3A_859 = arith.mulf %parallel_loop3A_851, %parallel_loop3A_851 : vector<16xf32>
        %parallel_loop3A_860 = arith.addf %parallel_loop3A_858, %parallel_loop3A_859 : vector<16xf32>
        %parallel_loop3A_861 = arith.addf %parallel_loop3A_857, %parallel_loop3A_860 : vector<16xf32>
        %parallel_loop3A_862 = arith.constant true
        %parallel_loop3A_863 = vector.broadcast %parallel_loop3A_862 : i1 to vector<16xi1>
        %parallel_loop3A_864 = tpu.scan <sum>, %parallel_loop3A_854 masked %parallel_loop3A_863 : vector<16xf32>, vector<16xi1> -> vector<16xf32>
        %parallel_loop3A_865 = tpu.iota {dimensions = array<i32: 0>} : vector<16xi32>
        %parallel_loop3A_866 = arith.constant 15 : i32
        %parallel_loop3A_867 = vector.broadcast %parallel_loop3A_866 : i32 to vector<16xi32>
        %parallel_loop3A_868 = arith.ori %parallel_loop3A_865, %parallel_loop3A_867 : vector<16xi32>
        %parallel_loop3A_869 = arith.constant 0 : i32
        %parallel_loop3A_870 = vector.broadcast %parallel_loop3A_869 : i32 to vector<16xi32>
        %parallel_loop3A_871 = arith.cmpi slt, %parallel_loop3A_868, %parallel_loop3A_870 : vector<16xi32>
        %parallel_loop3A_872 = arith.constant 16 : i32
        %parallel_loop3A_873 = vector.broadcast %parallel_loop3A_872 : i32 to vector<16xi32>
        %parallel_loop3A_874 = arith.addi %parallel_loop3A_868, %parallel_loop3A_873 : vector<16xi32>
        %parallel_loop3A_875 = arith.select %parallel_loop3A_871, %parallel_loop3A_874, %parallel_loop3A_868 : vector<16xi1>, vector<16xi32>
        %parallel_loop3A_876 = vector.shape_cast %parallel_loop3A_875 : vector<16xi32> to vector<16x1xi32>
        %parallel_loop3A_877 = vector.shape_cast %parallel_loop3A_876 : vector<16x1xi32> to vector<16xi32>
        %parallel_loop3A_878 = tpu.dynamic_gather %parallel_loop3A_864[%parallel_loop3A_877] in [0] : vector<16xf32>, vector<16xi32> -> vector<16xf32>
        %parallel_loop3A_879 = arith.constant 1.562500e-02 : f32
        %parallel_loop3A_880 = vector.broadcast %parallel_loop3A_879 : f32 to vector<16xf32>
        %parallel_loop3A_881 = arith.mulf %parallel_loop3A_878, %parallel_loop3A_880 : vector<16xf32>
        %parallel_loop3A_882 = arith.constant true
        %parallel_loop3A_883 = vector.broadcast %parallel_loop3A_882 : i1 to vector<16xi1>
        %parallel_loop3A_884 = tpu.scan <sum>, %parallel_loop3A_861 masked %parallel_loop3A_883 : vector<16xf32>, vector<16xi1> -> vector<16xf32>
        %parallel_loop3A_885 = tpu.iota {dimensions = array<i32: 0>} : vector<16xi32>
        %parallel_loop3A_886 = arith.constant 15 : i32
        %parallel_loop3A_887 = vector.broadcast %parallel_loop3A_886 : i32 to vector<16xi32>
        %parallel_loop3A_888 = arith.ori %parallel_loop3A_885, %parallel_loop3A_887 : vector<16xi32>
        %parallel_loop3A_889 = arith.constant 0 : i32
        %parallel_loop3A_890 = vector.broadcast %parallel_loop3A_889 : i32 to vector<16xi32>
        %parallel_loop3A_891 = arith.cmpi slt, %parallel_loop3A_888, %parallel_loop3A_890 : vector<16xi32>
        %parallel_loop3A_892 = arith.constant 16 : i32
        %parallel_loop3A_893 = vector.broadcast %parallel_loop3A_892 : i32 to vector<16xi32>
        %parallel_loop3A_894 = arith.addi %parallel_loop3A_888, %parallel_loop3A_893 : vector<16xi32>
        %parallel_loop3A_895 = arith.select %parallel_loop3A_891, %parallel_loop3A_894, %parallel_loop3A_888 : vector<16xi1>, vector<16xi32>
        %parallel_loop3A_896 = vector.shape_cast %parallel_loop3A_895 : vector<16xi32> to vector<16x1xi32>
        %parallel_loop3A_897 = vector.shape_cast %parallel_loop3A_896 : vector<16x1xi32> to vector<16xi32>
        %parallel_loop3A_898 = tpu.dynamic_gather %parallel_loop3A_884[%parallel_loop3A_897] in [0] : vector<16xf32>, vector<16xi32> -> vector<16xf32>
        %parallel_loop3A_899 = arith.constant 1.562500e-02 : f32
        %parallel_loop3A_900 = vector.broadcast %parallel_loop3A_899 : f32 to vector<16xf32>
        %parallel_loop3A_901 = arith.mulf %parallel_loop3A_898, %parallel_loop3A_900 : vector<16xf32>
        %parallel_loop3A_902 = arith.mulf %parallel_loop3A_881, %parallel_loop3A_881 : vector<16xf32>
        %parallel_loop3A_903 = arith.subf %parallel_loop3A_901, %parallel_loop3A_902 : vector<16xf32>
        %parallel_loop3A_904 = arith.constant 9.99999996E-13 : f32
        %parallel_loop3A_905 = vector.broadcast %parallel_loop3A_904 : f32 to vector<16xf32>
        %parallel_loop3A_906 = arith.addf %parallel_loop3A_903, %parallel_loop3A_905 : vector<16xf32>
        %parallel_loop3A_907 = tpu.bitcast %parallel_loop3A_906 : vector<16xf32> -> vector<16xi32>
        %parallel_loop3A_908 = arith.constant 1 : i32
        %parallel_loop3A_909 = vector.broadcast %parallel_loop3A_908 : i32 to vector<16xi32>
        %parallel_loop3A_910 = arith.shrsi %parallel_loop3A_907, %parallel_loop3A_909 : vector<16xi32>
        %parallel_loop3A_911 = arith.constant 1597463007 : i32
        %parallel_loop3A_912 = vector.broadcast %parallel_loop3A_911 : i32 to vector<16xi32>
        %parallel_loop3A_913 = arith.subi %parallel_loop3A_912, %parallel_loop3A_910 : vector<16xi32>
        %parallel_loop3A_914 = tpu.bitcast %parallel_loop3A_913 : vector<16xi32> -> vector<16xf32>
        %parallel_loop3A_915 = arith.constant 5.000000e-01 : f32
        %parallel_loop3A_916 = vector.broadcast %parallel_loop3A_915 : f32 to vector<16xf32>
        %parallel_loop3A_917 = arith.mulf %parallel_loop3A_916, %parallel_loop3A_906 : vector<16xf32>
        %parallel_loop3A_918 = arith.mulf %parallel_loop3A_917, %parallel_loop3A_914 : vector<16xf32>
        %parallel_loop3A_919 = arith.mulf %parallel_loop3A_918, %parallel_loop3A_914 : vector<16xf32>
        %parallel_loop3A_920 = arith.constant 1.500000e+00 : f32
        %parallel_loop3A_921 = vector.broadcast %parallel_loop3A_920 : f32 to vector<16xf32>
        %parallel_loop3A_922 = arith.subf %parallel_loop3A_921, %parallel_loop3A_919 : vector<16xf32>
        %parallel_loop3A_923 = arith.mulf %parallel_loop3A_914, %parallel_loop3A_922 : vector<16xf32>
        %parallel_loop3A_924 = arith.constant 5.000000e-01 : f32
        %parallel_loop3A_925 = vector.broadcast %parallel_loop3A_924 : f32 to vector<16xf32>
        %parallel_loop3A_926 = arith.mulf %parallel_loop3A_925, %parallel_loop3A_906 : vector<16xf32>
        %parallel_loop3A_927 = arith.mulf %parallel_loop3A_926, %parallel_loop3A_923 : vector<16xf32>
        %parallel_loop3A_928 = arith.mulf %parallel_loop3A_927, %parallel_loop3A_923 : vector<16xf32>
        %parallel_loop3A_929 = arith.constant 1.500000e+00 : f32
        %parallel_loop3A_930 = vector.broadcast %parallel_loop3A_929 : f32 to vector<16xf32>
        %parallel_loop3A_931 = arith.subf %parallel_loop3A_930, %parallel_loop3A_928 : vector<16xf32>
        %parallel_loop3A_932 = arith.mulf %parallel_loop3A_923, %parallel_loop3A_931 : vector<16xf32>
        %parallel_loop3A_933 = vector.broadcast %parallel_loop3A_835 : i32 to vector<16xi32>
        %parallel_loop3A_934 = arith.subf %parallel_loop3A_839, %parallel_loop3A_881 : vector<16xf32>
        %parallel_loop3A_935 = arith.mulf %parallel_loop3A_934, %parallel_loop3A_932 : vector<16xf32>
        %parallel_loop3A_936 = arith.mulf %parallel_loop3A_935, %get3A_3 : vector<16xf32>
        %parallel_loop3A_937 = arith.addf %parallel_loop3A_936, %get3A_11 : vector<16xf32>
        tpu.vector_store_idx %arg13[%shift_right_arithmetic3A_22, %and3A_66, %and3A_45, %parallel_loop3A_933], %parallel_loop3A_937 : memref<8x1x8x129xf32, #tpu.memory_space<vmem>>[vector<16xi32>, vector<16xi32>, vector<16xi32>, vector<16xi32>], vector<16xf32>,
        %parallel_loop3A_938 = arith.subf %parallel_loop3A_843, %parallel_loop3A_881 : vector<16xf32>
        %parallel_loop3A_939 = arith.mulf %parallel_loop3A_938, %parallel_loop3A_932 : vector<16xf32>
        %parallel_loop3A_940 = arith.mulf %parallel_loop3A_939, %get3A_5 : vector<16xf32>
        %parallel_loop3A_941 = arith.addf %parallel_loop3A_940, %get3A_13 : vector<16xf32>
        tpu.vector_store_idx %arg13[%shift_right_arithmetic3A_28, %and3A_66, %and3A_51, %parallel_loop3A_933], %parallel_loop3A_941 : memref<8x1x8x129xf32, #tpu.memory_space<vmem>>[vector<16xi32>, vector<16xi32>, vector<16xi32>, vector<16xi32>], vector<16xf32>,
        %parallel_loop3A_942 = arith.subf %parallel_loop3A_847, %parallel_loop3A_881 : vector<16xf32>
        %parallel_loop3A_943 = arith.mulf %parallel_loop3A_942, %parallel_loop3A_932 : vector<16xf32>
        %parallel_loop3A_944 = arith.mulf %parallel_loop3A_943, %get3A_7 : vector<16xf32>
        %parallel_loop3A_945 = arith.addf %parallel_loop3A_944, %get3A_15 : vector<16xf32>
        tpu.vector_store_idx %arg13[%shift_right_arithmetic3A_34, %and3A_66, %and3A_57, %parallel_loop3A_933], %parallel_loop3A_945 : memref<8x1x8x129xf32, #tpu.memory_space<vmem>>[vector<16xi32>, vector<16xi32>, vector<16xi32>, vector<16xi32>], vector<16xf32>,
        %parallel_loop3A_946 = arith.subf %parallel_loop3A_851, %parallel_loop3A_881 : vector<16xf32>
        %parallel_loop3A_947 = arith.mulf %parallel_loop3A_946, %parallel_loop3A_932 : vector<16xf32>
        %parallel_loop3A_948 = arith.mulf %parallel_loop3A_947, %get3A_9 : vector<16xf32>
        %parallel_loop3A_949 = arith.addf %parallel_loop3A_948, %get3A_17 : vector<16xf32>
        tpu.vector_store_idx %arg13[%shift_right_arithmetic3A_40, %and3A_66, %and3A_63, %parallel_loop3A_933], %parallel_loop3A_949 : memref<8x1x8x129xf32, #tpu.memory_space<vmem>>[vector<16xi32>, vector<16xi32>, vector<16xi32>, vector<16xi32>], vector<16xf32>,
      } {sc.loop_unroll_factor = 2 : i64, sc.parallel_access}
      %add3A_405 = arith.addi %mul3A_2, %add3A_350 : i32
      %jit3A_406 = arith.constant 32 : i32
      %div3A_407 = arith.divsi %add3A_405, %jit3A_406 : i32
      %sign3A_408 = arith.constant 0 : i32
      %sign3A_409 = arith.cmpi sgt, %add3A_405, %sign3A_408 : i32
      %sign3A_410 = arith.extui %sign3A_409 : i1 to i32
      %sign3A_411 = arith.constant 0 : i32
      %sign3A_412 = arith.cmpi slt, %add3A_405, %sign3A_411 : i32
      %sign3A_413 = arith.extui %sign3A_412 : i1 to i32
      %sign3A_414 = arith.subi %sign3A_410, %sign3A_413 : i32
      %sign3A_415 = arith.constant 0 : i32
      %sign3A_416 = arith.cmpi sgt, %jit3A_406, %sign3A_415 : i32
      %sign3A_417 = arith.extui %sign3A_416 : i1 to i32
      %sign3A_418 = arith.constant 0 : i32
      %sign3A_419 = arith.cmpi slt, %jit3A_406, %sign3A_418 : i32
      %sign3A_420 = arith.extui %sign3A_419 : i1 to i32
      %sign3A_421 = arith.subi %sign3A_417, %sign3A_420 : i32
      %ne3A_422 = arith.cmpi ne, %sign3A_414, %sign3A_421 : i32
      %rem3A_423 = arith.remsi %add3A_405, %jit3A_406 : i32
      %ne3A_424 = arith.constant 0 : i32
      %ne3A_425 = arith.cmpi ne, %rem3A_423, %ne3A_424 : i32
      %and3A_426 = arith.andi %ne3A_422, %ne3A_425 : i1
      %sub3A_427 = arith.constant 1 : i32
      %sub3A_428 = arith.subi %div3A_407, %sub3A_427 : i32
      %select_n3A_429 = arith.select %and3A_426, %sub3A_428, %div3A_407 : i32
      %jit3A_430 = arith.constant 32 : i32
      %eq3A_431 = arith.constant 0 : i32
      %eq3A_432 = arith.cmpi eq, %jit3A_430, %eq3A_431 : i32
      %jit3A_433 = arith.constant 1 : i32
      %select_n3A_434 = arith.select %eq3A_432, %jit3A_433, %jit3A_430 : i32
      %rem3A_435 = arith.remsi %add3A_405, %select_n3A_434 : i32
      %ne3A_436 = arith.constant 0 : i32
      %ne3A_437 = arith.cmpi ne, %rem3A_435, %ne3A_436 : i32
      %lt3A_438 = arith.constant 0 : i32
      %lt3A_439 = arith.cmpi slt, %rem3A_435, %lt3A_438 : i32
      %lt3A_440 = arith.constant 0 : i32
      %lt3A_441 = arith.cmpi slt, %select_n3A_434, %lt3A_440 : i32
      %ne3A_442 = arith.xori %lt3A_439, %lt3A_441 : i1
      %and3A_443 = arith.andi %ne3A_442, %ne3A_437 : i1
      %add3A_444 = arith.addi %rem3A_435, %select_n3A_434 : i32
      %select_n3A_445 = arith.select %and3A_443, %add3A_444, %rem3A_435 : i32
      %dma_start3A_446 = arith.constant 0 : i32
      %dma_start3A_447 = arith.constant 0 : i32
      %dma_start3A_448 = arith.constant 0 : i32
      %dma_start3A_449 = arith.constant 0 : i32
      %dma_start3A_450 = tpu.memref_slice %arg13[%dma_start3A_446, %dma_start3A_447, %dma_start3A_448, %dma_start3A_449] : memref<8x1x8x129xf32, #tpu.memory_space<vmem>> -> memref<8x1x8x128xf32, #tpu.memory_space<vmem>>
      %dma_start3A_451 = arith.constant 0 : i32
      %dma_start3A_452 = arith.constant 0 : i32
      %dma_start3A_453 = arith.constant 0 : i32
      %dma_start3A_454 = tpu.memref_slice %arg7[%select_n3A_429, %dma_start3A_451, %select_n3A_445, %dma_start3A_452, %dma_start3A_453] : memref<200x8x32x8x128xf32, #tpu.memory_space<hbm>> -> memref<1x8x1x8x128xf32, #tpu.memory_space<hbm>>
      %dma_start3A_455 = tpu.memref_squeeze %dma_start3A_454 : memref<1x8x1x8x128xf32, #tpu.memory_space<hbm>> -> memref<8x1x8x128xf32, #tpu.memory_space<hbm>>
      %dma_start3A_456 = arith.constant 0 : i32
      %dma_start3A_457 = arith.constant 0 : i32
      %dma_start3A_458 = arith.constant 0 : i32
      %dma_start3A_459 = tpu.memref_slice %arg7[%select_n3A_429, %dma_start3A_456, %select_n3A_445, %dma_start3A_457, %dma_start3A_458] : memref<200x8x32x8x128xf32, #tpu.memory_space<hbm>> -> memref<1x8x1x8x128xf32, #tpu.memory_space<hbm>>
      %dma_start3A_460 = tpu.memref_squeeze %dma_start3A_459 : memref<1x8x1x8x128xf32, #tpu.memory_space<hbm>> -> memref<8x1x8x128xf32, #tpu.memory_space<hbm>>
      %dma_start3A_461 = arith.constant 0 : i32
      %dma_start3A_462 = arith.constant 0 : i32
      %dma_start3A_463 = arith.constant 0 : i32
      %dma_start3A_464 = arith.constant 0 : i32
      %dma_start3A_465 = tpu.memref_slice %arg13[%dma_start3A_461, %dma_start3A_462, %dma_start3A_463, %dma_start3A_464] : memref<8x1x8x129xf32, #tpu.memory_space<vmem>> -> memref<8x1x8x128xf32, #tpu.memory_space<vmem>>
      tpu.enqueue_dma source(%dma_start3A_465 : memref<8x1x8x128xf32, #tpu.memory_space<vmem>>) target(%dma_start3A_460 : memref<8x1x8x128xf32, #tpu.memory_space<hbm>>) target_semaphore(%arg24 : memref<!tpu.dma_semaphore, #tpu.memory_space<semaphore_mem>>)
      %mul3A_466 = arith.constant 4 : i32
      %mul3A_467 = arith.muli %scan3A_346, %mul3A_466 : i32
      %add3A_468 = arith.constant 1 : i32
      %add3A_469 = arith.addi %mul3A_467, %add3A_468 : i32
      %add3A_470 = arith.constant 3 : i32
      %add3A_471 = arith.addi %add3A_469, %add3A_470 : i32
      %lt3A_472 = arith.constant 200 : i32
      %lt3A_473 = arith.cmpi slt, %add3A_471, %lt3A_472 : i32
      %convert_element_type3A_474 = arith.extui %lt3A_473 : i1 to i32
      %cond3A_475 = arith.constant 0 : i32
      %cond3A_476 = arith.cmpi ne, %convert_element_type3A_474, %cond3A_475 : i32
      scf.if %cond3A_476 {
        %add3A_835 = arith.constant 3 : i32
        %add3A_836 = arith.addi %add3A_469, %add3A_835 : i32
        %dma_start3A_837 = arith.constant 0 : i32
        %dma_start3A_838 = tpu.memref_slice %arg8[%add3A_836, %dma_start3A_837] : memref<200x128xi32, #tpu.memory_space<vmem>> -> memref<1x128xi32, #tpu.memory_space<vmem>>
        %dma_start3A_839 = tpu.memref_squeeze %dma_start3A_838 : memref<1x128xi32, #tpu.memory_space<vmem>> -> memref<128xi32, #tpu.memory_space<vmem>>
        %dma_start3A_840 = arith.constant 0 : i32
        %dma_start3A_841 = arith.constant 0 : i32
        %dma_start3A_842 = tpu.memref_slice %arg3[%dma_start3A_840, %dma_start3A_841] : memref<2000000x64xf32, #tpu.memory_space<hbm>> -> memref<2000000x64xf32, #tpu.memory_space<hbm>>
        tpu.enqueue_indirect_dma source(%dma_start3A_842 : memref<2000000x64xf32, #tpu.memory_space<hbm>>) target(%arg9 : memref<128x64xf32, #tpu.memory_space<vmem>>) offsets(%dma_start3A_839 : memref<128xi32, #tpu.memory_space<vmem>>) semaphore(%arg20 : memref<!tpu.dma_semaphore, #tpu.memory_space<semaphore_mem>>)
      } else {
      }
      %dma_wait3A_477 = arith.constant 0 : i32
      %dma_wait3A_478 = tpu.memref_slice %arg8[%add3A_469, %dma_wait3A_477] : memref<200x128xi32, #tpu.memory_space<vmem>> -> memref<1x128xi32, #tpu.memory_space<vmem>>
      %dma_wait3A_479 = tpu.memref_squeeze %dma_wait3A_478 : memref<1x128xi32, #tpu.memory_space<vmem>> -> memref<128xi32, #tpu.memory_space<vmem>>
      %dma_wait3A_480 = arith.constant 0 : i32
      %dma_wait3A_481 = arith.constant 0 : i32
      %dma_wait3A_482 = tpu.memref_slice %arg3[%dma_wait3A_480, %dma_wait3A_481] : memref<2000000x64xf32, #tpu.memory_space<hbm>> -> memref<2000000x64xf32, #tpu.memory_space<hbm>>
      tpu.wait_indirect_dma semaphore(%arg21 : memref<!tpu.dma_semaphore, #tpu.memory_space<semaphore_mem>>) src(%dma_wait3A_482 : memref<2000000x64xf32, #tpu.memory_space<hbm>>) dst(%arg10 : memref<128x64xf32, #tpu.memory_space<vmem>>)
      %ge3A_483 = arith.constant 4 : i32
      %ge3A_484 = arith.cmpi sge, %add3A_469, %ge3A_483 : i32
      %convert_element_type3A_485 = arith.extui %ge3A_484 : i1 to i32
      %cond3A_486 = arith.constant 0 : i32
      %cond3A_487 = arith.cmpi ne, %convert_element_type3A_485, %cond3A_486 : i32
      scf.if %cond3A_487 {
        %add3A_835 = arith.addi %mul3A_2, %add3A_469 : i32
        %sub3A_836 = arith.constant 4 : i32
        %sub3A_837 = arith.subi %add3A_835, %sub3A_836 : i32
        %jit3A_838 = arith.constant 32 : i32
        %div3A_839 = arith.divsi %sub3A_837, %jit3A_838 : i32
        %sign3A_840 = arith.constant 0 : i32
        %sign3A_841 = arith.cmpi sgt, %sub3A_837, %sign3A_840 : i32
        %sign3A_842 = arith.extui %sign3A_841 : i1 to i32
        %sign3A_843 = arith.constant 0 : i32
        %sign3A_844 = arith.cmpi slt, %sub3A_837, %sign3A_843 : i32
        %sign3A_845 = arith.extui %sign3A_844 : i1 to i32
        %sign3A_846 = arith.subi %sign3A_842, %sign3A_845 : i32
        %sign3A_847 = arith.constant 0 : i32
        %sign3A_848 = arith.cmpi sgt, %jit3A_838, %sign3A_847 : i32
        %sign3A_849 = arith.extui %sign3A_848 : i1 to i32
        %sign3A_850 = arith.constant 0 : i32
        %sign3A_851 = arith.cmpi slt, %jit3A_838, %sign3A_850 : i32
        %sign3A_852 = arith.extui %sign3A_851 : i1 to i32
        %sign3A_853 = arith.subi %sign3A_849, %sign3A_852 : i32
        %ne3A_854 = arith.cmpi ne, %sign3A_846, %sign3A_853 : i32
        %rem3A_855 = arith.remsi %sub3A_837, %jit3A_838 : i32
        %ne3A_856 = arith.constant 0 : i32
        %ne3A_857 = arith.cmpi ne, %rem3A_855, %ne3A_856 : i32
        %and3A_858 = arith.andi %ne3A_854, %ne3A_857 : i1
        %sub3A_859 = arith.constant 1 : i32
        %sub3A_860 = arith.subi %div3A_839, %sub3A_859 : i32
        %select_n3A_861 = arith.select %and3A_858, %sub3A_860, %div3A_839 : i32
        %jit3A_862 = arith.constant 32 : i32
        %eq3A_863 = arith.constant 0 : i32
        %eq3A_864 = arith.cmpi eq, %jit3A_862, %eq3A_863 : i32
        %jit3A_865 = arith.constant 1 : i32
        %select_n3A_866 = arith.select %eq3A_864, %jit3A_865, %jit3A_862 : i32
        %rem3A_867 = arith.remsi %sub3A_837, %select_n3A_866 : i32
        %ne3A_868 = arith.constant 0 : i32
        %ne3A_869 = arith.cmpi ne, %rem3A_867, %ne3A_868 : i32
        %lt3A_870 = arith.constant 0 : i32
        %lt3A_871 = arith.cmpi slt, %rem3A_867, %lt3A_870 : i32
        %lt3A_872 = arith.constant 0 : i32
        %lt3A_873 = arith.cmpi slt, %select_n3A_866, %lt3A_872 : i32
        %ne3A_874 = arith.xori %lt3A_871, %lt3A_873 : i1
        %and3A_875 = arith.andi %ne3A_874, %ne3A_869 : i1
        %add3A_876 = arith.addi %rem3A_867, %select_n3A_866 : i32
        %select_n3A_877 = arith.select %and3A_875, %add3A_876, %rem3A_867 : i32
        %dma_wait3A_878 = arith.constant 0 : i32
        %dma_wait3A_879 = arith.constant 0 : i32
        %dma_wait3A_880 = arith.constant 0 : i32
        %dma_wait3A_881 = arith.constant 0 : i32
        %dma_wait3A_882 = tpu.memref_slice %arg14[%dma_wait3A_878, %dma_wait3A_879, %dma_wait3A_880, %dma_wait3A_881] : memref<8x1x8x129xf32, #tpu.memory_space<vmem>> -> memref<8x1x8x128xf32, #tpu.memory_space<vmem>>
        %dma_wait3A_883 = arith.constant 0 : i32
        %dma_wait3A_884 = arith.constant 0 : i32
        %dma_wait3A_885 = arith.constant 0 : i32
        %dma_wait3A_886 = tpu.memref_slice %arg7[%select_n3A_861, %dma_wait3A_883, %select_n3A_877, %dma_wait3A_884, %dma_wait3A_885] : memref<200x8x32x8x128xf32, #tpu.memory_space<hbm>> -> memref<1x8x1x8x128xf32, #tpu.memory_space<hbm>>
        %dma_wait3A_887 = tpu.memref_squeeze %dma_wait3A_886 : memref<1x8x1x8x128xf32, #tpu.memory_space<hbm>> -> memref<8x1x8x128xf32, #tpu.memory_space<hbm>>
        %dma_wait3A_888 = arith.constant 0 : i32
        %dma_wait3A_889 = arith.constant 0 : i32
        %dma_wait3A_890 = arith.constant 0 : i32
        %dma_wait3A_891 = tpu.memref_slice %arg7[%select_n3A_861, %dma_wait3A_888, %select_n3A_877, %dma_wait3A_889, %dma_wait3A_890] : memref<200x8x32x8x128xf32, #tpu.memory_space<hbm>> -> memref<1x8x1x8x128xf32, #tpu.memory_space<hbm>>
        %dma_wait3A_892 = tpu.memref_squeeze %dma_wait3A_891 : memref<1x8x1x8x128xf32, #tpu.memory_space<hbm>> -> memref<8x1x8x128xf32, #tpu.memory_space<hbm>>
        %dma_wait3A_893 = arith.constant 0 : i32
        %dma_wait3A_894 = arith.constant 0 : i32
        %dma_wait3A_895 = arith.constant 0 : i32
        %dma_wait3A_896 = arith.constant 0 : i32
        %dma_wait3A_897 = tpu.memref_slice %arg14[%dma_wait3A_893, %dma_wait3A_894, %dma_wait3A_895, %dma_wait3A_896] : memref<8x1x8x129xf32, #tpu.memory_space<vmem>> -> memref<8x1x8x128xf32, #tpu.memory_space<vmem>>
        tpu.wait_dma2 semaphore(%arg25 : memref<!tpu.dma_semaphore, #tpu.memory_space<semaphore_mem>>) src(%dma_wait3A_897 : memref<8x1x8x128xf32, #tpu.memory_space<vmem>>) dst(%dma_wait3A_892 : memref<8x1x8x128xf32, #tpu.memory_space<hbm>>)
      } else {
      }
      %add3A_488 = arith.addi %mul3A_2, %add3A_469 : i32
      %jit3A_489 = arith.constant 32 : i32
      %div3A_490 = arith.divsi %add3A_488, %jit3A_489 : i32
      %sign3A_491 = arith.constant 0 : i32
      %sign3A_492 = arith.cmpi sgt, %add3A_488, %sign3A_491 : i32
      %sign3A_493 = arith.extui %sign3A_492 : i1 to i32
      %sign3A_494 = arith.constant 0 : i32
      %sign3A_495 = arith.cmpi slt, %add3A_488, %sign3A_494 : i32
      %sign3A_496 = arith.extui %sign3A_495 : i1 to i32
      %sign3A_497 = arith.subi %sign3A_493, %sign3A_496 : i32
      %sign3A_498 = arith.constant 0 : i32
      %sign3A_499 = arith.cmpi sgt, %jit3A_489, %sign3A_498 : i32
      %sign3A_500 = arith.extui %sign3A_499 : i1 to i32
      %sign3A_501 = arith.constant 0 : i32
      %sign3A_502 = arith.cmpi slt, %jit3A_489, %sign3A_501 : i32
      %sign3A_503 = arith.extui %sign3A_502 : i1 to i32
      %sign3A_504 = arith.subi %sign3A_500, %sign3A_503 : i32
      %ne3A_505 = arith.cmpi ne, %sign3A_497, %sign3A_504 : i32
      %rem3A_506 = arith.remsi %add3A_488, %jit3A_489 : i32
      %ne3A_507 = arith.constant 0 : i32
      %ne3A_508 = arith.cmpi ne, %rem3A_506, %ne3A_507 : i32
      %and3A_509 = arith.andi %ne3A_505, %ne3A_508 : i1
      %sub3A_510 = arith.constant 1 : i32
      %sub3A_511 = arith.subi %div3A_490, %sub3A_510 : i32
      %select_n3A_512 = arith.select %and3A_509, %sub3A_511, %div3A_490 : i32
      %get3A_513 = arith.index_cast %select_n3A_512 : i32 to index
      %get3A_514 = arith.constant 0 : index
      %get3A_515 = tpu.vector_load %arg17[%get3A_513, %get3A_514] {strides = array<i32>} : memref<200x64xf32, #tpu.memory_space<vmem>>, vector<16xf32>,
      %get3A_516 = arith.index_cast %select_n3A_512 : i32 to index
      %get3A_517 = arith.constant 16 : index
      %get3A_518 = tpu.vector_load %arg17[%get3A_516, %get3A_517] {strides = array<i32>} : memref<200x64xf32, #tpu.memory_space<vmem>>, vector<16xf32>,
      %get3A_519 = arith.index_cast %select_n3A_512 : i32 to index
      %get3A_520 = arith.constant 32 : index
      %get3A_521 = tpu.vector_load %arg17[%get3A_519, %get3A_520] {strides = array<i32>} : memref<200x64xf32, #tpu.memory_space<vmem>>, vector<16xf32>,
      %get3A_522 = arith.index_cast %select_n3A_512 : i32 to index
      %get3A_523 = arith.constant 48 : index
      %get3A_524 = tpu.vector_load %arg17[%get3A_522, %get3A_523] {strides = array<i32>} : memref<200x64xf32, #tpu.memory_space<vmem>>, vector<16xf32>,
      %parallel_loop3A_525 = arith.constant 0 : i32
      %parallel_loop3A_526 = arith.constant 128 : i32
      %parallel_loop3A_527 = arith.constant 1 : i32
      scf.for %parallel_loop3A_835 = %parallel_loop3A_525 to %parallel_loop3A_526 step %parallel_loop3A_527  : i32 {
        %parallel_loop3A_836 = arith.index_cast %parallel_loop3A_835 : i32 to index
        %parallel_loop3A_837 = arith.constant 0 : index
        %parallel_loop3A_838 = tpu.vector_load %arg10[%parallel_loop3A_836, %parallel_loop3A_837] {strides = array<i32>} : memref<128x64xf32, #tpu.memory_space<vmem>>, vector<16xf32>,
        %parallel_loop3A_839 = arith.addf %parallel_loop3A_838, %get3A_515 : vector<16xf32>
        %parallel_loop3A_840 = arith.index_cast %parallel_loop3A_835 : i32 to index
        %parallel_loop3A_841 = arith.constant 16 : index
        %parallel_loop3A_842 = tpu.vector_load %arg10[%parallel_loop3A_840, %parallel_loop3A_841] {strides = array<i32>} : memref<128x64xf32, #tpu.memory_space<vmem>>, vector<16xf32>,
        %parallel_loop3A_843 = arith.addf %parallel_loop3A_842, %get3A_518 : vector<16xf32>
        %parallel_loop3A_844 = arith.index_cast %parallel_loop3A_835 : i32 to index
        %parallel_loop3A_845 = arith.constant 32 : index
        %parallel_loop3A_846 = tpu.vector_load %arg10[%parallel_loop3A_844, %parallel_loop3A_845] {strides = array<i32>} : memref<128x64xf32, #tpu.memory_space<vmem>>, vector<16xf32>,
        %parallel_loop3A_847 = arith.addf %parallel_loop3A_846, %get3A_521 : vector<16xf32>
        %parallel_loop3A_848 = arith.index_cast %parallel_loop3A_835 : i32 to index
        %parallel_loop3A_849 = arith.constant 48 : index
        %parallel_loop3A_850 = tpu.vector_load %arg10[%parallel_loop3A_848, %parallel_loop3A_849] {strides = array<i32>} : memref<128x64xf32, #tpu.memory_space<vmem>>, vector<16xf32>,
        %parallel_loop3A_851 = arith.addf %parallel_loop3A_850, %get3A_524 : vector<16xf32>
        %parallel_loop3A_852 = arith.addf %parallel_loop3A_839, %parallel_loop3A_843 : vector<16xf32>
        %parallel_loop3A_853 = arith.addf %parallel_loop3A_847, %parallel_loop3A_851 : vector<16xf32>
        %parallel_loop3A_854 = arith.addf %parallel_loop3A_852, %parallel_loop3A_853 : vector<16xf32>
        %parallel_loop3A_855 = arith.mulf %parallel_loop3A_839, %parallel_loop3A_839 : vector<16xf32>
        %parallel_loop3A_856 = arith.mulf %parallel_loop3A_843, %parallel_loop3A_843 : vector<16xf32>
        %parallel_loop3A_857 = arith.addf %parallel_loop3A_855, %parallel_loop3A_856 : vector<16xf32>
        %parallel_loop3A_858 = arith.mulf %parallel_loop3A_847, %parallel_loop3A_847 : vector<16xf32>
        %parallel_loop3A_859 = arith.mulf %parallel_loop3A_851, %parallel_loop3A_851 : vector<16xf32>
        %parallel_loop3A_860 = arith.addf %parallel_loop3A_858, %parallel_loop3A_859 : vector<16xf32>
        %parallel_loop3A_861 = arith.addf %parallel_loop3A_857, %parallel_loop3A_860 : vector<16xf32>
        %parallel_loop3A_862 = arith.constant true
        %parallel_loop3A_863 = vector.broadcast %parallel_loop3A_862 : i1 to vector<16xi1>
        %parallel_loop3A_864 = tpu.scan <sum>, %parallel_loop3A_854 masked %parallel_loop3A_863 : vector<16xf32>, vector<16xi1> -> vector<16xf32>
        %parallel_loop3A_865 = tpu.iota {dimensions = array<i32: 0>} : vector<16xi32>
        %parallel_loop3A_866 = arith.constant 15 : i32
        %parallel_loop3A_867 = vector.broadcast %parallel_loop3A_866 : i32 to vector<16xi32>
        %parallel_loop3A_868 = arith.ori %parallel_loop3A_865, %parallel_loop3A_867 : vector<16xi32>
        %parallel_loop3A_869 = arith.constant 0 : i32
        %parallel_loop3A_870 = vector.broadcast %parallel_loop3A_869 : i32 to vector<16xi32>
        %parallel_loop3A_871 = arith.cmpi slt, %parallel_loop3A_868, %parallel_loop3A_870 : vector<16xi32>
        %parallel_loop3A_872 = arith.constant 16 : i32
        %parallel_loop3A_873 = vector.broadcast %parallel_loop3A_872 : i32 to vector<16xi32>
        %parallel_loop3A_874 = arith.addi %parallel_loop3A_868, %parallel_loop3A_873 : vector<16xi32>
        %parallel_loop3A_875 = arith.select %parallel_loop3A_871, %parallel_loop3A_874, %parallel_loop3A_868 : vector<16xi1>, vector<16xi32>
        %parallel_loop3A_876 = vector.shape_cast %parallel_loop3A_875 : vector<16xi32> to vector<16x1xi32>
        %parallel_loop3A_877 = vector.shape_cast %parallel_loop3A_876 : vector<16x1xi32> to vector<16xi32>
        %parallel_loop3A_878 = tpu.dynamic_gather %parallel_loop3A_864[%parallel_loop3A_877] in [0] : vector<16xf32>, vector<16xi32> -> vector<16xf32>
        %parallel_loop3A_879 = arith.constant 1.562500e-02 : f32
        %parallel_loop3A_880 = vector.broadcast %parallel_loop3A_879 : f32 to vector<16xf32>
        %parallel_loop3A_881 = arith.mulf %parallel_loop3A_878, %parallel_loop3A_880 : vector<16xf32>
        %parallel_loop3A_882 = arith.constant true
        %parallel_loop3A_883 = vector.broadcast %parallel_loop3A_882 : i1 to vector<16xi1>
        %parallel_loop3A_884 = tpu.scan <sum>, %parallel_loop3A_861 masked %parallel_loop3A_883 : vector<16xf32>, vector<16xi1> -> vector<16xf32>
        %parallel_loop3A_885 = tpu.iota {dimensions = array<i32: 0>} : vector<16xi32>
        %parallel_loop3A_886 = arith.constant 15 : i32
        %parallel_loop3A_887 = vector.broadcast %parallel_loop3A_886 : i32 to vector<16xi32>
        %parallel_loop3A_888 = arith.ori %parallel_loop3A_885, %parallel_loop3A_887 : vector<16xi32>
        %parallel_loop3A_889 = arith.constant 0 : i32
        %parallel_loop3A_890 = vector.broadcast %parallel_loop3A_889 : i32 to vector<16xi32>
        %parallel_loop3A_891 = arith.cmpi slt, %parallel_loop3A_888, %parallel_loop3A_890 : vector<16xi32>
        %parallel_loop3A_892 = arith.constant 16 : i32
        %parallel_loop3A_893 = vector.broadcast %parallel_loop3A_892 : i32 to vector<16xi32>
        %parallel_loop3A_894 = arith.addi %parallel_loop3A_888, %parallel_loop3A_893 : vector<16xi32>
        %parallel_loop3A_895 = arith.select %parallel_loop3A_891, %parallel_loop3A_894, %parallel_loop3A_888 : vector<16xi1>, vector<16xi32>
        %parallel_loop3A_896 = vector.shape_cast %parallel_loop3A_895 : vector<16xi32> to vector<16x1xi32>
        %parallel_loop3A_897 = vector.shape_cast %parallel_loop3A_896 : vector<16x1xi32> to vector<16xi32>
        %parallel_loop3A_898 = tpu.dynamic_gather %parallel_loop3A_884[%parallel_loop3A_897] in [0] : vector<16xf32>, vector<16xi32> -> vector<16xf32>
        %parallel_loop3A_899 = arith.constant 1.562500e-02 : f32
        %parallel_loop3A_900 = vector.broadcast %parallel_loop3A_899 : f32 to vector<16xf32>
        %parallel_loop3A_901 = arith.mulf %parallel_loop3A_898, %parallel_loop3A_900 : vector<16xf32>
        %parallel_loop3A_902 = arith.mulf %parallel_loop3A_881, %parallel_loop3A_881 : vector<16xf32>
        %parallel_loop3A_903 = arith.subf %parallel_loop3A_901, %parallel_loop3A_902 : vector<16xf32>
        %parallel_loop3A_904 = arith.constant 9.99999996E-13 : f32
        %parallel_loop3A_905 = vector.broadcast %parallel_loop3A_904 : f32 to vector<16xf32>
        %parallel_loop3A_906 = arith.addf %parallel_loop3A_903, %parallel_loop3A_905 : vector<16xf32>
        %parallel_loop3A_907 = tpu.bitcast %parallel_loop3A_906 : vector<16xf32> -> vector<16xi32>
        %parallel_loop3A_908 = arith.constant 1 : i32
        %parallel_loop3A_909 = vector.broadcast %parallel_loop3A_908 : i32 to vector<16xi32>
        %parallel_loop3A_910 = arith.shrsi %parallel_loop3A_907, %parallel_loop3A_909 : vector<16xi32>
        %parallel_loop3A_911 = arith.constant 1597463007 : i32
        %parallel_loop3A_912 = vector.broadcast %parallel_loop3A_911 : i32 to vector<16xi32>
        %parallel_loop3A_913 = arith.subi %parallel_loop3A_912, %parallel_loop3A_910 : vector<16xi32>
        %parallel_loop3A_914 = tpu.bitcast %parallel_loop3A_913 : vector<16xi32> -> vector<16xf32>
        %parallel_loop3A_915 = arith.constant 5.000000e-01 : f32
        %parallel_loop3A_916 = vector.broadcast %parallel_loop3A_915 : f32 to vector<16xf32>
        %parallel_loop3A_917 = arith.mulf %parallel_loop3A_916, %parallel_loop3A_906 : vector<16xf32>
        %parallel_loop3A_918 = arith.mulf %parallel_loop3A_917, %parallel_loop3A_914 : vector<16xf32>
        %parallel_loop3A_919 = arith.mulf %parallel_loop3A_918, %parallel_loop3A_914 : vector<16xf32>
        %parallel_loop3A_920 = arith.constant 1.500000e+00 : f32
        %parallel_loop3A_921 = vector.broadcast %parallel_loop3A_920 : f32 to vector<16xf32>
        %parallel_loop3A_922 = arith.subf %parallel_loop3A_921, %parallel_loop3A_919 : vector<16xf32>
        %parallel_loop3A_923 = arith.mulf %parallel_loop3A_914, %parallel_loop3A_922 : vector<16xf32>
        %parallel_loop3A_924 = arith.constant 5.000000e-01 : f32
        %parallel_loop3A_925 = vector.broadcast %parallel_loop3A_924 : f32 to vector<16xf32>
        %parallel_loop3A_926 = arith.mulf %parallel_loop3A_925, %parallel_loop3A_906 : vector<16xf32>
        %parallel_loop3A_927 = arith.mulf %parallel_loop3A_926, %parallel_loop3A_923 : vector<16xf32>
        %parallel_loop3A_928 = arith.mulf %parallel_loop3A_927, %parallel_loop3A_923 : vector<16xf32>
        %parallel_loop3A_929 = arith.constant 1.500000e+00 : f32
        %parallel_loop3A_930 = vector.broadcast %parallel_loop3A_929 : f32 to vector<16xf32>
        %parallel_loop3A_931 = arith.subf %parallel_loop3A_930, %parallel_loop3A_928 : vector<16xf32>
        %parallel_loop3A_932 = arith.mulf %parallel_loop3A_923, %parallel_loop3A_931 : vector<16xf32>
        %parallel_loop3A_933 = vector.broadcast %parallel_loop3A_835 : i32 to vector<16xi32>
        %parallel_loop3A_934 = arith.subf %parallel_loop3A_839, %parallel_loop3A_881 : vector<16xf32>
        %parallel_loop3A_935 = arith.mulf %parallel_loop3A_934, %parallel_loop3A_932 : vector<16xf32>
        %parallel_loop3A_936 = arith.mulf %parallel_loop3A_935, %get3A_3 : vector<16xf32>
        %parallel_loop3A_937 = arith.addf %parallel_loop3A_936, %get3A_11 : vector<16xf32>
        tpu.vector_store_idx %arg14[%shift_right_arithmetic3A_22, %and3A_66, %and3A_45, %parallel_loop3A_933], %parallel_loop3A_937 : memref<8x1x8x129xf32, #tpu.memory_space<vmem>>[vector<16xi32>, vector<16xi32>, vector<16xi32>, vector<16xi32>], vector<16xf32>,
        %parallel_loop3A_938 = arith.subf %parallel_loop3A_843, %parallel_loop3A_881 : vector<16xf32>
        %parallel_loop3A_939 = arith.mulf %parallel_loop3A_938, %parallel_loop3A_932 : vector<16xf32>
        %parallel_loop3A_940 = arith.mulf %parallel_loop3A_939, %get3A_5 : vector<16xf32>
        %parallel_loop3A_941 = arith.addf %parallel_loop3A_940, %get3A_13 : vector<16xf32>
        tpu.vector_store_idx %arg14[%shift_right_arithmetic3A_28, %and3A_66, %and3A_51, %parallel_loop3A_933], %parallel_loop3A_941 : memref<8x1x8x129xf32, #tpu.memory_space<vmem>>[vector<16xi32>, vector<16xi32>, vector<16xi32>, vector<16xi32>], vector<16xf32>,
        %parallel_loop3A_942 = arith.subf %parallel_loop3A_847, %parallel_loop3A_881 : vector<16xf32>
        %parallel_loop3A_943 = arith.mulf %parallel_loop3A_942, %parallel_loop3A_932 : vector<16xf32>
        %parallel_loop3A_944 = arith.mulf %parallel_loop3A_943, %get3A_7 : vector<16xf32>
        %parallel_loop3A_945 = arith.addf %parallel_loop3A_944, %get3A_15 : vector<16xf32>
        tpu.vector_store_idx %arg14[%shift_right_arithmetic3A_34, %and3A_66, %and3A_57, %parallel_loop3A_933], %parallel_loop3A_945 : memref<8x1x8x129xf32, #tpu.memory_space<vmem>>[vector<16xi32>, vector<16xi32>, vector<16xi32>, vector<16xi32>], vector<16xf32>,
        %parallel_loop3A_946 = arith.subf %parallel_loop3A_851, %parallel_loop3A_881 : vector<16xf32>
        %parallel_loop3A_947 = arith.mulf %parallel_loop3A_946, %parallel_loop3A_932 : vector<16xf32>
        %parallel_loop3A_948 = arith.mulf %parallel_loop3A_947, %get3A_9 : vector<16xf32>
        %parallel_loop3A_949 = arith.addf %parallel_loop3A_948, %get3A_17 : vector<16xf32>
        tpu.vector_store_idx %arg14[%shift_right_arithmetic3A_40, %and3A_66, %and3A_63, %parallel_loop3A_933], %parallel_loop3A_949 : memref<8x1x8x129xf32, #tpu.memory_space<vmem>>[vector<16xi32>, vector<16xi32>, vector<16xi32>, vector<16xi32>], vector<16xf32>,
      } {sc.loop_unroll_factor = 2 : i64, sc.parallel_access}
      %add3A_528 = arith.addi %mul3A_2, %add3A_469 : i32
      %jit3A_529 = arith.constant 32 : i32
      %div3A_530 = arith.divsi %add3A_528, %jit3A_529 : i32
      %sign3A_531 = arith.constant 0 : i32
      %sign3A_532 = arith.cmpi sgt, %add3A_528, %sign3A_531 : i32
      %sign3A_533 = arith.extui %sign3A_532 : i1 to i32
      %sign3A_534 = arith.constant 0 : i32
      %sign3A_535 = arith.cmpi slt, %add3A_528, %sign3A_534 : i32
      %sign3A_536 = arith.extui %sign3A_535 : i1 to i32
      %sign3A_537 = arith.subi %sign3A_533, %sign3A_536 : i32
      %sign3A_538 = arith.constant 0 : i32
      %sign3A_539 = arith.cmpi sgt, %jit3A_529, %sign3A_538 : i32
      %sign3A_540 = arith.extui %sign3A_539 : i1 to i32
      %sign3A_541 = arith.constant 0 : i32
      %sign3A_542 = arith.cmpi slt, %jit3A_529, %sign3A_541 : i32
      %sign3A_543 = arith.extui %sign3A_542 : i1 to i32
      %sign3A_544 = arith.subi %sign3A_540, %sign3A_543 : i32
      %ne3A_545 = arith.cmpi ne, %sign3A_537, %sign3A_544 : i32
      %rem3A_546 = arith.remsi %add3A_528, %jit3A_529 : i32
      %ne3A_547 = arith.constant 0 : i32
      %ne3A_548 = arith.cmpi ne, %rem3A_546, %ne3A_547 : i32
      %and3A_549 = arith.andi %ne3A_545, %ne3A_548 : i1
      %sub3A_550 = arith.constant 1 : i32
      %sub3A_551 = arith.subi %div3A_530, %sub3A_550 : i32
      %select_n3A_552 = arith.select %and3A_549, %sub3A_551, %div3A_530 : i32
      %jit3A_553 = arith.constant 32 : i32
      %eq3A_554 = arith.constant 0 : i32
      %eq3A_555 = arith.cmpi eq, %jit3A_553, %eq3A_554 : i32
      %jit3A_556 = arith.constant 1 : i32
      %select_n3A_557 = arith.select %eq3A_555, %jit3A_556, %jit3A_553 : i32
      %rem3A_558 = arith.remsi %add3A_528, %select_n3A_557 : i32
      %ne3A_559 = arith.constant 0 : i32
      %ne3A_560 = arith.cmpi ne, %rem3A_558, %ne3A_559 : i32
      %lt3A_561 = arith.constant 0 : i32
      %lt3A_562 = arith.cmpi slt, %rem3A_558, %lt3A_561 : i32
      %lt3A_563 = arith.constant 0 : i32
      %lt3A_564 = arith.cmpi slt, %select_n3A_557, %lt3A_563 : i32
      %ne3A_565 = arith.xori %lt3A_562, %lt3A_564 : i1
      %and3A_566 = arith.andi %ne3A_565, %ne3A_560 : i1
      %add3A_567 = arith.addi %rem3A_558, %select_n3A_557 : i32
      %select_n3A_568 = arith.select %and3A_566, %add3A_567, %rem3A_558 : i32
      %dma_start3A_569 = arith.constant 0 : i32
      %dma_start3A_570 = arith.constant 0 : i32
      %dma_start3A_571 = arith.constant 0 : i32
      %dma_start3A_572 = arith.constant 0 : i32
      %dma_start3A_573 = tpu.memref_slice %arg14[%dma_start3A_569, %dma_start3A_570, %dma_start3A_571, %dma_start3A_572] : memref<8x1x8x129xf32, #tpu.memory_space<vmem>> -> memref<8x1x8x128xf32, #tpu.memory_space<vmem>>
      %dma_start3A_574 = arith.constant 0 : i32
      %dma_start3A_575 = arith.constant 0 : i32
      %dma_start3A_576 = arith.constant 0 : i32
      %dma_start3A_577 = tpu.memref_slice %arg7[%select_n3A_552, %dma_start3A_574, %select_n3A_568, %dma_start3A_575, %dma_start3A_576] : memref<200x8x32x8x128xf32, #tpu.memory_space<hbm>> -> memref<1x8x1x8x128xf32, #tpu.memory_space<hbm>>
      %dma_start3A_578 = tpu.memref_squeeze %dma_start3A_577 : memref<1x8x1x8x128xf32, #tpu.memory_space<hbm>> -> memref<8x1x8x128xf32, #tpu.memory_space<hbm>>
      %dma_start3A_579 = arith.constant 0 : i32
      %dma_start3A_580 = arith.constant 0 : i32
      %dma_start3A_581 = arith.constant 0 : i32
      %dma_start3A_582 = tpu.memref_slice %arg7[%select_n3A_552, %dma_start3A_579, %select_n3A_568, %dma_start3A_580, %dma_start3A_581] : memref<200x8x32x8x128xf32, #tpu.memory_space<hbm>> -> memref<1x8x1x8x128xf32, #tpu.memory_space<hbm>>
      %dma_start3A_583 = tpu.memref_squeeze %dma_start3A_582 : memref<1x8x1x8x128xf32, #tpu.memory_space<hbm>> -> memref<8x1x8x128xf32, #tpu.memory_space<hbm>>
      %dma_start3A_584 = arith.constant 0 : i32
      %dma_start3A_585 = arith.constant 0 : i32
      %dma_start3A_586 = arith.constant 0 : i32
      %dma_start3A_587 = arith.constant 0 : i32
      %dma_start3A_588 = tpu.memref_slice %arg14[%dma_start3A_584, %dma_start3A_585, %dma_start3A_586, %dma_start3A_587] : memref<8x1x8x129xf32, #tpu.memory_space<vmem>> -> memref<8x1x8x128xf32, #tpu.memory_space<vmem>>
      tpu.enqueue_dma source(%dma_start3A_588 : memref<8x1x8x128xf32, #tpu.memory_space<vmem>>) target(%dma_start3A_583 : memref<8x1x8x128xf32, #tpu.memory_space<hbm>>) target_semaphore(%arg25 : memref<!tpu.dma_semaphore, #tpu.memory_space<semaphore_mem>>)
      %mul3A_589 = arith.constant 4 : i32
      %mul3A_590 = arith.muli %scan3A_346, %mul3A_589 : i32
      %add3A_591 = arith.constant 2 : i32
      %add3A_592 = arith.addi %mul3A_590, %add3A_591 : i32
      %add3A_593 = arith.constant 3 : i32
      %add3A_594 = arith.addi %add3A_592, %add3A_593 : i32
      %lt3A_595 = arith.constant 200 : i32
      %lt3A_596 = arith.cmpi slt, %add3A_594, %lt3A_595 : i32
      %convert_element_type3A_597 = arith.extui %lt3A_596 : i1 to i32
      %cond3A_598 = arith.constant 0 : i32
      %cond3A_599 = arith.cmpi ne, %convert_element_type3A_597, %cond3A_598 : i32
      scf.if %cond3A_599 {
        %add3A_835 = arith.constant 3 : i32
        %add3A_836 = arith.addi %add3A_592, %add3A_835 : i32
        %dma_start3A_837 = arith.constant 0 : i32
        %dma_start3A_838 = tpu.memref_slice %arg8[%add3A_836, %dma_start3A_837] : memref<200x128xi32, #tpu.memory_space<vmem>> -> memref<1x128xi32, #tpu.memory_space<vmem>>
        %dma_start3A_839 = tpu.memref_squeeze %dma_start3A_838 : memref<1x128xi32, #tpu.memory_space<vmem>> -> memref<128xi32, #tpu.memory_space<vmem>>
        %dma_start3A_840 = arith.constant 0 : i32
        %dma_start3A_841 = arith.constant 0 : i32
        %dma_start3A_842 = tpu.memref_slice %arg3[%dma_start3A_840, %dma_start3A_841] : memref<2000000x64xf32, #tpu.memory_space<hbm>> -> memref<2000000x64xf32, #tpu.memory_space<hbm>>
        tpu.enqueue_indirect_dma source(%dma_start3A_842 : memref<2000000x64xf32, #tpu.memory_space<hbm>>) target(%arg10 : memref<128x64xf32, #tpu.memory_space<vmem>>) offsets(%dma_start3A_839 : memref<128xi32, #tpu.memory_space<vmem>>) semaphore(%arg21 : memref<!tpu.dma_semaphore, #tpu.memory_space<semaphore_mem>>)
      } else {
      }
      %dma_wait3A_600 = arith.constant 0 : i32
      %dma_wait3A_601 = tpu.memref_slice %arg8[%add3A_592, %dma_wait3A_600] : memref<200x128xi32, #tpu.memory_space<vmem>> -> memref<1x128xi32, #tpu.memory_space<vmem>>
      %dma_wait3A_602 = tpu.memref_squeeze %dma_wait3A_601 : memref<1x128xi32, #tpu.memory_space<vmem>> -> memref<128xi32, #tpu.memory_space<vmem>>
      %dma_wait3A_603 = arith.constant 0 : i32
      %dma_wait3A_604 = arith.constant 0 : i32
      %dma_wait3A_605 = tpu.memref_slice %arg3[%dma_wait3A_603, %dma_wait3A_604] : memref<2000000x64xf32, #tpu.memory_space<hbm>> -> memref<2000000x64xf32, #tpu.memory_space<hbm>>
      tpu.wait_indirect_dma semaphore(%arg22 : memref<!tpu.dma_semaphore, #tpu.memory_space<semaphore_mem>>) src(%dma_wait3A_605 : memref<2000000x64xf32, #tpu.memory_space<hbm>>) dst(%arg11 : memref<128x64xf32, #tpu.memory_space<vmem>>)
      %ge3A_606 = arith.constant 4 : i32
      %ge3A_607 = arith.cmpi sge, %add3A_592, %ge3A_606 : i32
      %convert_element_type3A_608 = arith.extui %ge3A_607 : i1 to i32
      %cond3A_609 = arith.constant 0 : i32
      %cond3A_610 = arith.cmpi ne, %convert_element_type3A_608, %cond3A_609 : i32
      scf.if %cond3A_610 {
        %add3A_835 = arith.addi %mul3A_2, %add3A_592 : i32
        %sub3A_836 = arith.constant 4 : i32
        %sub3A_837 = arith.subi %add3A_835, %sub3A_836 : i32
        %jit3A_838 = arith.constant 32 : i32
        %div3A_839 = arith.divsi %sub3A_837, %jit3A_838 : i32
        %sign3A_840 = arith.constant 0 : i32
        %sign3A_841 = arith.cmpi sgt, %sub3A_837, %sign3A_840 : i32
        %sign3A_842 = arith.extui %sign3A_841 : i1 to i32
        %sign3A_843 = arith.constant 0 : i32
        %sign3A_844 = arith.cmpi slt, %sub3A_837, %sign3A_843 : i32
        %sign3A_845 = arith.extui %sign3A_844 : i1 to i32
        %sign3A_846 = arith.subi %sign3A_842, %sign3A_845 : i32
        %sign3A_847 = arith.constant 0 : i32
        %sign3A_848 = arith.cmpi sgt, %jit3A_838, %sign3A_847 : i32
        %sign3A_849 = arith.extui %sign3A_848 : i1 to i32
        %sign3A_850 = arith.constant 0 : i32
        %sign3A_851 = arith.cmpi slt, %jit3A_838, %sign3A_850 : i32
        %sign3A_852 = arith.extui %sign3A_851 : i1 to i32
        %sign3A_853 = arith.subi %sign3A_849, %sign3A_852 : i32
        %ne3A_854 = arith.cmpi ne, %sign3A_846, %sign3A_853 : i32
        %rem3A_855 = arith.remsi %sub3A_837, %jit3A_838 : i32
        %ne3A_856 = arith.constant 0 : i32
        %ne3A_857 = arith.cmpi ne, %rem3A_855, %ne3A_856 : i32
        %and3A_858 = arith.andi %ne3A_854, %ne3A_857 : i1
        %sub3A_859 = arith.constant 1 : i32
        %sub3A_860 = arith.subi %div3A_839, %sub3A_859 : i32
        %select_n3A_861 = arith.select %and3A_858, %sub3A_860, %div3A_839 : i32
        %jit3A_862 = arith.constant 32 : i32
        %eq3A_863 = arith.constant 0 : i32
        %eq3A_864 = arith.cmpi eq, %jit3A_862, %eq3A_863 : i32
        %jit3A_865 = arith.constant 1 : i32
        %select_n3A_866 = arith.select %eq3A_864, %jit3A_865, %jit3A_862 : i32
        %rem3A_867 = arith.remsi %sub3A_837, %select_n3A_866 : i32
        %ne3A_868 = arith.constant 0 : i32
        %ne3A_869 = arith.cmpi ne, %rem3A_867, %ne3A_868 : i32
        %lt3A_870 = arith.constant 0 : i32
        %lt3A_871 = arith.cmpi slt, %rem3A_867, %lt3A_870 : i32
        %lt3A_872 = arith.constant 0 : i32
        %lt3A_873 = arith.cmpi slt, %select_n3A_866, %lt3A_872 : i32
        %ne3A_874 = arith.xori %lt3A_871, %lt3A_873 : i1
        %and3A_875 = arith.andi %ne3A_874, %ne3A_869 : i1
        %add3A_876 = arith.addi %rem3A_867, %select_n3A_866 : i32
        %select_n3A_877 = arith.select %and3A_875, %add3A_876, %rem3A_867 : i32
        %dma_wait3A_878 = arith.constant 0 : i32
        %dma_wait3A_879 = arith.constant 0 : i32
        %dma_wait3A_880 = arith.constant 0 : i32
        %dma_wait3A_881 = arith.constant 0 : i32
        %dma_wait3A_882 = tpu.memref_slice %arg15[%dma_wait3A_878, %dma_wait3A_879, %dma_wait3A_880, %dma_wait3A_881] : memref<8x1x8x129xf32, #tpu.memory_space<vmem>> -> memref<8x1x8x128xf32, #tpu.memory_space<vmem>>
        %dma_wait3A_883 = arith.constant 0 : i32
        %dma_wait3A_884 = arith.constant 0 : i32
        %dma_wait3A_885 = arith.constant 0 : i32
        %dma_wait3A_886 = tpu.memref_slice %arg7[%select_n3A_861, %dma_wait3A_883, %select_n3A_877, %dma_wait3A_884, %dma_wait3A_885] : memref<200x8x32x8x128xf32, #tpu.memory_space<hbm>> -> memref<1x8x1x8x128xf32, #tpu.memory_space<hbm>>
        %dma_wait3A_887 = tpu.memref_squeeze %dma_wait3A_886 : memref<1x8x1x8x128xf32, #tpu.memory_space<hbm>> -> memref<8x1x8x128xf32, #tpu.memory_space<hbm>>
        %dma_wait3A_888 = arith.constant 0 : i32
        %dma_wait3A_889 = arith.constant 0 : i32
        %dma_wait3A_890 = arith.constant 0 : i32
        %dma_wait3A_891 = tpu.memref_slice %arg7[%select_n3A_861, %dma_wait3A_888, %select_n3A_877, %dma_wait3A_889, %dma_wait3A_890] : memref<200x8x32x8x128xf32, #tpu.memory_space<hbm>> -> memref<1x8x1x8x128xf32, #tpu.memory_space<hbm>>
        %dma_wait3A_892 = tpu.memref_squeeze %dma_wait3A_891 : memref<1x8x1x8x128xf32, #tpu.memory_space<hbm>> -> memref<8x1x8x128xf32, #tpu.memory_space<hbm>>
        %dma_wait3A_893 = arith.constant 0 : i32
        %dma_wait3A_894 = arith.constant 0 : i32
        %dma_wait3A_895 = arith.constant 0 : i32
        %dma_wait3A_896 = arith.constant 0 : i32
        %dma_wait3A_897 = tpu.memref_slice %arg15[%dma_wait3A_893, %dma_wait3A_894, %dma_wait3A_895, %dma_wait3A_896] : memref<8x1x8x129xf32, #tpu.memory_space<vmem>> -> memref<8x1x8x128xf32, #tpu.memory_space<vmem>>
        tpu.wait_dma2 semaphore(%arg26 : memref<!tpu.dma_semaphore, #tpu.memory_space<semaphore_mem>>) src(%dma_wait3A_897 : memref<8x1x8x128xf32, #tpu.memory_space<vmem>>) dst(%dma_wait3A_892 : memref<8x1x8x128xf32, #tpu.memory_space<hbm>>)
      } else {
      }
      %add3A_611 = arith.addi %mul3A_2, %add3A_592 : i32
      %jit3A_612 = arith.constant 32 : i32
      %div3A_613 = arith.divsi %add3A_611, %jit3A_612 : i32
      %sign3A_614 = arith.constant 0 : i32
      %sign3A_615 = arith.cmpi sgt, %add3A_611, %sign3A_614 : i32
      %sign3A_616 = arith.extui %sign3A_615 : i1 to i32
      %sign3A_617 = arith.constant 0 : i32
      %sign3A_618 = arith.cmpi slt, %add3A_611, %sign3A_617 : i32
      %sign3A_619 = arith.extui %sign3A_618 : i1 to i32
      %sign3A_620 = arith.subi %sign3A_616, %sign3A_619 : i32
      %sign3A_621 = arith.constant 0 : i32
      %sign3A_622 = arith.cmpi sgt, %jit3A_612, %sign3A_621 : i32
      %sign3A_623 = arith.extui %sign3A_622 : i1 to i32
      %sign3A_624 = arith.constant 0 : i32
      %sign3A_625 = arith.cmpi slt, %jit3A_612, %sign3A_624 : i32
      %sign3A_626 = arith.extui %sign3A_625 : i1 to i32
      %sign3A_627 = arith.subi %sign3A_623, %sign3A_626 : i32
      %ne3A_628 = arith.cmpi ne, %sign3A_620, %sign3A_627 : i32
      %rem3A_629 = arith.remsi %add3A_611, %jit3A_612 : i32
      %ne3A_630 = arith.constant 0 : i32
      %ne3A_631 = arith.cmpi ne, %rem3A_629, %ne3A_630 : i32
      %and3A_632 = arith.andi %ne3A_628, %ne3A_631 : i1
      %sub3A_633 = arith.constant 1 : i32
      %sub3A_634 = arith.subi %div3A_613, %sub3A_633 : i32
      %select_n3A_635 = arith.select %and3A_632, %sub3A_634, %div3A_613 : i32
      %get3A_636 = arith.index_cast %select_n3A_635 : i32 to index
      %get3A_637 = arith.constant 0 : index
      %get3A_638 = tpu.vector_load %arg17[%get3A_636, %get3A_637] {strides = array<i32>} : memref<200x64xf32, #tpu.memory_space<vmem>>, vector<16xf32>,
      %get3A_639 = arith.index_cast %select_n3A_635 : i32 to index
      %get3A_640 = arith.constant 16 : index
      %get3A_641 = tpu.vector_load %arg17[%get3A_639, %get3A_640] {strides = array<i32>} : memref<200x64xf32, #tpu.memory_space<vmem>>, vector<16xf32>,
      %get3A_642 = arith.index_cast %select_n3A_635 : i32 to index
      %get3A_643 = arith.constant 32 : index
      %get3A_644 = tpu.vector_load %arg17[%get3A_642, %get3A_643] {strides = array<i32>} : memref<200x64xf32, #tpu.memory_space<vmem>>, vector<16xf32>,
      %get3A_645 = arith.index_cast %select_n3A_635 : i32 to index
      %get3A_646 = arith.constant 48 : index
      %get3A_647 = tpu.vector_load %arg17[%get3A_645, %get3A_646] {strides = array<i32>} : memref<200x64xf32, #tpu.memory_space<vmem>>, vector<16xf32>,
      %parallel_loop3A_648 = arith.constant 0 : i32
      %parallel_loop3A_649 = arith.constant 128 : i32
      %parallel_loop3A_650 = arith.constant 1 : i32
      scf.for %parallel_loop3A_835 = %parallel_loop3A_648 to %parallel_loop3A_649 step %parallel_loop3A_650  : i32 {
        %parallel_loop3A_836 = arith.index_cast %parallel_loop3A_835 : i32 to index
        %parallel_loop3A_837 = arith.constant 0 : index
        %parallel_loop3A_838 = tpu.vector_load %arg11[%parallel_loop3A_836, %parallel_loop3A_837] {strides = array<i32>} : memref<128x64xf32, #tpu.memory_space<vmem>>, vector<16xf32>,
        %parallel_loop3A_839 = arith.addf %parallel_loop3A_838, %get3A_638 : vector<16xf32>
        %parallel_loop3A_840 = arith.index_cast %parallel_loop3A_835 : i32 to index
        %parallel_loop3A_841 = arith.constant 16 : index
        %parallel_loop3A_842 = tpu.vector_load %arg11[%parallel_loop3A_840, %parallel_loop3A_841] {strides = array<i32>} : memref<128x64xf32, #tpu.memory_space<vmem>>, vector<16xf32>,
        %parallel_loop3A_843 = arith.addf %parallel_loop3A_842, %get3A_641 : vector<16xf32>
        %parallel_loop3A_844 = arith.index_cast %parallel_loop3A_835 : i32 to index
        %parallel_loop3A_845 = arith.constant 32 : index
        %parallel_loop3A_846 = tpu.vector_load %arg11[%parallel_loop3A_844, %parallel_loop3A_845] {strides = array<i32>} : memref<128x64xf32, #tpu.memory_space<vmem>>, vector<16xf32>,
        %parallel_loop3A_847 = arith.addf %parallel_loop3A_846, %get3A_644 : vector<16xf32>
        %parallel_loop3A_848 = arith.index_cast %parallel_loop3A_835 : i32 to index
        %parallel_loop3A_849 = arith.constant 48 : index
        %parallel_loop3A_850 = tpu.vector_load %arg11[%parallel_loop3A_848, %parallel_loop3A_849] {strides = array<i32>} : memref<128x64xf32, #tpu.memory_space<vmem>>, vector<16xf32>,
        %parallel_loop3A_851 = arith.addf %parallel_loop3A_850, %get3A_647 : vector<16xf32>
        %parallel_loop3A_852 = arith.addf %parallel_loop3A_839, %parallel_loop3A_843 : vector<16xf32>
        %parallel_loop3A_853 = arith.addf %parallel_loop3A_847, %parallel_loop3A_851 : vector<16xf32>
        %parallel_loop3A_854 = arith.addf %parallel_loop3A_852, %parallel_loop3A_853 : vector<16xf32>
        %parallel_loop3A_855 = arith.mulf %parallel_loop3A_839, %parallel_loop3A_839 : vector<16xf32>
        %parallel_loop3A_856 = arith.mulf %parallel_loop3A_843, %parallel_loop3A_843 : vector<16xf32>
        %parallel_loop3A_857 = arith.addf %parallel_loop3A_855, %parallel_loop3A_856 : vector<16xf32>
        %parallel_loop3A_858 = arith.mulf %parallel_loop3A_847, %parallel_loop3A_847 : vector<16xf32>
        %parallel_loop3A_859 = arith.mulf %parallel_loop3A_851, %parallel_loop3A_851 : vector<16xf32>
        %parallel_loop3A_860 = arith.addf %parallel_loop3A_858, %parallel_loop3A_859 : vector<16xf32>
        %parallel_loop3A_861 = arith.addf %parallel_loop3A_857, %parallel_loop3A_860 : vector<16xf32>
        %parallel_loop3A_862 = arith.constant true
        %parallel_loop3A_863 = vector.broadcast %parallel_loop3A_862 : i1 to vector<16xi1>
        %parallel_loop3A_864 = tpu.scan <sum>, %parallel_loop3A_854 masked %parallel_loop3A_863 : vector<16xf32>, vector<16xi1> -> vector<16xf32>
        %parallel_loop3A_865 = tpu.iota {dimensions = array<i32: 0>} : vector<16xi32>
        %parallel_loop3A_866 = arith.constant 15 : i32
        %parallel_loop3A_867 = vector.broadcast %parallel_loop3A_866 : i32 to vector<16xi32>
        %parallel_loop3A_868 = arith.ori %parallel_loop3A_865, %parallel_loop3A_867 : vector<16xi32>
        %parallel_loop3A_869 = arith.constant 0 : i32
        %parallel_loop3A_870 = vector.broadcast %parallel_loop3A_869 : i32 to vector<16xi32>
        %parallel_loop3A_871 = arith.cmpi slt, %parallel_loop3A_868, %parallel_loop3A_870 : vector<16xi32>
        %parallel_loop3A_872 = arith.constant 16 : i32
        %parallel_loop3A_873 = vector.broadcast %parallel_loop3A_872 : i32 to vector<16xi32>
        %parallel_loop3A_874 = arith.addi %parallel_loop3A_868, %parallel_loop3A_873 : vector<16xi32>
        %parallel_loop3A_875 = arith.select %parallel_loop3A_871, %parallel_loop3A_874, %parallel_loop3A_868 : vector<16xi1>, vector<16xi32>
        %parallel_loop3A_876 = vector.shape_cast %parallel_loop3A_875 : vector<16xi32> to vector<16x1xi32>
        %parallel_loop3A_877 = vector.shape_cast %parallel_loop3A_876 : vector<16x1xi32> to vector<16xi32>
        %parallel_loop3A_878 = tpu.dynamic_gather %parallel_loop3A_864[%parallel_loop3A_877] in [0] : vector<16xf32>, vector<16xi32> -> vector<16xf32>
        %parallel_loop3A_879 = arith.constant 1.562500e-02 : f32
        %parallel_loop3A_880 = vector.broadcast %parallel_loop3A_879 : f32 to vector<16xf32>
        %parallel_loop3A_881 = arith.mulf %parallel_loop3A_878, %parallel_loop3A_880 : vector<16xf32>
        %parallel_loop3A_882 = arith.constant true
        %parallel_loop3A_883 = vector.broadcast %parallel_loop3A_882 : i1 to vector<16xi1>
        %parallel_loop3A_884 = tpu.scan <sum>, %parallel_loop3A_861 masked %parallel_loop3A_883 : vector<16xf32>, vector<16xi1> -> vector<16xf32>
        %parallel_loop3A_885 = tpu.iota {dimensions = array<i32: 0>} : vector<16xi32>
        %parallel_loop3A_886 = arith.constant 15 : i32
        %parallel_loop3A_887 = vector.broadcast %parallel_loop3A_886 : i32 to vector<16xi32>
        %parallel_loop3A_888 = arith.ori %parallel_loop3A_885, %parallel_loop3A_887 : vector<16xi32>
        %parallel_loop3A_889 = arith.constant 0 : i32
        %parallel_loop3A_890 = vector.broadcast %parallel_loop3A_889 : i32 to vector<16xi32>
        %parallel_loop3A_891 = arith.cmpi slt, %parallel_loop3A_888, %parallel_loop3A_890 : vector<16xi32>
        %parallel_loop3A_892 = arith.constant 16 : i32
        %parallel_loop3A_893 = vector.broadcast %parallel_loop3A_892 : i32 to vector<16xi32>
        %parallel_loop3A_894 = arith.addi %parallel_loop3A_888, %parallel_loop3A_893 : vector<16xi32>
        %parallel_loop3A_895 = arith.select %parallel_loop3A_891, %parallel_loop3A_894, %parallel_loop3A_888 : vector<16xi1>, vector<16xi32>
        %parallel_loop3A_896 = vector.shape_cast %parallel_loop3A_895 : vector<16xi32> to vector<16x1xi32>
        %parallel_loop3A_897 = vector.shape_cast %parallel_loop3A_896 : vector<16x1xi32> to vector<16xi32>
        %parallel_loop3A_898 = tpu.dynamic_gather %parallel_loop3A_884[%parallel_loop3A_897] in [0] : vector<16xf32>, vector<16xi32> -> vector<16xf32>
        %parallel_loop3A_899 = arith.constant 1.562500e-02 : f32
        %parallel_loop3A_900 = vector.broadcast %parallel_loop3A_899 : f32 to vector<16xf32>
        %parallel_loop3A_901 = arith.mulf %parallel_loop3A_898, %parallel_loop3A_900 : vector<16xf32>
        %parallel_loop3A_902 = arith.mulf %parallel_loop3A_881, %parallel_loop3A_881 : vector<16xf32>
        %parallel_loop3A_903 = arith.subf %parallel_loop3A_901, %parallel_loop3A_902 : vector<16xf32>
        %parallel_loop3A_904 = arith.constant 9.99999996E-13 : f32
        %parallel_loop3A_905 = vector.broadcast %parallel_loop3A_904 : f32 to vector<16xf32>
        %parallel_loop3A_906 = arith.addf %parallel_loop3A_903, %parallel_loop3A_905 : vector<16xf32>
        %parallel_loop3A_907 = tpu.bitcast %parallel_loop3A_906 : vector<16xf32> -> vector<16xi32>
        %parallel_loop3A_908 = arith.constant 1 : i32
        %parallel_loop3A_909 = vector.broadcast %parallel_loop3A_908 : i32 to vector<16xi32>
        %parallel_loop3A_910 = arith.shrsi %parallel_loop3A_907, %parallel_loop3A_909 : vector<16xi32>
        %parallel_loop3A_911 = arith.constant 1597463007 : i32
        %parallel_loop3A_912 = vector.broadcast %parallel_loop3A_911 : i32 to vector<16xi32>
        %parallel_loop3A_913 = arith.subi %parallel_loop3A_912, %parallel_loop3A_910 : vector<16xi32>
        %parallel_loop3A_914 = tpu.bitcast %parallel_loop3A_913 : vector<16xi32> -> vector<16xf32>
        %parallel_loop3A_915 = arith.constant 5.000000e-01 : f32
        %parallel_loop3A_916 = vector.broadcast %parallel_loop3A_915 : f32 to vector<16xf32>
        %parallel_loop3A_917 = arith.mulf %parallel_loop3A_916, %parallel_loop3A_906 : vector<16xf32>
        %parallel_loop3A_918 = arith.mulf %parallel_loop3A_917, %parallel_loop3A_914 : vector<16xf32>
        %parallel_loop3A_919 = arith.mulf %parallel_loop3A_918, %parallel_loop3A_914 : vector<16xf32>
        %parallel_loop3A_920 = arith.constant 1.500000e+00 : f32
        %parallel_loop3A_921 = vector.broadcast %parallel_loop3A_920 : f32 to vector<16xf32>
        %parallel_loop3A_922 = arith.subf %parallel_loop3A_921, %parallel_loop3A_919 : vector<16xf32>
        %parallel_loop3A_923 = arith.mulf %parallel_loop3A_914, %parallel_loop3A_922 : vector<16xf32>
        %parallel_loop3A_924 = arith.constant 5.000000e-01 : f32
        %parallel_loop3A_925 = vector.broadcast %parallel_loop3A_924 : f32 to vector<16xf32>
        %parallel_loop3A_926 = arith.mulf %parallel_loop3A_925, %parallel_loop3A_906 : vector<16xf32>
        %parallel_loop3A_927 = arith.mulf %parallel_loop3A_926, %parallel_loop3A_923 : vector<16xf32>
        %parallel_loop3A_928 = arith.mulf %parallel_loop3A_927, %parallel_loop3A_923 : vector<16xf32>
        %parallel_loop3A_929 = arith.constant 1.500000e+00 : f32
        %parallel_loop3A_930 = vector.broadcast %parallel_loop3A_929 : f32 to vector<16xf32>
        %parallel_loop3A_931 = arith.subf %parallel_loop3A_930, %parallel_loop3A_928 : vector<16xf32>
        %parallel_loop3A_932 = arith.mulf %parallel_loop3A_923, %parallel_loop3A_931 : vector<16xf32>
        %parallel_loop3A_933 = vector.broadcast %parallel_loop3A_835 : i32 to vector<16xi32>
        %parallel_loop3A_934 = arith.subf %parallel_loop3A_839, %parallel_loop3A_881 : vector<16xf32>
        %parallel_loop3A_935 = arith.mulf %parallel_loop3A_934, %parallel_loop3A_932 : vector<16xf32>
        %parallel_loop3A_936 = arith.mulf %parallel_loop3A_935, %get3A_3 : vector<16xf32>
        %parallel_loop3A_937 = arith.addf %parallel_loop3A_936, %get3A_11 : vector<16xf32>
        tpu.vector_store_idx %arg15[%shift_right_arithmetic3A_22, %and3A_66, %and3A_45, %parallel_loop3A_933], %parallel_loop3A_937 : memref<8x1x8x129xf32, #tpu.memory_space<vmem>>[vector<16xi32>, vector<16xi32>, vector<16xi32>, vector<16xi32>], vector<16xf32>,
        %parallel_loop3A_938 = arith.subf %parallel_loop3A_843, %parallel_loop3A_881 : vector<16xf32>
        %parallel_loop3A_939 = arith.mulf %parallel_loop3A_938, %parallel_loop3A_932 : vector<16xf32>
        %parallel_loop3A_940 = arith.mulf %parallel_loop3A_939, %get3A_5 : vector<16xf32>
        %parallel_loop3A_941 = arith.addf %parallel_loop3A_940, %get3A_13 : vector<16xf32>
        tpu.vector_store_idx %arg15[%shift_right_arithmetic3A_28, %and3A_66, %and3A_51, %parallel_loop3A_933], %parallel_loop3A_941 : memref<8x1x8x129xf32, #tpu.memory_space<vmem>>[vector<16xi32>, vector<16xi32>, vector<16xi32>, vector<16xi32>], vector<16xf32>,
        %parallel_loop3A_942 = arith.subf %parallel_loop3A_847, %parallel_loop3A_881 : vector<16xf32>
        %parallel_loop3A_943 = arith.mulf %parallel_loop3A_942, %parallel_loop3A_932 : vector<16xf32>
        %parallel_loop3A_944 = arith.mulf %parallel_loop3A_943, %get3A_7 : vector<16xf32>
        %parallel_loop3A_945 = arith.addf %parallel_loop3A_944, %get3A_15 : vector<16xf32>
        tpu.vector_store_idx %arg15[%shift_right_arithmetic3A_34, %and3A_66, %and3A_57, %parallel_loop3A_933], %parallel_loop3A_945 : memref<8x1x8x129xf32, #tpu.memory_space<vmem>>[vector<16xi32>, vector<16xi32>, vector<16xi32>, vector<16xi32>], vector<16xf32>,
        %parallel_loop3A_946 = arith.subf %parallel_loop3A_851, %parallel_loop3A_881 : vector<16xf32>
        %parallel_loop3A_947 = arith.mulf %parallel_loop3A_946, %parallel_loop3A_932 : vector<16xf32>
        %parallel_loop3A_948 = arith.mulf %parallel_loop3A_947, %get3A_9 : vector<16xf32>
        %parallel_loop3A_949 = arith.addf %parallel_loop3A_948, %get3A_17 : vector<16xf32>
        tpu.vector_store_idx %arg15[%shift_right_arithmetic3A_40, %and3A_66, %and3A_63, %parallel_loop3A_933], %parallel_loop3A_949 : memref<8x1x8x129xf32, #tpu.memory_space<vmem>>[vector<16xi32>, vector<16xi32>, vector<16xi32>, vector<16xi32>], vector<16xf32>,
      } {sc.loop_unroll_factor = 2 : i64, sc.parallel_access}
      %add3A_651 = arith.addi %mul3A_2, %add3A_592 : i32
      %jit3A_652 = arith.constant 32 : i32
      %div3A_653 = arith.divsi %add3A_651, %jit3A_652 : i32
      %sign3A_654 = arith.constant 0 : i32
      %sign3A_655 = arith.cmpi sgt, %add3A_651, %sign3A_654 : i32
      %sign3A_656 = arith.extui %sign3A_655 : i1 to i32
      %sign3A_657 = arith.constant 0 : i32
      %sign3A_658 = arith.cmpi slt, %add3A_651, %sign3A_657 : i32
      %sign3A_659 = arith.extui %sign3A_658 : i1 to i32
      %sign3A_660 = arith.subi %sign3A_656, %sign3A_659 : i32
      %sign3A_661 = arith.constant 0 : i32
      %sign3A_662 = arith.cmpi sgt, %jit3A_652, %sign3A_661 : i32
      %sign3A_663 = arith.extui %sign3A_662 : i1 to i32
      %sign3A_664 = arith.constant 0 : i32
      %sign3A_665 = arith.cmpi slt, %jit3A_652, %sign3A_664 : i32
      %sign3A_666 = arith.extui %sign3A_665 : i1 to i32
      %sign3A_667 = arith.subi %sign3A_663, %sign3A_666 : i32
      %ne3A_668 = arith.cmpi ne, %sign3A_660, %sign3A_667 : i32
      %rem3A_669 = arith.remsi %add3A_651, %jit3A_652 : i32
      %ne3A_670 = arith.constant 0 : i32
      %ne3A_671 = arith.cmpi ne, %rem3A_669, %ne3A_670 : i32
      %and3A_672 = arith.andi %ne3A_668, %ne3A_671 : i1
      %sub3A_673 = arith.constant 1 : i32
      %sub3A_674 = arith.subi %div3A_653, %sub3A_673 : i32
      %select_n3A_675 = arith.select %and3A_672, %sub3A_674, %div3A_653 : i32
      %jit3A_676 = arith.constant 32 : i32
      %eq3A_677 = arith.constant 0 : i32
      %eq3A_678 = arith.cmpi eq, %jit3A_676, %eq3A_677 : i32
      %jit3A_679 = arith.constant 1 : i32
      %select_n3A_680 = arith.select %eq3A_678, %jit3A_679, %jit3A_676 : i32
      %rem3A_681 = arith.remsi %add3A_651, %select_n3A_680 : i32
      %ne3A_682 = arith.constant 0 : i32
      %ne3A_683 = arith.cmpi ne, %rem3A_681, %ne3A_682 : i32
      %lt3A_684 = arith.constant 0 : i32
      %lt3A_685 = arith.cmpi slt, %rem3A_681, %lt3A_684 : i32
      %lt3A_686 = arith.constant 0 : i32
      %lt3A_687 = arith.cmpi slt, %select_n3A_680, %lt3A_686 : i32
      %ne3A_688 = arith.xori %lt3A_685, %lt3A_687 : i1
      %and3A_689 = arith.andi %ne3A_688, %ne3A_683 : i1
      %add3A_690 = arith.addi %rem3A_681, %select_n3A_680 : i32
      %select_n3A_691 = arith.select %and3A_689, %add3A_690, %rem3A_681 : i32
      %dma_start3A_692 = arith.constant 0 : i32
      %dma_start3A_693 = arith.constant 0 : i32
      %dma_start3A_694 = arith.constant 0 : i32
      %dma_start3A_695 = arith.constant 0 : i32
      %dma_start3A_696 = tpu.memref_slice %arg15[%dma_start3A_692, %dma_start3A_693, %dma_start3A_694, %dma_start3A_695] : memref<8x1x8x129xf32, #tpu.memory_space<vmem>> -> memref<8x1x8x128xf32, #tpu.memory_space<vmem>>
      %dma_start3A_697 = arith.constant 0 : i32
      %dma_start3A_698 = arith.constant 0 : i32
      %dma_start3A_699 = arith.constant 0 : i32
      %dma_start3A_700 = tpu.memref_slice %arg7[%select_n3A_675, %dma_start3A_697, %select_n3A_691, %dma_start3A_698, %dma_start3A_699] : memref<200x8x32x8x128xf32, #tpu.memory_space<hbm>> -> memref<1x8x1x8x128xf32, #tpu.memory_space<hbm>>
      %dma_start3A_701 = tpu.memref_squeeze %dma_start3A_700 : memref<1x8x1x8x128xf32, #tpu.memory_space<hbm>> -> memref<8x1x8x128xf32, #tpu.memory_space<hbm>>
      %dma_start3A_702 = arith.constant 0 : i32
      %dma_start3A_703 = arith.constant 0 : i32
      %dma_start3A_704 = arith.constant 0 : i32
      %dma_start3A_705 = tpu.memref_slice %arg7[%select_n3A_675, %dma_start3A_702, %select_n3A_691, %dma_start3A_703, %dma_start3A_704] : memref<200x8x32x8x128xf32, #tpu.memory_space<hbm>> -> memref<1x8x1x8x128xf32, #tpu.memory_space<hbm>>
      %dma_start3A_706 = tpu.memref_squeeze %dma_start3A_705 : memref<1x8x1x8x128xf32, #tpu.memory_space<hbm>> -> memref<8x1x8x128xf32, #tpu.memory_space<hbm>>
      %dma_start3A_707 = arith.constant 0 : i32
      %dma_start3A_708 = arith.constant 0 : i32
      %dma_start3A_709 = arith.constant 0 : i32
      %dma_start3A_710 = arith.constant 0 : i32
      %dma_start3A_711 = tpu.memref_slice %arg15[%dma_start3A_707, %dma_start3A_708, %dma_start3A_709, %dma_start3A_710] : memref<8x1x8x129xf32, #tpu.memory_space<vmem>> -> memref<8x1x8x128xf32, #tpu.memory_space<vmem>>
      tpu.enqueue_dma source(%dma_start3A_711 : memref<8x1x8x128xf32, #tpu.memory_space<vmem>>) target(%dma_start3A_706 : memref<8x1x8x128xf32, #tpu.memory_space<hbm>>) target_semaphore(%arg26 : memref<!tpu.dma_semaphore, #tpu.memory_space<semaphore_mem>>)
      %mul3A_712 = arith.constant 4 : i32
      %mul3A_713 = arith.muli %scan3A_346, %mul3A_712 : i32
      %add3A_714 = arith.constant 3 : i32
      %add3A_715 = arith.addi %mul3A_713, %add3A_714 : i32
      %add3A_716 = arith.constant 3 : i32
      %add3A_717 = arith.addi %add3A_715, %add3A_716 : i32
      %lt3A_718 = arith.constant 200 : i32
      %lt3A_719 = arith.cmpi slt, %add3A_717, %lt3A_718 : i32
      %convert_element_type3A_720 = arith.extui %lt3A_719 : i1 to i32
      %cond3A_721 = arith.constant 0 : i32
      %cond3A_722 = arith.cmpi ne, %convert_element_type3A_720, %cond3A_721 : i32
      scf.if %cond3A_722 {
        %add3A_835 = arith.constant 3 : i32
        %add3A_836 = arith.addi %add3A_715, %add3A_835 : i32
        %dma_start3A_837 = arith.constant 0 : i32
        %dma_start3A_838 = tpu.memref_slice %arg8[%add3A_836, %dma_start3A_837] : memref<200x128xi32, #tpu.memory_space<vmem>> -> memref<1x128xi32, #tpu.memory_space<vmem>>
        %dma_start3A_839 = tpu.memref_squeeze %dma_start3A_838 : memref<1x128xi32, #tpu.memory_space<vmem>> -> memref<128xi32, #tpu.memory_space<vmem>>
        %dma_start3A_840 = arith.constant 0 : i32
        %dma_start3A_841 = arith.constant 0 : i32
        %dma_start3A_842 = tpu.memref_slice %arg3[%dma_start3A_840, %dma_start3A_841] : memref<2000000x64xf32, #tpu.memory_space<hbm>> -> memref<2000000x64xf32, #tpu.memory_space<hbm>>
        tpu.enqueue_indirect_dma source(%dma_start3A_842 : memref<2000000x64xf32, #tpu.memory_space<hbm>>) target(%arg11 : memref<128x64xf32, #tpu.memory_space<vmem>>) offsets(%dma_start3A_839 : memref<128xi32, #tpu.memory_space<vmem>>) semaphore(%arg22 : memref<!tpu.dma_semaphore, #tpu.memory_space<semaphore_mem>>)
      } else {
      }
      %dma_wait3A_723 = arith.constant 0 : i32
      %dma_wait3A_724 = tpu.memref_slice %arg8[%add3A_715, %dma_wait3A_723] : memref<200x128xi32, #tpu.memory_space<vmem>> -> memref<1x128xi32, #tpu.memory_space<vmem>>
      %dma_wait3A_725 = tpu.memref_squeeze %dma_wait3A_724 : memref<1x128xi32, #tpu.memory_space<vmem>> -> memref<128xi32, #tpu.memory_space<vmem>>
      %dma_wait3A_726 = arith.constant 0 : i32
      %dma_wait3A_727 = arith.constant 0 : i32
      %dma_wait3A_728 = tpu.memref_slice %arg3[%dma_wait3A_726, %dma_wait3A_727] : memref<2000000x64xf32, #tpu.memory_space<hbm>> -> memref<2000000x64xf32, #tpu.memory_space<hbm>>
      tpu.wait_indirect_dma semaphore(%arg23 : memref<!tpu.dma_semaphore, #tpu.memory_space<semaphore_mem>>) src(%dma_wait3A_728 : memref<2000000x64xf32, #tpu.memory_space<hbm>>) dst(%arg12 : memref<128x64xf32, #tpu.memory_space<vmem>>)
      %ge3A_729 = arith.constant 4 : i32
      %ge3A_730 = arith.cmpi sge, %add3A_715, %ge3A_729 : i32
      %convert_element_type3A_731 = arith.extui %ge3A_730 : i1 to i32
      %cond3A_732 = arith.constant 0 : i32
      %cond3A_733 = arith.cmpi ne, %convert_element_type3A_731, %cond3A_732 : i32
      scf.if %cond3A_733 {
        %add3A_835 = arith.addi %mul3A_2, %add3A_715 : i32
        %sub3A_836 = arith.constant 4 : i32
        %sub3A_837 = arith.subi %add3A_835, %sub3A_836 : i32
        %jit3A_838 = arith.constant 32 : i32
        %div3A_839 = arith.divsi %sub3A_837, %jit3A_838 : i32
        %sign3A_840 = arith.constant 0 : i32
        %sign3A_841 = arith.cmpi sgt, %sub3A_837, %sign3A_840 : i32
        %sign3A_842 = arith.extui %sign3A_841 : i1 to i32
        %sign3A_843 = arith.constant 0 : i32
        %sign3A_844 = arith.cmpi slt, %sub3A_837, %sign3A_843 : i32
        %sign3A_845 = arith.extui %sign3A_844 : i1 to i32
        %sign3A_846 = arith.subi %sign3A_842, %sign3A_845 : i32
        %sign3A_847 = arith.constant 0 : i32
        %sign3A_848 = arith.cmpi sgt, %jit3A_838, %sign3A_847 : i32
        %sign3A_849 = arith.extui %sign3A_848 : i1 to i32
        %sign3A_850 = arith.constant 0 : i32
        %sign3A_851 = arith.cmpi slt, %jit3A_838, %sign3A_850 : i32
        %sign3A_852 = arith.extui %sign3A_851 : i1 to i32
        %sign3A_853 = arith.subi %sign3A_849, %sign3A_852 : i32
        %ne3A_854 = arith.cmpi ne, %sign3A_846, %sign3A_853 : i32
        %rem3A_855 = arith.remsi %sub3A_837, %jit3A_838 : i32
        %ne3A_856 = arith.constant 0 : i32
        %ne3A_857 = arith.cmpi ne, %rem3A_855, %ne3A_856 : i32
        %and3A_858 = arith.andi %ne3A_854, %ne3A_857 : i1
        %sub3A_859 = arith.constant 1 : i32
        %sub3A_860 = arith.subi %div3A_839, %sub3A_859 : i32
        %select_n3A_861 = arith.select %and3A_858, %sub3A_860, %div3A_839 : i32
        %jit3A_862 = arith.constant 32 : i32
        %eq3A_863 = arith.constant 0 : i32
        %eq3A_864 = arith.cmpi eq, %jit3A_862, %eq3A_863 : i32
        %jit3A_865 = arith.constant 1 : i32
        %select_n3A_866 = arith.select %eq3A_864, %jit3A_865, %jit3A_862 : i32
        %rem3A_867 = arith.remsi %sub3A_837, %select_n3A_866 : i32
        %ne3A_868 = arith.constant 0 : i32
        %ne3A_869 = arith.cmpi ne, %rem3A_867, %ne3A_868 : i32
        %lt3A_870 = arith.constant 0 : i32
        %lt3A_871 = arith.cmpi slt, %rem3A_867, %lt3A_870 : i32
        %lt3A_872 = arith.constant 0 : i32
        %lt3A_873 = arith.cmpi slt, %select_n3A_866, %lt3A_872 : i32
        %ne3A_874 = arith.xori %lt3A_871, %lt3A_873 : i1
        %and3A_875 = arith.andi %ne3A_874, %ne3A_869 : i1
        %add3A_876 = arith.addi %rem3A_867, %select_n3A_866 : i32
        %select_n3A_877 = arith.select %and3A_875, %add3A_876, %rem3A_867 : i32
        %dma_wait3A_878 = arith.constant 0 : i32
        %dma_wait3A_879 = arith.constant 0 : i32
        %dma_wait3A_880 = arith.constant 0 : i32
        %dma_wait3A_881 = arith.constant 0 : i32
        %dma_wait3A_882 = tpu.memref_slice %arg16[%dma_wait3A_878, %dma_wait3A_879, %dma_wait3A_880, %dma_wait3A_881] : memref<8x1x8x129xf32, #tpu.memory_space<vmem>> -> memref<8x1x8x128xf32, #tpu.memory_space<vmem>>
        %dma_wait3A_883 = arith.constant 0 : i32
        %dma_wait3A_884 = arith.constant 0 : i32
        %dma_wait3A_885 = arith.constant 0 : i32
        %dma_wait3A_886 = tpu.memref_slice %arg7[%select_n3A_861, %dma_wait3A_883, %select_n3A_877, %dma_wait3A_884, %dma_wait3A_885] : memref<200x8x32x8x128xf32, #tpu.memory_space<hbm>> -> memref<1x8x1x8x128xf32, #tpu.memory_space<hbm>>
        %dma_wait3A_887 = tpu.memref_squeeze %dma_wait3A_886 : memref<1x8x1x8x128xf32, #tpu.memory_space<hbm>> -> memref<8x1x8x128xf32, #tpu.memory_space<hbm>>
        %dma_wait3A_888 = arith.constant 0 : i32
        %dma_wait3A_889 = arith.constant 0 : i32
        %dma_wait3A_890 = arith.constant 0 : i32
        %dma_wait3A_891 = tpu.memref_slice %arg7[%select_n3A_861, %dma_wait3A_888, %select_n3A_877, %dma_wait3A_889, %dma_wait3A_890] : memref<200x8x32x8x128xf32, #tpu.memory_space<hbm>> -> memref<1x8x1x8x128xf32, #tpu.memory_space<hbm>>
        %dma_wait3A_892 = tpu.memref_squeeze %dma_wait3A_891 : memref<1x8x1x8x128xf32, #tpu.memory_space<hbm>> -> memref<8x1x8x128xf32, #tpu.memory_space<hbm>>
        %dma_wait3A_893 = arith.constant 0 : i32
        %dma_wait3A_894 = arith.constant 0 : i32
        %dma_wait3A_895 = arith.constant 0 : i32
        %dma_wait3A_896 = arith.constant 0 : i32
        %dma_wait3A_897 = tpu.memref_slice %arg16[%dma_wait3A_893, %dma_wait3A_894, %dma_wait3A_895, %dma_wait3A_896] : memref<8x1x8x129xf32, #tpu.memory_space<vmem>> -> memref<8x1x8x128xf32, #tpu.memory_space<vmem>>
        tpu.wait_dma2 semaphore(%arg27 : memref<!tpu.dma_semaphore, #tpu.memory_space<semaphore_mem>>) src(%dma_wait3A_897 : memref<8x1x8x128xf32, #tpu.memory_space<vmem>>) dst(%dma_wait3A_892 : memref<8x1x8x128xf32, #tpu.memory_space<hbm>>)
      } else {
      }
      %add3A_734 = arith.addi %mul3A_2, %add3A_715 : i32
      %jit3A_735 = arith.constant 32 : i32
      %div3A_736 = arith.divsi %add3A_734, %jit3A_735 : i32
      %sign3A_737 = arith.constant 0 : i32
      %sign3A_738 = arith.cmpi sgt, %add3A_734, %sign3A_737 : i32
      %sign3A_739 = arith.extui %sign3A_738 : i1 to i32
      %sign3A_740 = arith.constant 0 : i32
      %sign3A_741 = arith.cmpi slt, %add3A_734, %sign3A_740 : i32
      %sign3A_742 = arith.extui %sign3A_741 : i1 to i32
      %sign3A_743 = arith.subi %sign3A_739, %sign3A_742 : i32
      %sign3A_744 = arith.constant 0 : i32
      %sign3A_745 = arith.cmpi sgt, %jit3A_735, %sign3A_744 : i32
      %sign3A_746 = arith.extui %sign3A_745 : i1 to i32
      %sign3A_747 = arith.constant 0 : i32
      %sign3A_748 = arith.cmpi slt, %jit3A_735, %sign3A_747 : i32
      %sign3A_749 = arith.extui %sign3A_748 : i1 to i32
      %sign3A_750 = arith.subi %sign3A_746, %sign3A_749 : i32
      %ne3A_751 = arith.cmpi ne, %sign3A_743, %sign3A_750 : i32
      %rem3A_752 = arith.remsi %add3A_734, %jit3A_735 : i32
      %ne3A_753 = arith.constant 0 : i32
      %ne3A_754 = arith.cmpi ne, %rem3A_752, %ne3A_753 : i32
      %and3A_755 = arith.andi %ne3A_751, %ne3A_754 : i1
      %sub3A_756 = arith.constant 1 : i32
      %sub3A_757 = arith.subi %div3A_736, %sub3A_756 : i32
      %select_n3A_758 = arith.select %and3A_755, %sub3A_757, %div3A_736 : i32
      %get3A_759 = arith.index_cast %select_n3A_758 : i32 to index
      %get3A_760 = arith.constant 0 : index
      %get3A_761 = tpu.vector_load %arg17[%get3A_759, %get3A_760] {strides = array<i32>} : memref<200x64xf32, #tpu.memory_space<vmem>>, vector<16xf32>,
      %get3A_762 = arith.index_cast %select_n3A_758 : i32 to index
      %get3A_763 = arith.constant 16 : index
      %get3A_764 = tpu.vector_load %arg17[%get3A_762, %get3A_763] {strides = array<i32>} : memref<200x64xf32, #tpu.memory_space<vmem>>, vector<16xf32>,
      %get3A_765 = arith.index_cast %select_n3A_758 : i32 to index
      %get3A_766 = arith.constant 32 : index
      %get3A_767 = tpu.vector_load %arg17[%get3A_765, %get3A_766] {strides = array<i32>} : memref<200x64xf32, #tpu.memory_space<vmem>>, vector<16xf32>,
      %get3A_768 = arith.index_cast %select_n3A_758 : i32 to index
      %get3A_769 = arith.constant 48 : index
      %get3A_770 = tpu.vector_load %arg17[%get3A_768, %get3A_769] {strides = array<i32>} : memref<200x64xf32, #tpu.memory_space<vmem>>, vector<16xf32>,
      %parallel_loop3A_771 = arith.constant 0 : i32
      %parallel_loop3A_772 = arith.constant 128 : i32
      %parallel_loop3A_773 = arith.constant 1 : i32
      scf.for %parallel_loop3A_835 = %parallel_loop3A_771 to %parallel_loop3A_772 step %parallel_loop3A_773  : i32 {
        %parallel_loop3A_836 = arith.index_cast %parallel_loop3A_835 : i32 to index
        %parallel_loop3A_837 = arith.constant 0 : index
        %parallel_loop3A_838 = tpu.vector_load %arg12[%parallel_loop3A_836, %parallel_loop3A_837] {strides = array<i32>} : memref<128x64xf32, #tpu.memory_space<vmem>>, vector<16xf32>,
        %parallel_loop3A_839 = arith.addf %parallel_loop3A_838, %get3A_761 : vector<16xf32>
        %parallel_loop3A_840 = arith.index_cast %parallel_loop3A_835 : i32 to index
        %parallel_loop3A_841 = arith.constant 16 : index
        %parallel_loop3A_842 = tpu.vector_load %arg12[%parallel_loop3A_840, %parallel_loop3A_841] {strides = array<i32>} : memref<128x64xf32, #tpu.memory_space<vmem>>, vector<16xf32>,
        %parallel_loop3A_843 = arith.addf %parallel_loop3A_842, %get3A_764 : vector<16xf32>
        %parallel_loop3A_844 = arith.index_cast %parallel_loop3A_835 : i32 to index
        %parallel_loop3A_845 = arith.constant 32 : index
        %parallel_loop3A_846 = tpu.vector_load %arg12[%parallel_loop3A_844, %parallel_loop3A_845] {strides = array<i32>} : memref<128x64xf32, #tpu.memory_space<vmem>>, vector<16xf32>,
        %parallel_loop3A_847 = arith.addf %parallel_loop3A_846, %get3A_767 : vector<16xf32>
        %parallel_loop3A_848 = arith.index_cast %parallel_loop3A_835 : i32 to index
        %parallel_loop3A_849 = arith.constant 48 : index
        %parallel_loop3A_850 = tpu.vector_load %arg12[%parallel_loop3A_848, %parallel_loop3A_849] {strides = array<i32>} : memref<128x64xf32, #tpu.memory_space<vmem>>, vector<16xf32>,
        %parallel_loop3A_851 = arith.addf %parallel_loop3A_850, %get3A_770 : vector<16xf32>
        %parallel_loop3A_852 = arith.addf %parallel_loop3A_839, %parallel_loop3A_843 : vector<16xf32>
        %parallel_loop3A_853 = arith.addf %parallel_loop3A_847, %parallel_loop3A_851 : vector<16xf32>
        %parallel_loop3A_854 = arith.addf %parallel_loop3A_852, %parallel_loop3A_853 : vector<16xf32>
        %parallel_loop3A_855 = arith.mulf %parallel_loop3A_839, %parallel_loop3A_839 : vector<16xf32>
        %parallel_loop3A_856 = arith.mulf %parallel_loop3A_843, %parallel_loop3A_843 : vector<16xf32>
        %parallel_loop3A_857 = arith.addf %parallel_loop3A_855, %parallel_loop3A_856 : vector<16xf32>
        %parallel_loop3A_858 = arith.mulf %parallel_loop3A_847, %parallel_loop3A_847 : vector<16xf32>
        %parallel_loop3A_859 = arith.mulf %parallel_loop3A_851, %parallel_loop3A_851 : vector<16xf32>
        %parallel_loop3A_860 = arith.addf %parallel_loop3A_858, %parallel_loop3A_859 : vector<16xf32>
        %parallel_loop3A_861 = arith.addf %parallel_loop3A_857, %parallel_loop3A_860 : vector<16xf32>
        %parallel_loop3A_862 = arith.constant true
        %parallel_loop3A_863 = vector.broadcast %parallel_loop3A_862 : i1 to vector<16xi1>
        %parallel_loop3A_864 = tpu.scan <sum>, %parallel_loop3A_854 masked %parallel_loop3A_863 : vector<16xf32>, vector<16xi1> -> vector<16xf32>
        %parallel_loop3A_865 = tpu.iota {dimensions = array<i32: 0>} : vector<16xi32>
        %parallel_loop3A_866 = arith.constant 15 : i32
        %parallel_loop3A_867 = vector.broadcast %parallel_loop3A_866 : i32 to vector<16xi32>
        %parallel_loop3A_868 = arith.ori %parallel_loop3A_865, %parallel_loop3A_867 : vector<16xi32>
        %parallel_loop3A_869 = arith.constant 0 : i32
        %parallel_loop3A_870 = vector.broadcast %parallel_loop3A_869 : i32 to vector<16xi32>
        %parallel_loop3A_871 = arith.cmpi slt, %parallel_loop3A_868, %parallel_loop3A_870 : vector<16xi32>
        %parallel_loop3A_872 = arith.constant 16 : i32
        %parallel_loop3A_873 = vector.broadcast %parallel_loop3A_872 : i32 to vector<16xi32>
        %parallel_loop3A_874 = arith.addi %parallel_loop3A_868, %parallel_loop3A_873 : vector<16xi32>
        %parallel_loop3A_875 = arith.select %parallel_loop3A_871, %parallel_loop3A_874, %parallel_loop3A_868 : vector<16xi1>, vector<16xi32>
        %parallel_loop3A_876 = vector.shape_cast %parallel_loop3A_875 : vector<16xi32> to vector<16x1xi32>
        %parallel_loop3A_877 = vector.shape_cast %parallel_loop3A_876 : vector<16x1xi32> to vector<16xi32>
        %parallel_loop3A_878 = tpu.dynamic_gather %parallel_loop3A_864[%parallel_loop3A_877] in [0] : vector<16xf32>, vector<16xi32> -> vector<16xf32>
        %parallel_loop3A_879 = arith.constant 1.562500e-02 : f32
        %parallel_loop3A_880 = vector.broadcast %parallel_loop3A_879 : f32 to vector<16xf32>
        %parallel_loop3A_881 = arith.mulf %parallel_loop3A_878, %parallel_loop3A_880 : vector<16xf32>
        %parallel_loop3A_882 = arith.constant true
        %parallel_loop3A_883 = vector.broadcast %parallel_loop3A_882 : i1 to vector<16xi1>
        %parallel_loop3A_884 = tpu.scan <sum>, %parallel_loop3A_861 masked %parallel_loop3A_883 : vector<16xf32>, vector<16xi1> -> vector<16xf32>
        %parallel_loop3A_885 = tpu.iota {dimensions = array<i32: 0>} : vector<16xi32>
        %parallel_loop3A_886 = arith.constant 15 : i32
        %parallel_loop3A_887 = vector.broadcast %parallel_loop3A_886 : i32 to vector<16xi32>
        %parallel_loop3A_888 = arith.ori %parallel_loop3A_885, %parallel_loop3A_887 : vector<16xi32>
        %parallel_loop3A_889 = arith.constant 0 : i32
        %parallel_loop3A_890 = vector.broadcast %parallel_loop3A_889 : i32 to vector<16xi32>
        %parallel_loop3A_891 = arith.cmpi slt, %parallel_loop3A_888, %parallel_loop3A_890 : vector<16xi32>
        %parallel_loop3A_892 = arith.constant 16 : i32
        %parallel_loop3A_893 = vector.broadcast %parallel_loop3A_892 : i32 to vector<16xi32>
        %parallel_loop3A_894 = arith.addi %parallel_loop3A_888, %parallel_loop3A_893 : vector<16xi32>
        %parallel_loop3A_895 = arith.select %parallel_loop3A_891, %parallel_loop3A_894, %parallel_loop3A_888 : vector<16xi1>, vector<16xi32>
        %parallel_loop3A_896 = vector.shape_cast %parallel_loop3A_895 : vector<16xi32> to vector<16x1xi32>
        %parallel_loop3A_897 = vector.shape_cast %parallel_loop3A_896 : vector<16x1xi32> to vector<16xi32>
        %parallel_loop3A_898 = tpu.dynamic_gather %parallel_loop3A_884[%parallel_loop3A_897] in [0] : vector<16xf32>, vector<16xi32> -> vector<16xf32>
        %parallel_loop3A_899 = arith.constant 1.562500e-02 : f32
        %parallel_loop3A_900 = vector.broadcast %parallel_loop3A_899 : f32 to vector<16xf32>
        %parallel_loop3A_901 = arith.mulf %parallel_loop3A_898, %parallel_loop3A_900 : vector<16xf32>
        %parallel_loop3A_902 = arith.mulf %parallel_loop3A_881, %parallel_loop3A_881 : vector<16xf32>
        %parallel_loop3A_903 = arith.subf %parallel_loop3A_901, %parallel_loop3A_902 : vector<16xf32>
        %parallel_loop3A_904 = arith.constant 9.99999996E-13 : f32
        %parallel_loop3A_905 = vector.broadcast %parallel_loop3A_904 : f32 to vector<16xf32>
        %parallel_loop3A_906 = arith.addf %parallel_loop3A_903, %parallel_loop3A_905 : vector<16xf32>
        %parallel_loop3A_907 = tpu.bitcast %parallel_loop3A_906 : vector<16xf32> -> vector<16xi32>
        %parallel_loop3A_908 = arith.constant 1 : i32
        %parallel_loop3A_909 = vector.broadcast %parallel_loop3A_908 : i32 to vector<16xi32>
        %parallel_loop3A_910 = arith.shrsi %parallel_loop3A_907, %parallel_loop3A_909 : vector<16xi32>
        %parallel_loop3A_911 = arith.constant 1597463007 : i32
        %parallel_loop3A_912 = vector.broadcast %parallel_loop3A_911 : i32 to vector<16xi32>
        %parallel_loop3A_913 = arith.subi %parallel_loop3A_912, %parallel_loop3A_910 : vector<16xi32>
        %parallel_loop3A_914 = tpu.bitcast %parallel_loop3A_913 : vector<16xi32> -> vector<16xf32>
        %parallel_loop3A_915 = arith.constant 5.000000e-01 : f32
        %parallel_loop3A_916 = vector.broadcast %parallel_loop3A_915 : f32 to vector<16xf32>
        %parallel_loop3A_917 = arith.mulf %parallel_loop3A_916, %parallel_loop3A_906 : vector<16xf32>
        %parallel_loop3A_918 = arith.mulf %parallel_loop3A_917, %parallel_loop3A_914 : vector<16xf32>
        %parallel_loop3A_919 = arith.mulf %parallel_loop3A_918, %parallel_loop3A_914 : vector<16xf32>
        %parallel_loop3A_920 = arith.constant 1.500000e+00 : f32
        %parallel_loop3A_921 = vector.broadcast %parallel_loop3A_920 : f32 to vector<16xf32>
        %parallel_loop3A_922 = arith.subf %parallel_loop3A_921, %parallel_loop3A_919 : vector<16xf32>
        %parallel_loop3A_923 = arith.mulf %parallel_loop3A_914, %parallel_loop3A_922 : vector<16xf32>
        %parallel_loop3A_924 = arith.constant 5.000000e-01 : f32
        %parallel_loop3A_925 = vector.broadcast %parallel_loop3A_924 : f32 to vector<16xf32>
        %parallel_loop3A_926 = arith.mulf %parallel_loop3A_925, %parallel_loop3A_906 : vector<16xf32>
        %parallel_loop3A_927 = arith.mulf %parallel_loop3A_926, %parallel_loop3A_923 : vector<16xf32>
        %parallel_loop3A_928 = arith.mulf %parallel_loop3A_927, %parallel_loop3A_923 : vector<16xf32>
        %parallel_loop3A_929 = arith.constant 1.500000e+00 : f32
        %parallel_loop3A_930 = vector.broadcast %parallel_loop3A_929 : f32 to vector<16xf32>
        %parallel_loop3A_931 = arith.subf %parallel_loop3A_930, %parallel_loop3A_928 : vector<16xf32>
        %parallel_loop3A_932 = arith.mulf %parallel_loop3A_923, %parallel_loop3A_931 : vector<16xf32>
        %parallel_loop3A_933 = vector.broadcast %parallel_loop3A_835 : i32 to vector<16xi32>
        %parallel_loop3A_934 = arith.subf %parallel_loop3A_839, %parallel_loop3A_881 : vector<16xf32>
        %parallel_loop3A_935 = arith.mulf %parallel_loop3A_934, %parallel_loop3A_932 : vector<16xf32>
        %parallel_loop3A_936 = arith.mulf %parallel_loop3A_935, %get3A_3 : vector<16xf32>
        %parallel_loop3A_937 = arith.addf %parallel_loop3A_936, %get3A_11 : vector<16xf32>
        tpu.vector_store_idx %arg16[%shift_right_arithmetic3A_22, %and3A_66, %and3A_45, %parallel_loop3A_933], %parallel_loop3A_937 : memref<8x1x8x129xf32, #tpu.memory_space<vmem>>[vector<16xi32>, vector<16xi32>, vector<16xi32>, vector<16xi32>], vector<16xf32>,
        %parallel_loop3A_938 = arith.subf %parallel_loop3A_843, %parallel_loop3A_881 : vector<16xf32>
        %parallel_loop3A_939 = arith.mulf %parallel_loop3A_938, %parallel_loop3A_932 : vector<16xf32>
        %parallel_loop3A_940 = arith.mulf %parallel_loop3A_939, %get3A_5 : vector<16xf32>
        %parallel_loop3A_941 = arith.addf %parallel_loop3A_940, %get3A_13 : vector<16xf32>
        tpu.vector_store_idx %arg16[%shift_right_arithmetic3A_28, %and3A_66, %and3A_51, %parallel_loop3A_933], %parallel_loop3A_941 : memref<8x1x8x129xf32, #tpu.memory_space<vmem>>[vector<16xi32>, vector<16xi32>, vector<16xi32>, vector<16xi32>], vector<16xf32>,
        %parallel_loop3A_942 = arith.subf %parallel_loop3A_847, %parallel_loop3A_881 : vector<16xf32>
        %parallel_loop3A_943 = arith.mulf %parallel_loop3A_942, %parallel_loop3A_932 : vector<16xf32>
        %parallel_loop3A_944 = arith.mulf %parallel_loop3A_943, %get3A_7 : vector<16xf32>
        %parallel_loop3A_945 = arith.addf %parallel_loop3A_944, %get3A_15 : vector<16xf32>
        tpu.vector_store_idx %arg16[%shift_right_arithmetic3A_34, %and3A_66, %and3A_57, %parallel_loop3A_933], %parallel_loop3A_945 : memref<8x1x8x129xf32, #tpu.memory_space<vmem>>[vector<16xi32>, vector<16xi32>, vector<16xi32>, vector<16xi32>], vector<16xf32>,
        %parallel_loop3A_946 = arith.subf %parallel_loop3A_851, %parallel_loop3A_881 : vector<16xf32>
        %parallel_loop3A_947 = arith.mulf %parallel_loop3A_946, %parallel_loop3A_932 : vector<16xf32>
        %parallel_loop3A_948 = arith.mulf %parallel_loop3A_947, %get3A_9 : vector<16xf32>
        %parallel_loop3A_949 = arith.addf %parallel_loop3A_948, %get3A_17 : vector<16xf32>
        tpu.vector_store_idx %arg16[%shift_right_arithmetic3A_40, %and3A_66, %and3A_63, %parallel_loop3A_933], %parallel_loop3A_949 : memref<8x1x8x129xf32, #tpu.memory_space<vmem>>[vector<16xi32>, vector<16xi32>, vector<16xi32>, vector<16xi32>], vector<16xf32>,
      } {sc.loop_unroll_factor = 2 : i64, sc.parallel_access}
      %add3A_774 = arith.addi %mul3A_2, %add3A_715 : i32
      %jit3A_775 = arith.constant 32 : i32
      %div3A_776 = arith.divsi %add3A_774, %jit3A_775 : i32
      %sign3A_777 = arith.constant 0 : i32
      %sign3A_778 = arith.cmpi sgt, %add3A_774, %sign3A_777 : i32
      %sign3A_779 = arith.extui %sign3A_778 : i1 to i32
      %sign3A_780 = arith.constant 0 : i32
      %sign3A_781 = arith.cmpi slt, %add3A_774, %sign3A_780 : i32
      %sign3A_782 = arith.extui %sign3A_781 : i1 to i32
      %sign3A_783 = arith.subi %sign3A_779, %sign3A_782 : i32
      %sign3A_784 = arith.constant 0 : i32
      %sign3A_785 = arith.cmpi sgt, %jit3A_775, %sign3A_784 : i32
      %sign3A_786 = arith.extui %sign3A_785 : i1 to i32
      %sign3A_787 = arith.constant 0 : i32
      %sign3A_788 = arith.cmpi slt, %jit3A_775, %sign3A_787 : i32
      %sign3A_789 = arith.extui %sign3A_788 : i1 to i32
      %sign3A_790 = arith.subi %sign3A_786, %sign3A_789 : i32
      %ne3A_791 = arith.cmpi ne, %sign3A_783, %sign3A_790 : i32
      %rem3A_792 = arith.remsi %add3A_774, %jit3A_775 : i32
      %ne3A_793 = arith.constant 0 : i32
      %ne3A_794 = arith.cmpi ne, %rem3A_792, %ne3A_793 : i32
      %and3A_795 = arith.andi %ne3A_791, %ne3A_794 : i1
      %sub3A_796 = arith.constant 1 : i32
      %sub3A_797 = arith.subi %div3A_776, %sub3A_796 : i32
      %select_n3A_798 = arith.select %and3A_795, %sub3A_797, %div3A_776 : i32
      %jit3A_799 = arith.constant 32 : i32
      %eq3A_800 = arith.constant 0 : i32
      %eq3A_801 = arith.cmpi eq, %jit3A_799, %eq3A_800 : i32
      %jit3A_802 = arith.constant 1 : i32
      %select_n3A_803 = arith.select %eq3A_801, %jit3A_802, %jit3A_799 : i32
      %rem3A_804 = arith.remsi %add3A_774, %select_n3A_803 : i32
      %ne3A_805 = arith.constant 0 : i32
      %ne3A_806 = arith.cmpi ne, %rem3A_804, %ne3A_805 : i32
      %lt3A_807 = arith.constant 0 : i32
      %lt3A_808 = arith.cmpi slt, %rem3A_804, %lt3A_807 : i32
      %lt3A_809 = arith.constant 0 : i32
      %lt3A_810 = arith.cmpi slt, %select_n3A_803, %lt3A_809 : i32
      %ne3A_811 = arith.xori %lt3A_808, %lt3A_810 : i1
      %and3A_812 = arith.andi %ne3A_811, %ne3A_806 : i1
      %add3A_813 = arith.addi %rem3A_804, %select_n3A_803 : i32
      %select_n3A_814 = arith.select %and3A_812, %add3A_813, %rem3A_804 : i32
      %dma_start3A_815 = arith.constant 0 : i32
      %dma_start3A_816 = arith.constant 0 : i32
      %dma_start3A_817 = arith.constant 0 : i32
      %dma_start3A_818 = arith.constant 0 : i32
      %dma_start3A_819 = tpu.memref_slice %arg16[%dma_start3A_815, %dma_start3A_816, %dma_start3A_817, %dma_start3A_818] : memref<8x1x8x129xf32, #tpu.memory_space<vmem>> -> memref<8x1x8x128xf32, #tpu.memory_space<vmem>>
      %dma_start3A_820 = arith.constant 0 : i32
      %dma_start3A_821 = arith.constant 0 : i32
      %dma_start3A_822 = arith.constant 0 : i32
      %dma_start3A_823 = tpu.memref_slice %arg7[%select_n3A_798, %dma_start3A_820, %select_n3A_814, %dma_start3A_821, %dma_start3A_822] : memref<200x8x32x8x128xf32, #tpu.memory_space<hbm>> -> memref<1x8x1x8x128xf32, #tpu.memory_space<hbm>>
      %dma_start3A_824 = tpu.memref_squeeze %dma_start3A_823 : memref<1x8x1x8x128xf32, #tpu.memory_space<hbm>> -> memref<8x1x8x128xf32, #tpu.memory_space<hbm>>
      %dma_start3A_825 = arith.constant 0 : i32
      %dma_start3A_826 = arith.constant 0 : i32
      %dma_start3A_827 = arith.constant 0 : i32
      %dma_start3A_828 = tpu.memref_slice %arg7[%select_n3A_798, %dma_start3A_825, %select_n3A_814, %dma_start3A_826, %dma_start3A_827] : memref<200x8x32x8x128xf32, #tpu.memory_space<hbm>> -> memref<1x8x1x8x128xf32, #tpu.memory_space<hbm>>
      %dma_start3A_829 = tpu.memref_squeeze %dma_start3A_828 : memref<1x8x1x8x128xf32, #tpu.memory_space<hbm>> -> memref<8x1x8x128xf32, #tpu.memory_space<hbm>>
      %dma_start3A_830 = arith.constant 0 : i32
      %dma_start3A_831 = arith.constant 0 : i32
      %dma_start3A_832 = arith.constant 0 : i32
      %dma_start3A_833 = arith.constant 0 : i32
      %dma_start3A_834 = tpu.memref_slice %arg16[%dma_start3A_830, %dma_start3A_831, %dma_start3A_832, %dma_start3A_833] : memref<8x1x8x129xf32, #tpu.memory_space<vmem>> -> memref<8x1x8x128xf32, #tpu.memory_space<vmem>>
      tpu.enqueue_dma source(%dma_start3A_834 : memref<8x1x8x128xf32, #tpu.memory_space<vmem>>) target(%dma_start3A_829 : memref<8x1x8x128xf32, #tpu.memory_space<hbm>>) target_semaphore(%arg27 : memref<!tpu.dma_semaphore, #tpu.memory_space<semaphore_mem>>)
    }
    %scan3A_91 = arith.constant 50 : i32
    %add3A_92 = arith.constant 200 : i32
    %add3A_93 = arith.addi %mul3A_2, %add3A_92 : i32
    %sub3A = arith.constant 4 : i32
    %sub3A_94 = arith.subi %add3A_93, %sub3A : i32
    %add3A_95 = arith.constant 0 : i32
    %add3A_96 = arith.addi %sub3A_94, %add3A_95 : i32
    %jit3A = arith.constant 32 : i32
    %div3A = arith.divsi %add3A_96, %jit3A : i32
    %sign3A = arith.constant 0 : i32
    %sign3A_97 = arith.cmpi sgt, %add3A_96, %sign3A : i32
    %sign3A_98 = arith.extui %sign3A_97 : i1 to i32
    %sign3A_99 = arith.constant 0 : i32
    %sign3A_100 = arith.cmpi slt, %add3A_96, %sign3A_99 : i32
    %sign3A_101 = arith.extui %sign3A_100 : i1 to i32
    %sign3A_102 = arith.subi %sign3A_98, %sign3A_101 : i32
    %sign3A_103 = arith.constant 0 : i32
    %sign3A_104 = arith.cmpi sgt, %jit3A, %sign3A_103 : i32
    %sign3A_105 = arith.extui %sign3A_104 : i1 to i32
    %sign3A_106 = arith.constant 0 : i32
    %sign3A_107 = arith.cmpi slt, %jit3A, %sign3A_106 : i32
    %sign3A_108 = arith.extui %sign3A_107 : i1 to i32
    %sign3A_109 = arith.subi %sign3A_105, %sign3A_108 : i32
    %ne3A = arith.cmpi ne, %sign3A_102, %sign3A_109 : i32
    %rem3A = arith.remsi %add3A_96, %jit3A : i32
    %ne3A_110 = arith.constant 0 : i32
    %ne3A_111 = arith.cmpi ne, %rem3A, %ne3A_110 : i32
    %and3A_112 = arith.andi %ne3A, %ne3A_111 : i1
    %sub3A_113 = arith.constant 1 : i32
    %sub3A_114 = arith.subi %div3A, %sub3A_113 : i32
    %select_n3A = arith.select %and3A_112, %sub3A_114, %div3A : i32
    %jit3A_115 = arith.constant 32 : i32
    %eq3A = arith.constant 0 : i32
    %eq3A_116 = arith.cmpi eq, %jit3A_115, %eq3A : i32
    %jit3A_117 = arith.constant 1 : i32
    %select_n3A_118 = arith.select %eq3A_116, %jit3A_117, %jit3A_115 : i32
    %rem3A_119 = arith.remsi %add3A_96, %select_n3A_118 : i32
    %ne3A_120 = arith.constant 0 : i32
    %ne3A_121 = arith.cmpi ne, %rem3A_119, %ne3A_120 : i32
    %lt3A = arith.constant 0 : i32
    %lt3A_122 = arith.cmpi slt, %rem3A_119, %lt3A : i32
    %lt3A_123 = arith.constant 0 : i32
    %lt3A_124 = arith.cmpi slt, %select_n3A_118, %lt3A_123 : i32
    %ne3A_125 = arith.xori %lt3A_122, %lt3A_124 : i1
    %and3A_126 = arith.andi %ne3A_125, %ne3A_121 : i1
    %add3A_127 = arith.addi %rem3A_119, %select_n3A_118 : i32
    %select_n3A_128 = arith.select %and3A_126, %add3A_127, %rem3A_119 : i32
    %dma_wait3A = arith.constant 0 : i32
    %dma_wait3A_129 = arith.constant 0 : i32
    %dma_wait3A_130 = arith.constant 0 : i32
    %dma_wait3A_131 = arith.constant 0 : i32
    %dma_wait3A_132 = tpu.memref_slice %arg13[%dma_wait3A, %dma_wait3A_129, %dma_wait3A_130, %dma_wait3A_131] : memref<8x1x8x129xf32, #tpu.memory_space<vmem>> -> memref<8x1x8x128xf32, #tpu.memory_space<vmem>>
    %dma_wait3A_133 = arith.constant 0 : i32
    %dma_wait3A_134 = arith.constant 0 : i32
    %dma_wait3A_135 = arith.constant 0 : i32
    %dma_wait3A_136 = tpu.memref_slice %arg7[%select_n3A, %dma_wait3A_133, %select_n3A_128, %dma_wait3A_134, %dma_wait3A_135] : memref<200x8x32x8x128xf32, #tpu.memory_space<hbm>> -> memref<1x8x1x8x128xf32, #tpu.memory_space<hbm>>
    %dma_wait3A_137 = tpu.memref_squeeze %dma_wait3A_136 : memref<1x8x1x8x128xf32, #tpu.memory_space<hbm>> -> memref<8x1x8x128xf32, #tpu.memory_space<hbm>>
    %dma_wait3A_138 = arith.constant 0 : i32
    %dma_wait3A_139 = arith.constant 0 : i32
    %dma_wait3A_140 = arith.constant 0 : i32
    %dma_wait3A_141 = tpu.memref_slice %arg7[%select_n3A, %dma_wait3A_138, %select_n3A_128, %dma_wait3A_139, %dma_wait3A_140] : memref<200x8x32x8x128xf32, #tpu.memory_space<hbm>> -> memref<1x8x1x8x128xf32, #tpu.memory_space<hbm>>
    %dma_wait3A_142 = tpu.memref_squeeze %dma_wait3A_141 : memref<1x8x1x8x128xf32, #tpu.memory_space<hbm>> -> memref<8x1x8x128xf32, #tpu.memory_space<hbm>>
    %dma_wait3A_143 = arith.constant 0 : i32
    %dma_wait3A_144 = arith.constant 0 : i32
    %dma_wait3A_145 = arith.constant 0 : i32
    %dma_wait3A_146 = arith.constant 0 : i32
    %dma_wait3A_147 = tpu.memref_slice %arg13[%dma_wait3A_143, %dma_wait3A_144, %dma_wait3A_145, %dma_wait3A_146] : memref<8x1x8x129xf32, #tpu.memory_space<vmem>> -> memref<8x1x8x128xf32, #tpu.memory_space<vmem>>
    tpu.wait_dma2 semaphore(%arg24 : memref<!tpu.dma_semaphore, #tpu.memory_space<semaphore_mem>>) src(%dma_wait3A_147 : memref<8x1x8x128xf32, #tpu.memory_space<vmem>>) dst(%dma_wait3A_142 : memref<8x1x8x128xf32, #tpu.memory_space<hbm>>)
    %add3A_148 = arith.constant 200 : i32
    %add3A_149 = arith.addi %mul3A_2, %add3A_148 : i32
    %sub3A_150 = arith.constant 4 : i32
    %sub3A_151 = arith.subi %add3A_149, %sub3A_150 : i32
    %add3A_152 = arith.constant 1 : i32
    %add3A_153 = arith.addi %sub3A_151, %add3A_152 : i32
    %jit3A_154 = arith.constant 32 : i32
    %div3A_155 = arith.divsi %add3A_153, %jit3A_154 : i32
    %sign3A_156 = arith.constant 0 : i32
    %sign3A_157 = arith.cmpi sgt, %add3A_153, %sign3A_156 : i32
    %sign3A_158 = arith.extui %sign3A_157 : i1 to i32
    %sign3A_159 = arith.constant 0 : i32
    %sign3A_160 = arith.cmpi slt, %add3A_153, %sign3A_159 : i32
    %sign3A_161 = arith.extui %sign3A_160 : i1 to i32
    %sign3A_162 = arith.subi %sign3A_158, %sign3A_161 : i32
    %sign3A_163 = arith.constant 0 : i32
    %sign3A_164 = arith.cmpi sgt, %jit3A_154, %sign3A_163 : i32
    %sign3A_165 = arith.extui %sign3A_164 : i1 to i32
    %sign3A_166 = arith.constant 0 : i32
    %sign3A_167 = arith.cmpi slt, %jit3A_154, %sign3A_166 : i32
    %sign3A_168 = arith.extui %sign3A_167 : i1 to i32
    %sign3A_169 = arith.subi %sign3A_165, %sign3A_168 : i32
    %ne3A_170 = arith.cmpi ne, %sign3A_162, %sign3A_169 : i32
    %rem3A_171 = arith.remsi %add3A_153, %jit3A_154 : i32
    %ne3A_172 = arith.constant 0 : i32
    %ne3A_173 = arith.cmpi ne, %rem3A_171, %ne3A_172 : i32
    %and3A_174 = arith.andi %ne3A_170, %ne3A_173 : i1
    %sub3A_175 = arith.constant 1 : i32
    %sub3A_176 = arith.subi %div3A_155, %sub3A_175 : i32
    %select_n3A_177 = arith.select %and3A_174, %sub3A_176, %div3A_155 : i32
    %jit3A_178 = arith.constant 32 : i32
    %eq3A_179 = arith.constant 0 : i32
    %eq3A_180 = arith.cmpi eq, %jit3A_178, %eq3A_179 : i32
    %jit3A_181 = arith.constant 1 : i32
    %select_n3A_182 = arith.select %eq3A_180, %jit3A_181, %jit3A_178 : i32
    %rem3A_183 = arith.remsi %add3A_153, %select_n3A_182 : i32
    %ne3A_184 = arith.constant 0 : i32
    %ne3A_185 = arith.cmpi ne, %rem3A_183, %ne3A_184 : i32
    %lt3A_186 = arith.constant 0 : i32
    %lt3A_187 = arith.cmpi slt, %rem3A_183, %lt3A_186 : i32
    %lt3A_188 = arith.constant 0 : i32
    %lt3A_189 = arith.cmpi slt, %select_n3A_182, %lt3A_188 : i32
    %ne3A_190 = arith.xori %lt3A_187, %lt3A_189 : i1
    %and3A_191 = arith.andi %ne3A_190, %ne3A_185 : i1
    %add3A_192 = arith.addi %rem3A_183, %select_n3A_182 : i32
    %select_n3A_193 = arith.select %and3A_191, %add3A_192, %rem3A_183 : i32
    %dma_wait3A_194 = arith.constant 0 : i32
    %dma_wait3A_195 = arith.constant 0 : i32
    %dma_wait3A_196 = arith.constant 0 : i32
    %dma_wait3A_197 = arith.constant 0 : i32
    %dma_wait3A_198 = tpu.memref_slice %arg14[%dma_wait3A_194, %dma_wait3A_195, %dma_wait3A_196, %dma_wait3A_197] : memref<8x1x8x129xf32, #tpu.memory_space<vmem>> -> memref<8x1x8x128xf32, #tpu.memory_space<vmem>>
    %dma_wait3A_199 = arith.constant 0 : i32
    %dma_wait3A_200 = arith.constant 0 : i32
    %dma_wait3A_201 = arith.constant 0 : i32
    %dma_wait3A_202 = tpu.memref_slice %arg7[%select_n3A_177, %dma_wait3A_199, %select_n3A_193, %dma_wait3A_200, %dma_wait3A_201] : memref<200x8x32x8x128xf32, #tpu.memory_space<hbm>> -> memref<1x8x1x8x128xf32, #tpu.memory_space<hbm>>
    %dma_wait3A_203 = tpu.memref_squeeze %dma_wait3A_202 : memref<1x8x1x8x128xf32, #tpu.memory_space<hbm>> -> memref<8x1x8x128xf32, #tpu.memory_space<hbm>>
    %dma_wait3A_204 = arith.constant 0 : i32
    %dma_wait3A_205 = arith.constant 0 : i32
    %dma_wait3A_206 = arith.constant 0 : i32
    %dma_wait3A_207 = tpu.memref_slice %arg7[%select_n3A_177, %dma_wait3A_204, %select_n3A_193, %dma_wait3A_205, %dma_wait3A_206] : memref<200x8x32x8x128xf32, #tpu.memory_space<hbm>> -> memref<1x8x1x8x128xf32, #tpu.memory_space<hbm>>
    %dma_wait3A_208 = tpu.memref_squeeze %dma_wait3A_207 : memref<1x8x1x8x128xf32, #tpu.memory_space<hbm>> -> memref<8x1x8x128xf32, #tpu.memory_space<hbm>>
    %dma_wait3A_209 = arith.constant 0 : i32
    %dma_wait3A_210 = arith.constant 0 : i32
    %dma_wait3A_211 = arith.constant 0 : i32
    %dma_wait3A_212 = arith.constant 0 : i32
    %dma_wait3A_213 = tpu.memref_slice %arg14[%dma_wait3A_209, %dma_wait3A_210, %dma_wait3A_211, %dma_wait3A_212] : memref<8x1x8x129xf32, #tpu.memory_space<vmem>> -> memref<8x1x8x128xf32, #tpu.memory_space<vmem>>
    tpu.wait_dma2 semaphore(%arg25 : memref<!tpu.dma_semaphore, #tpu.memory_space<semaphore_mem>>) src(%dma_wait3A_213 : memref<8x1x8x128xf32, #tpu.memory_space<vmem>>) dst(%dma_wait3A_208 : memref<8x1x8x128xf32, #tpu.memory_space<hbm>>)
    %add3A_214 = arith.constant 200 : i32
    %add3A_215 = arith.addi %mul3A_2, %add3A_214 : i32
    %sub3A_216 = arith.constant 4 : i32
    %sub3A_217 = arith.subi %add3A_215, %sub3A_216 : i32
    %add3A_218 = arith.constant 2 : i32
    %add3A_219 = arith.addi %sub3A_217, %add3A_218 : i32
    %jit3A_220 = arith.constant 32 : i32
    %div3A_221 = arith.divsi %add3A_219, %jit3A_220 : i32
    %sign3A_222 = arith.constant 0 : i32
    %sign3A_223 = arith.cmpi sgt, %add3A_219, %sign3A_222 : i32
    %sign3A_224 = arith.extui %sign3A_223 : i1 to i32
    %sign3A_225 = arith.constant 0 : i32
    %sign3A_226 = arith.cmpi slt, %add3A_219, %sign3A_225 : i32
    %sign3A_227 = arith.extui %sign3A_226 : i1 to i32
    %sign3A_228 = arith.subi %sign3A_224, %sign3A_227 : i32
    %sign3A_229 = arith.constant 0 : i32
    %sign3A_230 = arith.cmpi sgt, %jit3A_220, %sign3A_229 : i32
    %sign3A_231 = arith.extui %sign3A_230 : i1 to i32
    %sign3A_232 = arith.constant 0 : i32
    %sign3A_233 = arith.cmpi slt, %jit3A_220, %sign3A_232 : i32
    %sign3A_234 = arith.extui %sign3A_233 : i1 to i32
    %sign3A_235 = arith.subi %sign3A_231, %sign3A_234 : i32
    %ne3A_236 = arith.cmpi ne, %sign3A_228, %sign3A_235 : i32
    %rem3A_237 = arith.remsi %add3A_219, %jit3A_220 : i32
    %ne3A_238 = arith.constant 0 : i32
    %ne3A_239 = arith.cmpi ne, %rem3A_237, %ne3A_238 : i32
    %and3A_240 = arith.andi %ne3A_236, %ne3A_239 : i1
    %sub3A_241 = arith.constant 1 : i32
    %sub3A_242 = arith.subi %div3A_221, %sub3A_241 : i32
    %select_n3A_243 = arith.select %and3A_240, %sub3A_242, %div3A_221 : i32
    %jit3A_244 = arith.constant 32 : i32
    %eq3A_245 = arith.constant 0 : i32
    %eq3A_246 = arith.cmpi eq, %jit3A_244, %eq3A_245 : i32
    %jit3A_247 = arith.constant 1 : i32
    %select_n3A_248 = arith.select %eq3A_246, %jit3A_247, %jit3A_244 : i32
    %rem3A_249 = arith.remsi %add3A_219, %select_n3A_248 : i32
    %ne3A_250 = arith.constant 0 : i32
    %ne3A_251 = arith.cmpi ne, %rem3A_249, %ne3A_250 : i32
    %lt3A_252 = arith.constant 0 : i32
    %lt3A_253 = arith.cmpi slt, %rem3A_249, %lt3A_252 : i32
    %lt3A_254 = arith.constant 0 : i32
    %lt3A_255 = arith.cmpi slt, %select_n3A_248, %lt3A_254 : i32
    %ne3A_256 = arith.xori %lt3A_253, %lt3A_255 : i1
    %and3A_257 = arith.andi %ne3A_256, %ne3A_251 : i1
    %add3A_258 = arith.addi %rem3A_249, %select_n3A_248 : i32
    %select_n3A_259 = arith.select %and3A_257, %add3A_258, %rem3A_249 : i32
    %dma_wait3A_260 = arith.constant 0 : i32
    %dma_wait3A_261 = arith.constant 0 : i32
    %dma_wait3A_262 = arith.constant 0 : i32
    %dma_wait3A_263 = arith.constant 0 : i32
    %dma_wait3A_264 = tpu.memref_slice %arg15[%dma_wait3A_260, %dma_wait3A_261, %dma_wait3A_262, %dma_wait3A_263] : memref<8x1x8x129xf32, #tpu.memory_space<vmem>> -> memref<8x1x8x128xf32, #tpu.memory_space<vmem>>
    %dma_wait3A_265 = arith.constant 0 : i32
    %dma_wait3A_266 = arith.constant 0 : i32
    %dma_wait3A_267 = arith.constant 0 : i32
    %dma_wait3A_268 = tpu.memref_slice %arg7[%select_n3A_243, %dma_wait3A_265, %select_n3A_259, %dma_wait3A_266, %dma_wait3A_267] : memref<200x8x32x8x128xf32, #tpu.memory_space<hbm>> -> memref<1x8x1x8x128xf32, #tpu.memory_space<hbm>>
    %dma_wait3A_269 = tpu.memref_squeeze %dma_wait3A_268 : memref<1x8x1x8x128xf32, #tpu.memory_space<hbm>> -> memref<8x1x8x128xf32, #tpu.memory_space<hbm>>
    %dma_wait3A_270 = arith.constant 0 : i32
    %dma_wait3A_271 = arith.constant 0 : i32
    %dma_wait3A_272 = arith.constant 0 : i32
    %dma_wait3A_273 = tpu.memref_slice %arg7[%select_n3A_243, %dma_wait3A_270, %select_n3A_259, %dma_wait3A_271, %dma_wait3A_272] : memref<200x8x32x8x128xf32, #tpu.memory_space<hbm>> -> memref<1x8x1x8x128xf32, #tpu.memory_space<hbm>>
    %dma_wait3A_274 = tpu.memref_squeeze %dma_wait3A_273 : memref<1x8x1x8x128xf32, #tpu.memory_space<hbm>> -> memref<8x1x8x128xf32, #tpu.memory_space<hbm>>
    %dma_wait3A_275 = arith.constant 0 : i32
    %dma_wait3A_276 = arith.constant 0 : i32
    %dma_wait3A_277 = arith.constant 0 : i32
    %dma_wait3A_278 = arith.constant 0 : i32
    %dma_wait3A_279 = tpu.memref_slice %arg15[%dma_wait3A_275, %dma_wait3A_276, %dma_wait3A_277, %dma_wait3A_278] : memref<8x1x8x129xf32, #tpu.memory_space<vmem>> -> memref<8x1x8x128xf32, #tpu.memory_space<vmem>>
    tpu.wait_dma2 semaphore(%arg26 : memref<!tpu.dma_semaphore, #tpu.memory_space<semaphore_mem>>) src(%dma_wait3A_279 : memref<8x1x8x128xf32, #tpu.memory_space<vmem>>) dst(%dma_wait3A_274 : memref<8x1x8x128xf32, #tpu.memory_space<hbm>>)
    %add3A_280 = arith.constant 200 : i32
    %add3A_281 = arith.addi %mul3A_2, %add3A_280 : i32
    %sub3A_282 = arith.constant 4 : i32
    %sub3A_283 = arith.subi %add3A_281, %sub3A_282 : i32
    %add3A_284 = arith.constant 3 : i32
    %add3A_285 = arith.addi %sub3A_283, %add3A_284 : i32
    %jit3A_286 = arith.constant 32 : i32
    %div3A_287 = arith.divsi %add3A_285, %jit3A_286 : i32
    %sign3A_288 = arith.constant 0 : i32
    %sign3A_289 = arith.cmpi sgt, %add3A_285, %sign3A_288 : i32
    %sign3A_290 = arith.extui %sign3A_289 : i1 to i32
    %sign3A_291 = arith.constant 0 : i32
    %sign3A_292 = arith.cmpi slt, %add3A_285, %sign3A_291 : i32
    %sign3A_293 = arith.extui %sign3A_292 : i1 to i32
    %sign3A_294 = arith.subi %sign3A_290, %sign3A_293 : i32
    %sign3A_295 = arith.constant 0 : i32
    %sign3A_296 = arith.cmpi sgt, %jit3A_286, %sign3A_295 : i32
    %sign3A_297 = arith.extui %sign3A_296 : i1 to i32
    %sign3A_298 = arith.constant 0 : i32
    %sign3A_299 = arith.cmpi slt, %jit3A_286, %sign3A_298 : i32
    %sign3A_300 = arith.extui %sign3A_299 : i1 to i32
    %sign3A_301 = arith.subi %sign3A_297, %sign3A_300 : i32
    %ne3A_302 = arith.cmpi ne, %sign3A_294, %sign3A_301 : i32
    %rem3A_303 = arith.remsi %add3A_285, %jit3A_286 : i32
    %ne3A_304 = arith.constant 0 : i32
    %ne3A_305 = arith.cmpi ne, %rem3A_303, %ne3A_304 : i32
    %and3A_306 = arith.andi %ne3A_302, %ne3A_305 : i1
    %sub3A_307 = arith.constant 1 : i32
    %sub3A_308 = arith.subi %div3A_287, %sub3A_307 : i32
    %select_n3A_309 = arith.select %and3A_306, %sub3A_308, %div3A_287 : i32
    %jit3A_310 = arith.constant 32 : i32
    %eq3A_311 = arith.constant 0 : i32
    %eq3A_312 = arith.cmpi eq, %jit3A_310, %eq3A_311 : i32
    %jit3A_313 = arith.constant 1 : i32
    %select_n3A_314 = arith.select %eq3A_312, %jit3A_313, %jit3A_310 : i32
    %rem3A_315 = arith.remsi %add3A_285, %select_n3A_314 : i32
    %ne3A_316 = arith.constant 0 : i32
    %ne3A_317 = arith.cmpi ne, %rem3A_315, %ne3A_316 : i32
    %lt3A_318 = arith.constant 0 : i32
    %lt3A_319 = arith.cmpi slt, %rem3A_315, %lt3A_318 : i32
    %lt3A_320 = arith.constant 0 : i32
    %lt3A_321 = arith.cmpi slt, %select_n3A_314, %lt3A_320 : i32
    %ne3A_322 = arith.xori %lt3A_319, %lt3A_321 : i1
    %and3A_323 = arith.andi %ne3A_322, %ne3A_317 : i1
    %add3A_324 = arith.addi %rem3A_315, %select_n3A_314 : i32
    %select_n3A_325 = arith.select %and3A_323, %add3A_324, %rem3A_315 : i32
    %dma_wait3A_326 = arith.constant 0 : i32
    %dma_wait3A_327 = arith.constant 0 : i32
    %dma_wait3A_328 = arith.constant 0 : i32
    %dma_wait3A_329 = arith.constant 0 : i32
    %dma_wait3A_330 = tpu.memref_slice %arg16[%dma_wait3A_326, %dma_wait3A_327, %dma_wait3A_328, %dma_wait3A_329] : memref<8x1x8x129xf32, #tpu.memory_space<vmem>> -> memref<8x1x8x128xf32, #tpu.memory_space<vmem>>
    %dma_wait3A_331 = arith.constant 0 : i32
    %dma_wait3A_332 = arith.constant 0 : i32
    %dma_wait3A_333 = arith.constant 0 : i32
    %dma_wait3A_334 = tpu.memref_slice %arg7[%select_n3A_309, %dma_wait3A_331, %select_n3A_325, %dma_wait3A_332, %dma_wait3A_333] : memref<200x8x32x8x128xf32, #tpu.memory_space<hbm>> -> memref<1x8x1x8x128xf32, #tpu.memory_space<hbm>>
    %dma_wait3A_335 = tpu.memref_squeeze %dma_wait3A_334 : memref<1x8x1x8x128xf32, #tpu.memory_space<hbm>> -> memref<8x1x8x128xf32, #tpu.memory_space<hbm>>
    %dma_wait3A_336 = arith.constant 0 : i32
    %dma_wait3A_337 = arith.constant 0 : i32
    %dma_wait3A_338 = arith.constant 0 : i32
    %dma_wait3A_339 = tpu.memref_slice %arg7[%select_n3A_309, %dma_wait3A_336, %select_n3A_325, %dma_wait3A_337, %dma_wait3A_338] : memref<200x8x32x8x128xf32, #tpu.memory_space<hbm>> -> memref<1x8x1x8x128xf32, #tpu.memory_space<hbm>>
    %dma_wait3A_340 = tpu.memref_squeeze %dma_wait3A_339 : memref<1x8x1x8x128xf32, #tpu.memory_space<hbm>> -> memref<8x1x8x128xf32, #tpu.memory_space<hbm>>
    %dma_wait3A_341 = arith.constant 0 : i32
    %dma_wait3A_342 = arith.constant 0 : i32
    %dma_wait3A_343 = arith.constant 0 : i32
    %dma_wait3A_344 = arith.constant 0 : i32
    %dma_wait3A_345 = tpu.memref_slice %arg16[%dma_wait3A_341, %dma_wait3A_342, %dma_wait3A_343, %dma_wait3A_344] : memref<8x1x8x129xf32, #tpu.memory_space<vmem>> -> memref<8x1x8x128xf32, #tpu.memory_space<vmem>>
    tpu.wait_dma2 semaphore(%arg27 : memref<!tpu.dma_semaphore, #tpu.memory_space<semaphore_mem>>) src(%dma_wait3A_345 : memref<8x1x8x128xf32, #tpu.memory_space<vmem>>) dst(%dma_wait3A_340 : memref<8x1x8x128xf32, #tpu.memory_space<hbm>>)
    return
  }
}

</mosaic_0001>

<sc_bundles>
// kernel: kernel.3.cloned.1.call-start
scs
__scs_entry_jumppad:
0x0: {  	(pc) =	sbr.rel $0x88, $3  }
0x1: {  	(tag) =	ssettag $0x0;
	lr =	simm.s32 $0x1  }
0x2: {  	[smem:$0x3F9C] =	sst lr;
	_ =	strace $0xD0000000  }
0x3: {  	_ = 	snop  }
0x4: {  	_ = 	snop  }
0x5: {  	_ = 	snop  }
0x6: {  	_ = 	snop  }
0x7: {  	_ = 	snop  }
__scs_overlays_trampoline_lowered:
0x8: {  	[smem:$0x3FAB] =	sst s0  }
0x9: {  	[smem:$0x3FAC] =	sst s1  }
0xa: {  	[smem:$0x3FAD] =	sst s2  }
0xb: {  	[smem:$0x3FAE] =	sst s3  }
0xc: {  	[smem:$0x3FAF] =	sst s4  }
0xd: {  	[smem:$0x3FB0] =	sst s5  }
0xe: {  	[smem:$0x3FB1] =	sst s6  }
0xf: {  	[smem:$0x3FB2] =	sst s7  }
0x10: {  	[smem:$0x3FB3] =	sst s8  }
0x11: {  	[smem:$0x3FB4] =	sst s9;
	s0 =	simm.s32 @!p0 $0x0  }
0x12: {  	s1 =	sld [smem:$0x3F9A];
	s0 =	simm.s32 @p0 $0x1  }
0x13: {  	[smem:$0x3FB5] =	sst s0;
	s0 =	simm.s32 @!p1 $0x0  }
0x14: {  	s2 =	sld [smem:$0x3F99];
	s0 =	simm.s32 @p1 $0x1  }
0x15: {  	[smem:$0x3FB6] =	sst s0;
	s0 =	simm.s32 @!p2 $0x0  }
0x16: {  	s3 =	sld [smem:$0x3FDB];
	s0 =	simm.s32 @p2 $0x1  }
0x17: {  	s4 =	simm.s32 $0x1BF5;
	[smem:$0x3FB8] =	sst s0  }
0x18: {  	s0 =	sld [smem:$0x3F9B];
	_ =	swait.ge [sflag:s4], $0x0  }
0x19: {  	s7 =	sld [smem:$0x3F9C]  }
0x1a: {  	s8 =	sadd.s32 $0xFFFFE003, lr  }
0x1b: {  	s9 =	sadd.s32 $0xFFFFFEF7, lr;
	s5 =	simm.s32 $0xFFFFFFFF;
	p2 =	slt.u32 s8, $0xFFFFF086  }
0x1c: {  	p1 =	slt.u32 s9, $0xF7A;
	s5 =	simm.s32 @!p2 $0x0  }
0x1d: {  	s5 =	simm.s32 @p1 $0x1;
	p0 =	seq.s32 s7, s2  }
0x1e: {  	s7 =	smul.u32 @!p0 $0xF7A, s2;
	p2 =	seq.s32 @!p0 s5, $0x0  }
0x1f: {  	s9 =	smul.u32 $0xF7A, s1;
	s8 =	simm.s32 @!p0 $0x1BF5;
	p2 =	por !p2, p0  }
0x20: {  	[sflag:s8] =	ssyncset.s32 @!p0 $0xFFFFF086;
	s6 =	sadd.s32 @!p0 s3, s7;
	s7 =	simm.s32 @!p0 $0x108  }
0x21: {  	s3 =	sadd.s32 s3, s9;
	s6 =	sadd.s32 @!p0 $0x88, s6;
	s7 =	simm.s32 @p2 $0x1082  }
0x22: {  	[simem:s7], [sflag:s8] =	dma.local @!p0 [hbm:s6], $0xF7A  }
0x23: {  	s9 =	sor.u32 $0xD0000000, s2;
	s6 =	simm.s32 $0x108;
	_ =	swait.ge @!p0 [sflag:s8], $0x0  }
0x24: {  	s3 =	sadd.s32 $0x88, s3;
	s6 =	simm.s32 @!p1 $0x1082;
	[sflag:s4] =	ssyncset.s32 $0xFFFFF086  }
0x25: {  	[simem:s6], [sflag:s4] =	dma.local [hbm:s3], $0xF7A  }
0x26: {  	[smem:$0x3F9C] =	sst s1;
	(tag) =	ssettag s2;
	_ =	strace s9  }
0x27: {  	s1 =	sld [smem:$0x3FAC]  }
0x28: {  	s2 =	sld [smem:$0x3FAD]  }
0x29: {  	s4 =	sld [smem:$0x3FAF]  }
0x2a: {  	p0 =	seq.s32 s5, $0x0;
	s5 =	sld [smem:$0x3FB0]  }
0x2b: {  	s6 =	sld [smem:$0x3FB1]  }
0x2c: {  	s7 =	sld [smem:$0x3FB2]  }
0x2d: {  	s3 =	simm.s32 $0x108;
	s8 =	sld [smem:$0x3FB3]  }
0x2e: {  	s3 =	simm.s32 @!p0 $0x1082;
	s9 =	sld [smem:$0x3FB4]  }
0x2f: {  	lr =	sadd.s32 s0, s3;
	s0 =	sld [smem:$0x3FAB]  }
0x30: {  	s3 =	sld [smem:$0x3FAE]  }
0x31: {  	[smem:$0x3FB7] =	sst s10  }
0x32: {  	s10 =	sld [smem:$0x3FB5];
	_ =	sdelay $0x3  }
0x33: {  	p0 =	seq.s32 s10, $0x1;
	s10 =	sld [smem:$0x3FB7];
	_ =	sdelay $0x3  }
0x34: {  	[smem:$0x3FB7] =	sst s10  }
0x35: {  	s10 =	sld [smem:$0x3FB6];
	_ =	sdelay $0x3  }
0x36: {  	p1 =	seq.s32 s10, $0x1;
	s10 =	sld [smem:$0x3FB7];
	_ =	sdelay $0x3  }
0x37: {  	[smem:$0x3FB7] =	sst s10  }
0x38: {  	s10 =	sld [smem:$0x3FB8]  }
0x39: {  	_ = 	snop;
	(pc) =	sbr.ind lr, $3  }
0x3a: {  	_ = 	snop  }
0x3b: {  	_ = 	snop  }
0x3c: {  	p2 =	seq.s32 s10, $0x1;
	s10 =	sld [smem:$0x3FB7]  }
0x3d: {  	_ =	shalt  }
0x3e: {  	_ =	shalt  }
0x3f: {  	_ =	shalt  }
0x40: {  	_ =	shalt  }
0x41: {  	_ =	shalt  }
0x42: {  	_ =	shalt  }
0x43: {  	_ =	shalt  }
0x44: {  	_ =	shalt  }
0x45: {  	_ =	shalt  }
0x46: {  	_ =	shalt  }
0x47: {  	_ =	shalt  }
0x48: {  	_ =	shalt  }
0x49: {  	_ =	shalt  }
0x4a: {  	_ =	shalt  }
0x4b: {  	_ =	shalt  }
0x4c: {  	_ =	shalt  }
0x4d: {  	_ =	shalt  }
0x4e: {  	_ =	shalt  }
0x4f: {  	_ =	shalt  }
0x50: {  	_ =	shalt  }
0x51: {  	_ =	shalt  }
0x52: {  	_ =	shalt  }
0x53: {  	_ =	shalt  }
0x54: {  	_ =	shalt  }
0x55: {  	_ =	shalt  }
0x56: {  	_ =	shalt  }
0x57: {  	_ =	shalt  }
0x58: {  	_ =	shalt  }
0x59: {  	_ =	shalt  }
0x5a: {  	_ =	shalt  }
0x5b: {  	_ =	shalt  }
0x5c: {  	_ =	shalt  }
0x5d: {  	_ =	shalt  }
0x5e: {  	_ =	shalt  }
0x5f: {  	_ =	shalt  }
0x60: {  	_ =	shalt  }
0x61: {  	_ =	shalt  }
0x62: {  	_ =	shalt  }
0x63: {  	_ =	shalt  }
0x64: {  	_ =	shalt  }
0x65: {  	_ =	shalt  }
0x66: {  	_ =	shalt  }
0x67: {  	_ =	shalt  }
0x68: {  	_ =	shalt  }
0x69: {  	_ =	shalt  }
0x6a: {  	_ =	shalt  }
0x6b: {  	_ =	shalt  }
0x6c: {  	_ =	shalt  }
0x6d: {  	_ =	shalt  }
0x6e: {  	_ =	shalt  }
0x6f: {  	_ =	shalt  }
0x70: {  	_ =	shalt  }
0x71: {  	_ =	shalt  }
0x72: {  	_ =	shalt  }
0x73: {  	_ =	shalt  }
0x74: {  	_ =	shalt  }
0x75: {  	_ =	shalt  }
0x76: {  	_ =	shalt  }
0x77: {  	_ =	shalt  }
0x78: {  	_ =	shalt  }
0x79: {  	_ =	shalt  }
0x7a: {  	_ =	shalt  }
0x7b: {  	_ =	shalt  }
0x7c: {  	_ =	shalt  }
0x7d: {  	_ =	shalt  }
0x7e: {  	_ =	shalt  }
0x7f: {  	_ =	shalt  }
0x80: {  	_ =	shalt  }
0x81: {  	_ =	shalt  }
0x82: {  	_ =	shalt  }
0x83: {  	_ =	shalt  }
0x84: {  	_ =	shalt  }
0x85: {  	_ =	shalt  }
0x86: {  	_ =	shalt  }
0x87: {  	_ =	shalt  }
.Lfunc_end0:
.L_simem_size_0:
called_computation.1_lowered:
.L_overlay_start_0:
0x88: {  	s2 =	sld [smem:$0x3FD9]  }
0x89: {  	s3 =	sld [smem:$0x3FFE];
	_ =	sdelay $0x1  }
0x8a: {  	s1 =	srdreg.scid  }
0x8b: {  	s0 =	sand.u32 $0x1, s1  }
0x8c: {  	s17 =	sshll.u32 s0, $0xA;
	s2 =	sadd.s32 s3, s2  }
0x8d: {  	s2 =	sadd.s32 s2, s17  }
0x8e: {  	[smem:$0x3FC3] =	sst s2  }
0x8f: {  	_ = 	snop  }
0x90: {  	s2 =	sld [smem:$0x3FC6]  }
0x91: {  	s18 =	sld [smem:$0x3FC5]  }
0x92: {  	s4 =	sld [smem:$0x3FD0];
	(tm) =	ssettm $0x1  }
0x93: {  	s5 =	sld [smem:$0x3FFB];
	_ =	sdelay $0x3  }
0x94: {  	_ =	strace s5  }
0x95: {  	s5 =	sld [smem:$0x3FFC];
	_ =	sdelay $0x3  }
0x96: {  	_ =	strace s5  }
0x97: {  	s5 =	sld [smem:$0x3FFD];
	_ =	sdelay $0x3  }
0x98: {  	_ =	strace s5  }
0x99: {  	_ =	strace $0x8FFFFFFF  }
0x9a: {  	s19 =	sld [smem:$0x3FDB];
	_ =	sdelay $0x1  }
0x9b: {  	s6 =	simm.s32 $_scs_section_size  }
0x9c: {  	s7 =	simm.s32 $_size__tile_overlayer_lowered;
	s8 =	simm.s32 $_tile_overlayer_lowered  }
0x9d: {  	s22 =	simm.s32 $0x1BFF;
	s21 =	sshll.u32 s8, $0x1;
	s5 =	sadd.s32 s6, s19  }
0x9e: {  	s9 =	simm.s32 $0x0;
	s20 =	sshll.u32 s7, $0x1;
	s7 =	sadd.s32 s21, s5  }
0x9f: {  	[timem:s9], [sflag:s22] =	dma.local [hbm:s7], s20  }
0xa0: {  	_ =	swait.ge [sflag:s22], s20  }
0xa1: {  	s6 =	ssub.s32 $0x0, s20;
	[sflag:s22] =	ssyncset.done $0x0  }
0xa2: {  	[sflag:s22] =	ssyncadd.s32 s6;
	_ =	sdelay $0x1  }
0xa3: {  	s23 =	simm.s32 $0x1B8B  }
0xa4: {  	_ =	swait.ge [sflag:s23], $0x1  }
0xa5: {  	[sflag:s23] =	ssyncset.done $0x0  }
0xa6: {  	s25 =	simm.s32 $0x1B8E;
	s24 =	sld [smem:$0x3FFE];
	[sflag:s23] =	ssyncadd.s32 $0xFFFFFFFF  }
0xa7: {  	s26 =	simm.s32 $execute0_lowered;
	[smem:$0x3FD2] =	sst s25  }
0xa8: {  	s7 =	sshll.u32 s26, $0x1;
	_ =	strace $0x80000049;
	[dreg:$0x1] =	wrdreg $0xFFFFFFFF  }
0xa9: {  	s28 =	simm.s32 $_size_execute0_lowered;
	s5 =	sadd.s32 s5, s7;
	[dreg:$0x0] =	wrdreg $0x0  }
0xaa: {  	s7 =	sshll.u32 s28, $0x1;
	[dreg:$0x2] =	wrdreg s5  }
0xab: {  	[dreg:$0x3] =	wrdreg s7  }
0xac: {  	[dreg:$0x4] =	wrdreg $0xC0  }
0xad: {  	_ =	task [dreg:s9], $0x5FFFF  }
0xae: {  	[dreg:$0x1] =	wrdreg $0xFFFFFFFF  }
0xaf: {  	[dreg:$0x0] =	wrdreg $0x60  }
0xb0: {  	[dreg:$0x2] =	wrdreg s24  }
0xb1: {  	[dreg:$0x3] =	wrdreg s2  }
0xb2: {  	[dreg:$0x4] =	wrdreg s18  }
0xb3: {  	[dreg:$0x5] =	wrdreg s4  }
0xb4: {  	[dreg:$0x6] =	wrdreg $0x9  }
0xb5: {  	_ =	task.clear_ibuf [dreg:s9], $0x7FFFF;
	_ =	strace $0x90000049  }
0xb6: {  	s29 =	simm.s32 $0x9;
	_ =	strace $0x8000004B  }
0xb7: {  	_ =	swait.ge [sflag:s29], $0x1  }
0xb8: {  	[sflag:s29] =	ssyncadd.s32 $0xFFFFFFFF  }
0xb9: {  	_ =	strace $0x9000004B  }
0xba: {  	_ =	sfence  }
0xbb: {  	s30 =	sld [smem:$0x0];
	_ =	sdelay $0x2  }
0xbc: {  	s31 =	sshll.u32 s1, $0xD;
	s1 =	sshrl.u32 s1, $0x2  }
0xbd: {  	s3 =	sand.u32 $0x4000, s31;
	s1 =	sadd.s32 s1, s30  }
0xbe: {  	s0 =	sor.u32 s3, s0;
	s1 =	sshll.u32 s1, $0x11  }
0xbf: {  	s0 =	sor.u32 s1, s0  }
0xc0: {  	s0 =	sadd.s32 $0x8F2B, s0  }
0xc1: {  	[sflag:s0] =	ssyncadd.remote.s32 $0x1  }
0xc2: {  	_ =	sfence.sel $0xFFFF  }
0xc3: {  	[dreg:$0x0] =	wrdreg $0xFFFFFFFF;
	(pc) =	sbr.abs _section_cstart, $3  }
0xc4: {  	[dreg:$0x1] =	wrdreg $0xFFFFFFFF  }
0xc5: {  	_ =	task.clear_ibuf [dreg:s9], $0x2FFFF;
	_ =	strace $0x9FFFFFFF  }
0xc6: {  	(tm) =	ssettm $0x7FFFFFFF  }
0xc7: {  	_ =	shalt  }
tec
execute0_lowered:
.L_overlay_start_1:
0x0: {  	(tag) =	ssettag $0x1  }
0x1: {  	s0 =	rddreg [dreg:$0x0];
	s1 =	srdreg.scid  }
0x2: {  	s2 =	stileid.u32;
	s4 =	rddreg [dreg:$0x3]  }
0x3: {  	s5 =	simm.s32 $0x0;
	s15 =	simm.s32 $0x80;
	s16 =	simm.s32 $0x6400  }
0x4: {  	s17 =	simm.s32 $0x8400;
	s19 =	simm.s32 $0xA400;
	s20 =	simm.s32 $0xC400  }
0x5: {  	s21 =	simm.s32 $0x1;
	s22 =	simm.s32 $0xE400;
	s23 =	simm.s32 $0x2  }
0x6: {  	s24 =	simm.s32 $0x6;
	s28 =	simm.s32 $0x7;
	s29 =	simm.s32 $0x12800  }
0x7: {  	s30 =	simm.s32 $0x4;
	s1 =	sand.u32 $0x1, s1;
	s2 =	sshll.u32 s2, $0x1  }
0x8: {  	s31 =	simm.s32 $0x8;
	[smem:$0x7FF] =	sst s5;
	s2 =	sor.u32 s1, s2  }
0x9: {  	s6 =	sadd.s32 $0xF5C800, s0;
	s1 =	ssub.s32 $0x2, s1;
	s3 =	smul.u32 $0xC80, s2  }
0xa: {  	_ =	strace $0x8000004A;
	s25 =	sshrl.u32 s1, $0x1;
	s8 =	smul.u32 $0xC8, s2  }
0xb: {  	v0 =	vlaneseq.u32;
	s2 =	simm.s32 $0x14A00;
	s3 =	sadd.s32 s3, s0;
	s0 =	sadd.s32 $0xF5C000, s0  }
0xc: {  	v0 =	vmul.u32 $0x88, v0;
	[dreg:$0x5] =	wrdreg s0;
	s0 =	ssub.s32 s1, s25;
	s26 =	sadd.s32 $0xF43000, s3  }
0xd: {  	v1 =	vimm.s32 $0xF;
	s25 =	simm.s32 $0x10600;
	[dreg:$0x6] =	wrdreg s26;
	s0 =	smax.u32 s0, $0x1  }
0xe: {  	v2 =	vadd.s32 $0x880, v0;
	v3 =	vadd.s32 $0x1100, v0;
	v4 =	vadd.s32 $0x1980, v0;
	s1 =	simm.s32 $0x0;
	s26 =	simm.s32 $0x3;
	[dreg:$0x7] =	wrdreg s0  }
.LBB2_1:
0xf: {  	s0 =	rddreg [dreg:$0x6];
	s3 =	simm.s32 $0x9  }
0x10: {  	[tilespmem:s5], [sflag:$0x9] =	stream.linear.gather [hbm4b:s0+s5], $0x6400, $0x38;
	[tilespmem:$0x19E80] =	vst v63  }
0x11: {  	_ =	swait.ge [sflag:s3], $0x6400  }
0x12: {  	[sflag:s3] =	ssyncset.done $0x0  }
0x13: {  	s7 =	simm.s32 $0x16C00;
	s10 =	rddreg [dreg:$0x5];
	[sflag:s3] =	ssyncadd.s32 $0xFFFF9C00  }
0x14: {  	[tilespmem:s7], [sflag:$0x9] =	stream.linear.gather [hbm4b:s10+s5], $0x3200, $0x38;
	[tilespmem:$0x19E80] =	vst v63  }
0x15: {  	_ =	swait.ge [sflag:s3], $0x3200  }
0x16: {  	[sflag:s3] =	ssyncset.done $0x0  }
0x17: {  	[sflag:s3] =	ssyncadd.s32 $0xFFFFCE00  }
0x18: {  	s12 =	simm.s32 $0x19E00;
	s11 =	rddreg [dreg:$0x1]  }
0x19: {  	[tilespmem:s12], [sflag:$0x9] =	stream.linear.gather [hbm4b:s11+s5], $0x40, $0x38;
	[tilespmem:$0x19E80] =	vst v63  }
0x1a: {  	_ =	swait.ge [sflag:s3], $0x40  }
0x1b: {  	[sflag:s3] =	ssyncset.done $0x0  }
0x1c: {  	[sflag:s3] =	ssyncadd.s32 $0xFFFFFFC0  }
0x1d: {  	s14 =	simm.s32 $0x19E40;
	s13 =	rddreg [dreg:$0x2]  }
0x1e: {  	[tilespmem:s14], [sflag:$0x9] =	stream.linear.gather [hbm4b:s13+s5], $0x40, $0x38;
	[tilespmem:$0x19E80] =	vst v63  }
0x1f: {  	_ =	swait.ge [sflag:s3], $0x40  }
0x20: {  	[sflag:s3] =	ssyncset.done $0x0  }
0x21: {  	[sflag:s3] =	ssyncadd.s32 $0xFFFFFFC0  }
0x22: {  	v5 =	vld [tilespmem:$0x19E00]  }
0x23: {  	v6 =	vld [tilespmem:$0x19E10]  }
0x24: {  	v7 =	vld [tilespmem:$0x19E20]  }
0x25: {  	v8 =	vld [tilespmem:$0x19E30]  }
0x26: {  	v9 =	vld [tilespmem:$0x19E40]  }
0x27: {  	v10 =	vld [tilespmem:$0x19E50]  }
0x28: {  	v11 =	vld [tilespmem:$0x19E60]  }
0x29: {  	v12 =	vld [tilespmem:$0x19E70];
	[tilespmem:s16], [sflag:$0x1] =	stream.indirect.gather [hbm4b:s6+s15], $0x40, s5, s15, $0xb8  }
0x2a: {  	_ = 	snop  }
0x2b: {  	[tilespmem:s17], [sflag:$0x2] =	stream.indirect.gather [hbm4b:s6+s15], $0x40, s15, s15, $0xb8;
	[tilespmem:$0x19E80] =	vst v63  }
0x2c: {  	s18 =	simm.s32 $0x100;
	s3 =	simm.s32 $0x0  }
0x2d: {  	[tilespmem:s19], [sflag:$0x3] =	stream.indirect.gather [hbm4b:s6+s15], $0x40, s18, s15, $0xb8;
	[tilespmem:$0x19E80] =	vst v63  }
.LBB2_2:
0x2e: {  	s12 =	sshllo.u32 s3, $0x2  }
0x2f: {  	s0 =	sshll.u32 s12, $0x7  }
0x30: {  	s0 =	sand.u32 $0x3FFFFF80, s0  }
0x31: {  	[tilespmem:s20], [sflag:$0x4] =	stream.indirect.gather [hbm4b:s6+s15], $0x40, s0, s15, $0xb8;
	[tilespmem:$0x19E80] =	vst v63  }
0x32: {  	_ =	swait.ge [sflag:s21], $0x2000  }
0x33: {  	p0 =	seq.s32 s3, $0x0;
	[sflag:s21] =	ssyncset.done $0x0  }
0x34: {  	s13 =	sshll.u32 s3, $0x2;
	s0 =	simm.s32 @!p0 $0x5;
	[sflag:s21] =	ssyncadd.s32 $0xFFFFE000  }
0x35: {  	s14 =	sadd.s32 s8, s13;
	_ =	swait.ge @!p0 [sflag:s0], $0x2000  }
0x36: {  	s7 =	sshll.u32 s14, $0x1;
	[sflag:s0] =	ssyncset.done @!p0 $0x0  }
0x37: {  	s7 =	sand.u32 $0x3FFFFFC0, s7;
	[sflag:s0] =	ssyncadd.s32 @!p0 $0xFFFFE000  }
0x38: {  	v14 =	vld [tilespmem:s7+$0x16C00]  }
0x39: {  	v16 =	vld [tilespmem:s7+$0x16C10]  }
0x3a: {  	v15 =	vld [tilespmem:s7+$0x16C20]  }
0x3b: {  	s9 =	simm.s32 $0x6440;
	v13 =	vld [tilespmem:s7+$0x16C30]  }
0x3c: {  	v17 =	vld [tilespmem:s9+$0x0]  }
0x3d: {  	v18 =	vld [tilespmem:s9+$0x10]  }
0x3e: {  	v19 =	vld [tilespmem:s9+$0x20]  }
0x3f: {  	v20 =	vld [tilespmem:s9+$0x30];
	_ =	sdelay $0x3  }
0x40: {  	v17 =	vadd.f32 v17, v14;
	v18 =	vadd.f32 v18, v16  }
0x41: {  	v27 =	vadd.f32 v19, v15;
	v28 =	vadd.f32 v20, v13  }
0x42: {  	v19 =	vadd.f32 v18, v17  }
0x43: {  	v20 =	vmul.f32 v17, v17;
	v21 =	vadd.f32 v28, v27;
	v22 =	vmul.f32 v18, v18  }
0x44: {  	v23 =	vmul.f32 v27, v27;
	v24 =	vmul.f32 v28, v28  }
0x45: {  	v19 =	vadd.f32 v21, v19  }
0x46: {  	v20 =	vadd.f32 v22, v20;
	v21 =	vadd.f32 v24, v23;
	_ =	sdelay $0x1  }
0x47: {  	(xrf2) =	vadd.scan.msk.f32 $0xffff, v19;
	v19 =	vadd.f32 v21, v20;
	_ =	sdelay $0x1  }
0x48: {  	(xrf2) =	vadd.scan.msk.f32 $0xffff, v19;
	_ =	sdelay $0x3  }
0x49: {  	v22 =	vld [tilespmem:s9+$0xFFFFFFF0]  }
0x4a: {  	v19 =	vld [tilespmem:s9+$0xFFFFFFD0]  }
0x4b: {  	v20 =	vld [tilespmem:s9+$0xFFFFFFE0]  }
0x4c: {  	v21 =	vld [tilespmem:s9+$0xFFFFFFC0]  }
0x4d: {  	v23, _, _ =	vpop (xrf2)  }
0x4e: {  	v23 =	vperm.xlane v23, v1  }
0x4f: {  	v29 =	vadd.f32 v19, v16;
	v24, _, _ =	vpop (xrf2)  }
0x50: {  	v26 =	vadd.f32 v22, v13;
	v30 =	vmul.f32 $1.562500000e-02, v23;
	v19 =	vperm.xlane v24, v1  }
0x51: {  	v31 =	vadd.f32 v21, v14;
	v25 =	vadd.f32 v20, v15;
	v21 =	vmul.f32 v29, v29  }
0x52: {  	v19 =	vmul.f32 $1.562500000e-02, v19;
	v20 =	vmul.f32 v30, v30  }
0x53: {  	s10 =	simm.s32 $0x64C0;
	v22 =	vadd.f32 v29, v31;
	v23 =	vadd.f32 v26, v25;
	v24 =	vmul.f32 v31, v31  }
0x54: {  	v33 =	vld [tilespmem:s10+$0x0];
	v32 =	vmul.f32 v26, v26;
	v19 =	vsub.f32 v19, v20;
	v20 =	vmul.f32 v25, v25  }
0x55: {  	v43 =	vld [tilespmem:s10+$0x20];
	v22 =	vadd.f32 v23, v22;
	v21 =	vadd.f32 v21, v24  }
0x56: {  	v23 =	vld [tilespmem:s10+$0x10];
	v19 =	vadd.f32 $9.999999960e-13, v19;
	v20 =	vadd.f32 v32, v20  }
0x57: {  	v34 =	vld [tilespmem:s10+$0x30]  }
0x58: {  	(xrf2) =	vadd.scan.msk.f32 $0xffff, v22;
	v22 =	vshra.s32 v19, $0x1;
	v19 =	vmul.f32 $5.000000000e-01, v19;
	v20 =	vadd.f32 v20, v21  }
0x59: {  	v35 =	vsub.s32 $0x5F3759DF, v22  }
0x5a: {  	v24 =	vadd.f32 v33, v14;
	v21 =	vmul.f32 v35, v19;
	(xrf2) =	vadd.scan.msk.f32 $0xffff, v20  }
0x5b: {  	v23 =	vadd.f32 v23, v16;
	v22 =	vadd.f32 v43, v15  }
0x5c: {  	v33 =	vmul.f32 v24, v24;
	v20 =	vmul.f32 v35, v21;
	v21 =	vadd.f32 v34, v13  }
0x5d: {  	v44 =	vadd.f32 v23, v24;
	v36 =	vmul.f32 v23, v23;
	v37 =	vmul.f32 v22, v22  }
0x5e: {  	v50 =	vld [tilespmem:s10+$0xFFFFFFE0];
	v20 =	vsub.f32 $1.500000000e+00, v20;
	v34 =	vadd.f32 v21, v22;
	v38 =	vmul.f32 v21, v21  }
0x5f: {  	v39 =	vld [tilespmem:s10+$0xFFFFFFF0];
	v33 =	vadd.f32 v36, v33  }
0x60: {  	v35 =	vmul.f32 v35, v20;
	v20 =	vadd.f32 v34, v44;
	v46 =	vadd.f32 v38, v37  }
0x61: {  	v47 =	vld [tilespmem:s10+$0xFFFFFFD0]  }
0x62: {  	v48 =	vld [tilespmem:s10+$0xFFFFFFC0];
	v52 =	vsub.f32 v17, v30;
	v45, _, _ =	vpop (xrf2);
	(xrf2) =	vadd.scan.msk.f32 $0xffff, v20;
	v20 =	vadd.f32 v46, v33  }
0x63: {  	v17 =	vadd.f32 v50, v15;
	v54 =	vsub.f32 v18, v30  }
0x64: {  	v18 =	vadd.f32 v39, v13;
	v32 =	vperm.xlane v45, v1;
	v19 =	vmul.f32 v35, v19;
	v49, _, _ =	vpop (xrf2);
	(xrf2) =	vadd.scan.msk.f32 $0xffff, v20  }
0x65: {  	v27 =	vsub.f32 v27, v30;
	v28 =	vsub.f32 v28, v30  }
0x66: {  	s11 =	simm.s32 $0x1;
	v41 =	vadd.f32 v18, v17;
	v33 =	vmul.f32 $1.562500000e-02, v32;
	v51 =	vmul.f32 v19, v35  }
0x67: {  	v55 =	vmov s11;
	v38 =	vadd.f32 v47, v16;
	v37 =	vadd.f32 v48, v14  }
0x68: {  	v45 =	vmul.f32 v17, v17;
	v19 =	vsub.f32 v31, v33;
	v31 =	vsub.f32 $1.500000000e+00, v51  }
0x69: {  	v36 =	vand.u32 $0x7F, v55;
	v53 =	vmul.f32 v38, v38;
	v42 =	vmul.f32 v37, v37  }
0x6a: {  	v56 =	vadd.f32 v38, v37;
	v32 =	vperm.xlane v49, v1;
	v31 =	vmul.f32 v31, v35  }
0x6b: {  	v46 =	vmul.f32 v18, v18;
	v40 =	vmul.f32 v33, v33;
	v20 =	vsub.f32 v29, v33  }
0x6c: {  	v30 =	vadd.f32 v41, v56;
	v29 =	vmul.f32 $1.562500000e-02, v32;
	v32 =	vmul.f32 v31, v52;
	v44, _, _ =	vpop (xrf2)  }
0x6d: {  	v59 =	vadd.f32 v46, v45;
	v35 =	vadd.f32 v53, v42;
	v57 =	vperm.xlane v44, v1  }
0x6e: {  	v43 =	vadd.s32 v0, v36;
	v29 =	vsub.f32 v29, v40;
	v58 =	vmul.f32 v32, v5;
	v60, _, _ =	vpop (xrf2)  }
0x6f: {  	v35 =	vadd.f32 v59, v35;
	(xrf2) =	vadd.scan.msk.f32 $0xffff, v30;
	v32 =	vmul.f32 $1.562500000e-02, v57;
	v61 =	vperm.xlane v60, v1  }
0x70: {  	v63 =	vadd.s32 v3, v36;
	v34 =	vmul.f32 v31, v54;
	v27 =	vmul.f32 v31, v27  }
0x71: {  	v29 =	vadd.f32 $9.999999960e-13, v29;
	(xrf2) =	vadd.scan.msk.f32 $0xffff, v35;
	v39 =	vmul.f32 $1.562500000e-02, v61;
	v62 =	vmul.f32 v32, v32  }
0x72: {  	v28 =	vmul.f32 v31, v28;
	v30 =	vadd.s32 v2, v36;
	v34 =	vmul.f32 v34, v6  }
0x73: {  	v56 =	vshra.s32 v29, $0x1;
	v57 =	vmul.f32 $5.000000000e-01, v29;
	v31 =	vsub.f32 v39, v62  }
0x74: {  	v27 =	vmul.f32 v27, v7;
	v29 =	vadd.f32 v58, v9;
	v58 =	vsub.s32 $0x5F3759DF, v56  }
0x75: {  	v36 =	vadd.s32 v4, v36;
	v35 =	vmul.f32 v58, v57;
	v31 =	vadd.f32 $9.999999960e-13, v31  }
0x76: {  	v28 =	vmul.f32 v28, v8;
	v34 =	vadd.f32 v34, v10;
	v27 =	vadd.f32 v27, v11  }
0x77: {  	s18 =	simm.s32 $0x0;
	s10 =	simm.s32 $0x6540;
	v59 =	vshra.s32 v31, $0x1;
	v42 =	vmul.f32 $5.000000000e-01, v31;
	v31 =	vmul.f32 v58, v35  }
0x78: {  	v48 =	vld [tilespmem:s10+$0x0];
	v28 =	vadd.f32 v28, v12;
	[tilespmem:v43+s22+$0x0] =	vst.idx.msk $0xffff, v29;
	v29 =	vmov s18;
	v51 =	vsub.s32 $0x5F3759DF, v59  }
0x79: {  	v47 =	vld [tilespmem:s10+$0x30];
	[tilespmem:v30+s22+$0x0] =	vst.idx.msk $0xffff, v34;
	v60, _, _ =	vpop (xrf2);
	v35 =	vand.u32 $0x7E, v29;
	v30 =	vmul.f32 v51, v42;
	v61 =	vsub.f32 $1.500000000e+00, v31  }
0x7a: {  	v52 =	vld [tilespmem:s10+$0x10];
	v29 =	vsub.f32 v26, v33;
	v31 =	vsub.f32 v25, v33;
	v25 =	vperm.xlane v60, v1  }
0x7b: {  	v46 =	vld [tilespmem:s10+$0x20];
	v26 =	vadd.s32 v0, v35;
	v62, _, _ =	vpop (xrf2);
	v30 =	vmul.f32 v51, v30;
	v34 =	vmul.f32 v58, v61  }
0x7c: {  	v41 =	vld [tilespmem:s10+$0xFFFFFFE0];
	[tilespmem:v63+s22+$0x0] =	vst.idx.msk $0xffff, v27;
	v27 =	vadd.s32 v2, v35;
	v50 =	vperm.xlane v62, v1;
	v33 =	vmul.f32 $1.562500000e-02, v25  }
0x7d: {  	v49 =	vld [tilespmem:s10+$0xFFFFFFC0];
	[tilespmem:v36+s22+$0x0] =	vst.idx.msk $0xffff, v28;
	v25 =	vadd.s32 v3, v35;
	v63 =	vsub.f32 $1.500000000e+00, v30;
	v45 =	vmul.f32 v34, v57  }
0x7e: {  	s0 =	simm.s32 $0x6;
	v44 =	vld [tilespmem:s10+$0xFFFFFFD0];
	v36 =	vmul.f32 v33, v33;
	v30 =	vsub.f32 v37, v33;
	v28 =	vsub.f32 v38, v33  }
0x7f: {  	s7 =	simm.s32 $0x4;
	s9 =	simm.s32 $0x2;
	s18 =	sshrl.u32 s14, $0x5;
	v43 =	vld [tilespmem:s10+$0xFFFFFFF0];
	v38 =	vadd.f32 v48, v14;
	v37 =	vadd.f32 v52, v16;
	v48 =	vmul.f32 v51, v63  }
.LBB2_3:
0x80: {  	p1 =	slt.u32 s0, $0x7E;
	v46 =	vadd.f32 v46, v15;
	v47 =	vadd.f32 v47, v13;
	v50 =	vmul.f32 $1.562500000e-02, v50  }
0x81: {  	v40 =	vadd.f32 v37, v38;
	v51 =	vmul.f32 v38, v38;
	v42 =	vmul.f32 v48, v42  }
0x82: {  	v53 =	vmul.f32 v37, v37;
	v52 =	vadd.f32 v47, v46;
	v54 =	vmul.f32 v46, v46  }
0x83: {  	v39 =	vadd.f32 v44, v16;
	v44 =	vmul.f32 v47, v47;
	v42 =	vmul.f32 v42, v48  }
0x84: {  	v45 =	vmul.f32 v45, v34;
	v51 =	vadd.f32 v53, v51;
	v52 =	vadd.f32 v52, v40  }
0x85: {  	v53 =	vmul.f32 v39, v39;
	v44 =	vadd.f32 v44, v54;
	v42 =	vsub.f32 $1.500000000e+00, v42  }
0x86: {  	v40 =	vadd.f32 v49, v14;
	v49 =	vadd.f32 v41, v15;
	v41 =	vadd.s32 v4, v35;
	(xrf2) =	vadd.scan.msk.f32 $0xffff, v52  }
0x87: {  	s11 =	sadd.s32 $0x1, s9;
	v35 =	vadd.f32 v44, v51;
	v44 =	vsub.f32 v24, v32;
	v24 =	vmovc v38;
	v42 =	vmul.f32 v42, v48  }
0x88: {  	v38 =	vadd.f32 v43, v13;
	v43 =	vmov s11;
	v48 =	vsub.f32 v23, v32;
	v23 =	vmovc v37  }
0x89: {  	v37 =	vand.u32 $0x7F, v43;
	v43 =	vsub.f32 v22, v32;
	v22 =	vmovc v46;
	(xrf2) =	vadd.scan.msk.f32 $0xffff, v35;
	v35 =	vmul.f32 v42, v44  }
0x8a: {  	v32 =	vsub.f32 v21, v32;
	v21 =	vmovc v47;
	v44 =	vadd.s32 v0, v37;
	v46 =	vmul.f32 v42, v48  }
0x8b: {  	v47 =	vadd.s32 v2, v37;
	v43 =	vmul.f32 v42, v43;
	v35 =	vmul.f32 v35, v5  }
0x8c: {  	v48 =	vadd.s32 v3, v37;
	v32 =	vmul.f32 v42, v32;
	v46 =	vmul.f32 v46, v6  }
0x8d: {  	v37 =	vadd.s32 v4, v37;
	v42 =	vmul.f32 v43, v7;
	v35 =	vadd.f32 v35, v9  }
0x8e: {  	v43 =	vadd.f32 v39, v40;
	v32 =	vmul.f32 v32, v8;
	v46 =	vadd.f32 v46, v10  }
0x8f: {  	v51 =	vadd.f32 v38, v49;
	[tilespmem:v44+s22+$0x0] =	vst.idx.msk $0xffff, v35;
	v35 =	vadd.f32 v42, v11  }
0x90: {  	v45 =	vsub.f32 $1.500000000e+00, v45;
	v32 =	vadd.f32 v32, v12;
	v42 =	vmul.f32 v40, v40;
	v44, _, _ =	vpop (xrf2);
	[tilespmem:v47+s22+$0x0] =	vst.idx.msk $0xffff, v46  }
0x91: {  	v54 =	vmul.f32 v49, v49;
	v52 =	vmov s9;
	s9 =	smov.u32 s7;
	s7 =	smov.u32 s0;
	v47 =	vmul.f32 v38, v38;
	[tilespmem:v48+s22+$0x0] =	vst.idx.msk $0xffff, v35  }
0x92: {  	v43 =	vadd.f32 v51, v43;
	v44 =	vperm.xlane v44, v1;
	v35 =	vand.u32 $0x7E, v52;
	[tilespmem:v37+s22+$0x0] =	vst.idx.msk $0xffff, v32  }
0x93: {  	v34 =	vmul.f32 v45, v34;
	v37 =	vadd.f32 v53, v42;
	v42 =	vadd.f32 v47, v54;
	v46, _, _ =	vpop (xrf2)  }
0x94: {  	v36 =	vsub.f32 v50, v36;
	v32 =	vmul.f32 $1.562500000e-02, v44;
	v44 =	vperm.xlane v46, v1;
	(xrf2) =	vadd.scan.msk.f32 $0xffff, v43  }
0x95: {  	v37 =	vadd.f32 v42, v37;
	v42 =	vsub.f32 v17, v33;
	v43 =	vmul.f32 v34, v19;
	v17 =	vmovc v49  }
0x96: {  	v36 =	vadd.f32 $9.999999960e-13, v36;
	v19 =	vmovc v30;
	v45 =	vmul.f32 v32, v32;
	v44 =	vmul.f32 $1.562500000e-02, v44  }
0x97: {  	v30 =	vsub.f32 v18, v33;
	v33 =	vmul.f32 v34, v20;
	(xrf2) =	vadd.scan.msk.f32 $0xffff, v37;
	v37 =	vmul.f32 v34, v31  }
0x98: {  	v18 =	vmovc v38;
	v31 =	vmovc v42;
	v44 =	vsub.f32 v44, v45;
	v45 =	vshra.s32 v36, $0x1;
	v36 =	vmul.f32 $5.000000000e-01, v36  }
0x99: {  	v20 =	vmovc v28;
	v42 =	vmul.f32 v43, v5;
	v34 =	vmul.f32 v34, v29;
	v29 =	vmovc v30;
	v38 =	vsub.s32 $0x5F3759DF, v45  }
0x9a: {  	v33 =	vmul.f32 v33, v6;
	v28 =	vadd.f32 $9.999999960e-13, v44;
	v30 =	vmul.f32 v38, v36  }
0x9b: {  	v43 =	vadd.f32 v42, v9;
	v37 =	vmul.f32 v37, v7;
	v34 =	vmul.f32 v34, v8  }
0x9c: {  	s10 =	sadd.s32 $0x80, s10;
	v44 =	vshra.s32 v28, $0x1;
	v42 =	vmul.f32 $5.000000000e-01, v28;
	v28 =	vmul.f32 v38, v30  }
0x9d: {  	v30 =	vadd.f32 v33, v10;
	v33 =	vadd.f32 v37, v11;
	v48 =	vld [tilespmem:s10+$0x0];
	v51 =	vsub.s32 $0x5F3759DF, v44;
	[tilespmem:v26+s22+$0x0] =	vst.idx.msk $0xffff, v43  }
0x9e: {  	v45 =	vadd.f32 v34, v12;
	v37 =	vld [tilespmem:s10+$0x10];
	v43 =	vmul.f32 v51, v42;
	v26, _, _ =	vpop (xrf2);
	v50 =	vsub.f32 $1.500000000e+00, v28  }
0x9f: {  	v46 =	vld [tilespmem:s10+$0x20];
	v49 =	vperm.xlane v26, v1;
	v26 =	vadd.s32 v0, v35;
	[tilespmem:v27+s22+$0x0] =	vst.idx.msk $0xffff, v30  }
.Ltmp0:
0xa0: {  	v47 =	vld [tilespmem:s10+$0x30];
	v30 =	vmul.f32 v51, v43;
	v34 =	vmul.f32 v38, v50;
	[tilespmem:v25+s22+$0x0] =	vst.idx.msk $0xffff, v33;
	(pc) =	sbr.rel @p1 .LBB2_3-.Ltmp0, $4  }
0xa1: {  	v27 =	vadd.s32 v2, v35;
	v25 =	vadd.s32 v3, v35;
	v44 =	vld [tilespmem:s10+$0xFFFFFFD0];
	v33 =	vmul.f32 $1.562500000e-02, v49;
	v28, _, _ =	vpop (xrf2);
	[tilespmem:v41+s22+$0x0] =	vst.idx.msk $0xffff, v45  }
0xa2: {  	v41 =	vld [tilespmem:s10+$0xFFFFFFE0];
	v50 =	vperm.xlane v28, v1;
	v52 =	vsub.f32 $1.500000000e+00, v30;
	v45 =	vmul.f32 v34, v36  }
0xa3: {  	v43 =	vld [tilespmem:s10+$0xFFFFFFF0];
	v36 =	vmul.f32 v33, v33;
	v30 =	vsub.f32 v40, v33;
	v28 =	vsub.f32 v39, v33  }
0xa4: {  	s0 =	sadd.s32 $0x2, s0;
	v38 =	vadd.f32 v48, v14;
	v37 =	vadd.f32 v37, v16;
	v49 =	vld [tilespmem:s10+$0xFFFFFFC0];
	v48 =	vmul.f32 v51, v52  }
0xa5: {  	v40 =	vadd.f32 v46, v15;
	v39 =	vadd.f32 v47, v13  }
0xa6: {  	v59 =	vadd.f32 v37, v38;
	v60 =	vmul.f32 v38, v38;
	v52 =	vmul.f32 v37, v37  }
0xa7: {  	v51 =	vadd.f32 v39, v40;
	v53 =	vmul.f32 v40, v40;
	v54 =	vmul.f32 v39, v39  }
0xa8: {  	v47 =	vadd.f32 v52, v60  }
0xa9: {  	v46 =	vadd.f32 v51, v59;
	v61 =	vadd.f32 v54, v53  }
0xaa: {  	v45 =	vmul.f32 v45, v34;
	v24 =	vsub.f32 v24, v32  }
0xab: {  	v35 =	vadd.s32 v4, v35;
	v23 =	vsub.f32 v23, v32;
	(xrf2) =	vadd.scan.msk.f32 $0xffff, v46;
	v62 =	vadd.f32 v61, v47  }
0xac: {  	v22 =	vsub.f32 v22, v32;
	v21 =	vsub.f32 v21, v32;
	v42 =	vmul.f32 v48, v42  }
0xad: {  	v17 =	vsub.f32 v17, v33;
	v16 =	vadd.f32 v44, v16;
	v44 =	vmul.f32 $1.562500000e-02, v50;
	(xrf2) =	vadd.scan.msk.f32 $0xffff, v62  }
0xae: {  	s0 =	sadd.s32 $0x1, s9;
	v18 =	vsub.f32 v18, v33;
	v45 =	vsub.f32 $1.500000000e+00, v45;
	v42 =	vmul.f32 v42, v48  }
0xaf: {  	v56 =	vmov s0;
	v13 =	vadd.f32 v43, v13;
	v36 =	vsub.f32 v44, v36  }
0xb0: {  	v63 =	vmul.f32 v16, v16;
	v42 =	vsub.f32 $1.500000000e+00, v42;
	v47 =	vadd.f32 v49, v14  }
0xb1: {  	v36 =	vadd.f32 $9.999999960e-13, v36;
	v14 =	vadd.f32 v41, v15;
	v41 =	vand.u32 $0x7F, v56  }
0xb2: {  	v61 =	vmul.f32 v13, v13;
	v15 =	vmul.f32 v42, v48;
	v57 =	vadd.f32 v16, v47  }
0xb3: {  	v43 =	vadd.f32 v13, v14;
	v58 =	vmul.f32 v47, v47;
	v60 =	vmul.f32 v14, v14  }
0xb4: {  	v42 =	vadd.s32 v0, v41;
	v24 =	vmul.f32 v15, v24;
	v23 =	vmul.f32 v15, v23  }
0xb5: {  	v22 =	vmul.f32 v15, v22;
	v15 =	vmul.f32 v15, v21;
	v32 =	vadd.f32 v43, v57;
	v59, _, _ =	vpop (xrf2)  }
0xb6: {  	v62 =	vadd.f32 v63, v58;
	v53 =	vadd.f32 v61, v60;
	v49 =	vperm.xlane v59, v1  }
0xb7: {  	v58 =	vmul.f32 v45, v34;
	v61 =	vshra.s32 v36, $0x1;
	v36 =	vmul.f32 $5.000000000e-01, v36;
	v63, _, _ =	vpop (xrf2)  }
0xb8: {  	v54 =	vadd.f32 v53, v62;
	(xrf2) =	vadd.scan.msk.f32 $0xffff, v32;
	v49 =	vmul.f32 $1.562500000e-02, v49;
	v46 =	vperm.xlane v63, v1  }
0xb9: {  	v51 =	vadd.s32 v2, v41;
	v24 =	vmul.f32 v24, v5;
	v23 =	vmul.f32 v23, v6  }
0xba: {  	v50 =	vadd.s32 v3, v41;
	(xrf2) =	vadd.scan.msk.f32 $0xffff, v54;
	v55 =	vmul.f32 $1.562500000e-02, v46;
	v56 =	vmul.f32 v49, v49  }
0xbb: {  	v41 =	vadd.s32 v4, v41;
	v22 =	vmul.f32 v22, v7;
	v15 =	vmul.f32 v15, v8  }
0xbc: {  	v44 =	vsub.s32 $0x5F3759DF, v61;
	v19 =	vmul.f32 v58, v19;
	v57 =	vsub.f32 v55, v56  }
0xbd: {  	v20 =	vmul.f32 v58, v20;
	v31 =	vmul.f32 v58, v31;
	v24 =	vadd.f32 v24, v9  }
0xbe: {  	v23 =	vadd.f32 v23, v10;
	v63 =	vmul.f32 v44, v36;
	v21 =	vadd.f32 $9.999999960e-13, v57  }
0xbf: {  	v29 =	vmul.f32 v58, v29;
	v22 =	vadd.f32 v22, v11;
	v15 =	vadd.f32 v15, v12  }
0xc0: {  	v32 =	vmul.f32 v44, v63;
	v60 =	vshra.s32 v21, $0x1;
	v21 =	vmul.f32 $5.000000000e-01, v21  }
0xc1: {  	v19 =	vmul.f32 v19, v5;
	v20 =	vmul.f32 v20, v6;
	v43 =	vsub.s32 $0x5F3759DF, v60  }
0xc2: {  	v31 =	vmul.f32 v31, v7;
	v32 =	vsub.f32 $1.500000000e+00, v32;
	v48, _, _ =	vpop (xrf2);
	v62 =	vmul.f32 v43, v21  }
0xc3: {  	v29 =	vmul.f32 v29, v8;
	v19 =	vadd.f32 v19, v9;
	v52 =	vperm.xlane v48, v1  }
0xc4: {  	v20 =	vadd.f32 v20, v10;
	v32 =	vmul.f32 v44, v32;
	v53, _, _ =	vpop (xrf2);
	v45 =	vmul.f32 v43, v62  }
0xc5: {  	v31 =	vadd.f32 v31, v11;
	v33 =	vmul.f32 $1.562500000e-02, v52;
	v46 =	vperm.xlane v53, v1  }
0xc6: {  	[tilespmem:v42+s22+$0x0] =	vst.idx.msk $0xffff, v24;
	v29 =	vadd.f32 v29, v12;
	v36 =	vmul.f32 v32, v36;
	v45 =	vsub.f32 $1.500000000e+00, v45  }
0xc7: {  	s11 =	sadd.s32 $0x1, s7;
	[tilespmem:v51+s22+$0x0] =	vst.idx.msk $0xffff, v23;
	v59 =	vmov s9;
	v54 =	vmul.f32 v33, v33;
	v46 =	vmul.f32 $1.562500000e-02, v46  }
0xc8: {  	[tilespmem:v50+s22+$0x0] =	vst.idx.msk $0xffff, v22;
	v34 =	vand.u32 $0x7E, v59;
	v59 =	vmov s11;
	v43 =	vmul.f32 v43, v45  }
0xc9: {  	v24 =	vadd.s32 v3, v34;
	v55 =	vmul.f32 v36, v32;
	v45 =	vsub.f32 v46, v54  }
0xca: {  	[tilespmem:v26+s22+$0x0] =	vst.idx.msk $0xffff, v19;
	v22 =	vadd.s32 v4, v34;
	v19 =	vand.u32 $0x7F, v59;
	v21 =	vmul.f32 v43, v21  }
0xcb: {  	v50 =	vadd.s32 v3, v19;
	v23 =	vsub.f32 $1.500000000e+00, v55;
	v45 =	vadd.f32 $9.999999960e-13, v45  }
0xcc: {  	v58 =	vsub.f32 v38, v49;
	v44 =	vadd.s32 v0, v34;
	v21 =	vmul.f32 v21, v43  }
0xcd: {  	[tilespmem:v41+s22+$0x0] =	vst.idx.msk $0xffff, v15;
	v23 =	vmul.f32 v23, v32;
	v56 =	vshra.s32 v45, $0x1;
	v57 =	vmul.f32 $5.000000000e-01, v45  }
0xce: {  	[tilespmem:v27+s22+$0x0] =	vst.idx.msk $0xffff, v20;
	v46 =	vadd.s32 v2, v34;
	v34 =	vsub.s32 $0x5F3759DF, v56;
	v21 =	vsub.f32 $1.500000000e+00, v21  }
0xcf: {  	v63 =	vsub.f32 v40, v49;
	v60 =	vsub.f32 v37, v49;
	v61 =	vmul.f32 v34, v57  }
0xd0: {  	v42 =	vsub.f32 v47, v33;
	v52 =	vmul.f32 v23, v30;
	v15 =	vmul.f32 v21, v43  }
0xd1: {  	v16 =	vsub.f32 v16, v33;
	v53 =	vmul.f32 v23, v28;
	v37 =	vmul.f32 v34, v61  }
0xd2: {  	v47 =	vadd.s32 v2, v19;
	v17 =	vmul.f32 v23, v17;
	v62 =	vmul.f32 v15, v58  }
0xd3: {  	[tilespmem:v25+s22+$0x0] =	vst.idx.msk $0xffff, v31;
	v45 =	vsub.f32 v39, v49;
	v26 =	vmul.f32 v15, v60;
	v49 =	vsub.f32 $1.500000000e+00, v37  }
0xd4: {  	v54 =	vmul.f32 v52, v5;
	v43 =	vadd.s32 v0, v19;
	v20 =	vmul.f32 v62, v5  }
0xd5: {  	v14 =	vsub.f32 v14, v33;
	v48 =	vmul.f32 v26, v6;
	v26 =	vmul.f32 v34, v49  }
0xd6: {  	v13 =	vsub.f32 v13, v33;
	v21 =	vmul.f32 v15, v63;
	v15 =	vmul.f32 v15, v45  }
0xd7: {  	v55 =	vmul.f32 v53, v6;
	v20 =	vadd.f32 v20, v9;
	v51 =	vmul.f32 v26, v57  }
0xd8: {  	v19 =	vadd.s32 v4, v19;
	v21 =	vmul.f32 v21, v7;
	v15 =	vmul.f32 v15, v8  }
0xd9: {  	v25 =	vadd.f32 v48, v10;
	[tilespmem:v43+s22+$0x0] =	vst.idx.msk $0xffff, v20;
	v20 =	vmul.f32 v51, v26  }
0xda: {  	[tilespmem:v35+s22+$0x0] =	vst.idx.msk $0xffff, v29;
	v17 =	vmul.f32 v17, v7;
	v58 =	vmov s7;
	v21 =	vadd.f32 v21, v11  }
0xdb: {  	v59 =	vand.u32 $0x7E, v58;
	v15 =	vadd.f32 v15, v12;
	[tilespmem:v47+s22+$0x0] =	vst.idx.msk $0xffff, v25;
	v56 =	vsub.f32 $1.500000000e+00, v20  }
0xdc: {  	v17 =	vadd.f32 v17, v11;
	v61 =	vadd.s32 v2, v59;
	[tilespmem:v50+s22+$0x0] =	vst.idx.msk $0xffff, v21  }
0xdd: {  	v57 =	vadd.f32 v54, v9;
	[tilespmem:v19+s22+$0x0] =	vst.idx.msk $0xffff, v15;
	v19 =	vmul.f32 v56, v26  }
0xde: {  	v62 =	vadd.s32 v3, v59;
	v63 =	vadd.s32 v4, v59;
	v15 =	vmul.f32 v23, v18  }
0xdf: {  	[tilespmem:v44+s22+$0x0] =	vst.idx.msk $0xffff, v57;
	v18 =	vadd.f32 v55, v10;
	v60 =	vmul.f32 v19, v42  }
0xe0: {  	v21 =	vadd.s32 v0, v59;
	v15 =	vmul.f32 v15, v8;
	v16 =	vmul.f32 v19, v16  }
0xe1: {  	[tilespmem:v46+s22+$0x0] =	vst.idx.msk $0xffff, v18;
	v14 =	vmul.f32 v19, v14;
	v18 =	vmul.f32 v60, v5  }
0xe2: {  	v13 =	vmul.f32 v19, v13;
	v15 =	vadd.f32 v15, v12;
	v16 =	vmul.f32 v16, v6  }
0xe3: {  	[tilespmem:v24+s22+$0x0] =	vst.idx.msk $0xffff, v17;
	v14 =	vmul.f32 v14, v7;
	v18 =	vadd.f32 v18, v9  }
0xe4: {  	v13 =	vmul.f32 v13, v8;
	[tilespmem:v22+s22+$0x0] =	vst.idx.msk $0xffff, v15;
	v15 =	vadd.f32 v16, v10  }
0xe5: {  	s14 =	sshll.u32 s14, $0x7;
	v14 =	vadd.f32 v14, v11;
	[tilespmem:v21+s22+$0x0] =	vst.idx.msk $0xffff, v18  }
0xe6: {  	s0 =	sand.u32 $0xE00, s14;
	v13 =	vadd.f32 v13, v12;
	[tilespmem:v61+s22+$0x0] =	vst.idx.msk $0xffff, v15  }
0xe7: {  	s18 =	sshll.u32 s18, $0xF;
	s0 =	sadd.s32 s4, s0;
	[tilespmem:v62+s22+$0x0] =	vst.idx.msk $0xffff, v14  }
0xe8: {  	s9 =	simm.s32 $0xE400;
	s7 =	sadd.s32 s18, s0;
	[tilespmem:v63+s22+$0x0] =	vst.idx.msk $0xffff, v13  }
0xe9: {  	[hbm4b:s7+s5] =	stream.linear.scatter [tilespmem:s9], [sflag:$0x5], $0x80, $0x38;
	[tilespmem:$0x19E80] =	vst v63  }
0xea: {  	s10 =	simm.s32 $0xE488;
	s11 =	sadd.s32 $0x10, s7  }
0xeb: {  	[hbm4b:s11+s5] =	stream.linear.scatter [tilespmem:s10], [sflag:$0x5], $0x80, $0x38;
	[tilespmem:$0x19E80] =	vst v63  }
0xec: {  	s14 =	simm.s32 $0xE510;
	s18 =	sadd.s32 $0x20, s7  }
0xed: {  	[hbm4b:s18+s5] =	stream.linear.scatter [tilespmem:s14], [sflag:$0x5], $0x80, $0x38;
	[tilespmem:$0x19E80] =	vst v63  }
0xee: {  	s10 =	simm.s32 $0xE598;
	s11 =	sadd.s32 $0x30, s7  }
0xef: {  	[hbm4b:s11+s5] =	stream.linear.scatter [tilespmem:s10], [sflag:$0x5], $0x80, $0x38;
	[tilespmem:$0x19E80] =	vst v63  }
0xf0: {  	s14 =	simm.s32 $0xE620;
	s18 =	sadd.s32 $0x40, s7  }
0xf1: {  	[hbm4b:s18+s5] =	stream.linear.scatter [tilespmem:s14], [sflag:$0x5], $0x80, $0x38;
	[tilespmem:$0x19E80] =	vst v63  }
0xf2: {  	s0 =	simm.s32 $0x440;
	s10 =	simm.s32 $0xE6A8;
	s11 =	sadd.s32 $0x50, s7  }
0xf3: {  	[hbm4b:s11+s5] =	stream.linear.scatter [tilespmem:s10], [sflag:$0x5], $0x80, $0x38;
	[tilespmem:$0x19E80] =	vst v63  }
0xf4: {  	s9 =	simm.s32 $0x2200;
	s14 =	simm.s32 $0xE730;
	s18 =	sadd.s32 $0x60, s7  }
0xf5: {  	[hbm4b:s18+s5] =	stream.linear.scatter [tilespmem:s14], [sflag:$0x5], $0x80, $0x38;
	[tilespmem:$0x19E80] =	vst v63  }
0xf6: {  	s10 =	simm.s32 $0xE7B8;
	s14 =	sadd.s32 $0x70, s7;
	s7 =	sadd.s32 $0x1000, s7  }
.LBB2_5:
0xf7: {  	[hbm4b:s14+s5] =	stream.linear.scatter [tilespmem:s10], [sflag:$0x5], $0x80, $0x38;
	[tilespmem:$0x19E80] =	vst v63  }
0xf8: {  	s10 =	smov.u32 s0;
	s0 =	smov.u32 s9  }
0xf9: {  	s11 =	sadd.s32 $0x1100, s9;
	s0 =	sshra.s32 s0, $0x2;
	s14 =	sadd.s32 $0xE400, s10  }
0xfa: {  	[hbm4b:s7+s5] =	stream.linear.scatter [tilespmem:s14], [sflag:$0x5], $0x80, $0x38;
	[tilespmem:$0x19E80] =	vst v63  }
0xfb: {  	p1 =	sne.s32 s9, $0x7700;
	s9 =	sadd.s32 $0xE488, s10;
	s14 =	sadd.s32 $0x10, s7  }
0xfc: {  	[hbm4b:s14+s5] =	stream.linear.scatter [tilespmem:s9], [sflag:$0x5], $0x80, $0x38;
	[tilespmem:$0x19E80] =	vst v63  }
0xfd: {  	s9 =	sadd.s32 $0xE510, s10;
	s14 =	sadd.s32 $0x20, s7  }
0xfe: {  	[hbm4b:s14+s5] =	stream.linear.scatter [tilespmem:s9], [sflag:$0x5], $0x80, $0x38;
	[tilespmem:$0x19E80] =	vst v63  }
0xff: {  	s9 =	sadd.s32 $0xE598, s10;
	s14 =	sadd.s32 $0x30, s7  }
0x100: {  	[hbm4b:s14+s5] =	stream.linear.scatter [tilespmem:s9], [sflag:$0x5], $0x80, $0x38;
	[tilespmem:$0x19E80] =	vst v63  }
0x101: {  	s9 =	sadd.s32 $0xE620, s10;
	s14 =	sadd.s32 $0x40, s7  }
0x102: {  	[hbm4b:s14+s5] =	stream.linear.scatter [tilespmem:s9], [sflag:$0x5], $0x80, $0x38;
	[tilespmem:$0x19E80] =	vst v63  }
.Ltmp1:
0x103: {  	s9 =	sadd.s32 $0xE6A8, s10;
	s14 =	sadd.s32 $0x50, s7;
	(pc) =	sbr.rel @p1 .LBB2_5-.Ltmp1, $4  }
0x104: {  	[hbm4b:s14+s5] =	stream.linear.scatter [tilespmem:s9], [sflag:$0x5], $0x80, $0x38;
	[tilespmem:$0x19E80] =	vst v63  }
0x105: {  	s9 =	sadd.s32 $0xE730, s10;
	s14 =	sadd.s32 $0x60, s7;
	s10 =	sadd.s32 $0xE7B8, s10  }
0x106: {  	[hbm4b:s14+s5] =	stream.linear.scatter [tilespmem:s9], [sflag:$0x5], $0x80, $0x38;
	[tilespmem:$0x19E80] =	vst v63  }
0x107: {  	s14 =	sadd.s32 $0x70, s7;
	s7 =	sadd.s32 $0x1000, s7;
	s9 =	smov.u32 s11  }
0x108: {  	[hbm4b:s14+s5] =	stream.linear.scatter [tilespmem:s10], [sflag:$0x5], $0x80, $0x38;
	[tilespmem:$0x19E80] =	vst v63  }
0x109: {  	s9 =	sadd.s32 $0xE400, s0  }
0x10a: {  	[hbm4b:s7+s5] =	stream.linear.scatter [tilespmem:s9], [sflag:$0x5], $0x80, $0x38;
	[tilespmem:$0x19E80] =	vst v63  }
0x10b: {  	s14 =	sadd.s32 $0xE488, s0;
	s18 =	sadd.s32 $0x10, s7  }
0x10c: {  	[hbm4b:s18+s5] =	stream.linear.scatter [tilespmem:s14], [sflag:$0x5], $0x80, $0x38;
	[tilespmem:$0x19E80] =	vst v63  }
0x10d: {  	s10 =	sadd.s32 $0xE510, s0;
	s11 =	sadd.s32 $0x20, s7  }
0x10e: {  	[hbm4b:s11+s5] =	stream.linear.scatter [tilespmem:s10], [sflag:$0x5], $0x80, $0x38;
	[tilespmem:$0x19E80] =	vst v63  }
0x10f: {  	s14 =	sadd.s32 $0xE598, s0;
	s18 =	sadd.s32 $0x30, s7  }
0x110: {  	[hbm4b:s18+s5] =	stream.linear.scatter [tilespmem:s14], [sflag:$0x5], $0x80, $0x38;
	[tilespmem:$0x19E80] =	vst v63  }
0x111: {  	s10 =	sadd.s32 $0xE620, s0;
	s11 =	sadd.s32 $0x40, s7  }
0x112: {  	[hbm4b:s11+s5] =	stream.linear.scatter [tilespmem:s10], [sflag:$0x5], $0x80, $0x38;
	[tilespmem:$0x19E80] =	vst v63  }
0x113: {  	p1 =	sne.s32 s3, $0x31;
	s14 =	sadd.s32 $0xE6A8, s0;
	s18 =	sadd.s32 $0x50, s7  }
0x114: {  	[hbm4b:s18+s5] =	stream.linear.scatter [tilespmem:s14], [sflag:$0x5], $0x80, $0x38;
	[tilespmem:$0x19E80] =	vst v63  }
.Ltmp2:
0x115: {  	_ = 	snop;
	(pc) =	sbr.rel @p1 .LBB2_8-.Ltmp2, $4  }
0x116: {  	s10 =	sadd.s32 $0xE730, s0;
	s11 =	sadd.s32 $0x60, s7  }
0x117: {  	[hbm4b:s11+s5] =	stream.linear.scatter [tilespmem:s10], [sflag:$0x5], $0x80, $0x38;
	[tilespmem:$0x19E80] =	vst v63  }
0x118: {  	s14 =	sadd.s32 $0xE7B8, s0;
	s18 =	sadd.s32 $0x70, s7  }
0x119: {  	[hbm4b:s18+s5] =	stream.linear.scatter [tilespmem:s14], [sflag:$0x5], $0x80, $0x38;
	[tilespmem:$0x19E80] =	vst v63  }
.Ltmp3:
0x11a: {  	(pc) =	sbr.rel .LBB2_9-.Ltmp3, $4  }
0x11b: {  	_ = 	snop  }
0x11c: {  	_ =	swait.ge [sflag:s23], $0x2000  }
0x11d: {  	[sflag:s23] =	ssyncset.done $0x0  }
0x11e: {  	[sflag:s23] =	ssyncadd.s32 $0xFFFFE000  }
.LBB2_8:
0x11f: {  	s0 =	sshll.u32 s3, $0x9  }
0x120: {  	s0 =	sand.u32 $0x3FFFFE00, s0  }
.Ltmp4:
0x121: {  	s0 =	sadd.s32 $0x200, s0;
	(pc) =	sbr.rel @p0 .LBB2_10-.Ltmp4, $4  }
0x122: {  	[tilespmem:s16], [sflag:$0x1] =	stream.indirect.gather [hbm4b:s6+s15], $0x40, s0, s15, $0xb8;
	[tilespmem:$0x19E80] =	vst v63  }
0x123: {  	_ =	swait.ge [sflag:s23], $0x2000  }
0x124: {  	[sflag:s23] =	ssyncset.done $0x0  }
0x125: {  	[sflag:s23] =	ssyncadd.s32 $0xFFFFE000  }
.LBB2_9:
0x126: {  	_ =	swait.ge [sflag:s24], $0x2000  }
0x127: {  	[sflag:s24] =	ssyncset.done $0x0  }
0x128: {  	[sflag:s24] =	ssyncadd.s32 $0xFFFFE000  }
.LBB2_10:
0x129: {  	s9 =	simm.s32 $0x8440  }
0x12a: {  	s0 =	sor.u32 $0x1, s13;
	v17 =	vld [tilespmem:s9+$0x0]  }
0x12b: {  	s14 =	sadd.s32 s8, s0;
	v18 =	vld [tilespmem:s9+$0x10]  }
0x12c: {  	v19 =	vld [tilespmem:s9+$0x20];
	s0 =	sshll.u32 s14, $0x1  }
0x12d: {  	v20 =	vld [tilespmem:s9+$0x30];
	s0 =	sand.u32 $0x3FFFFFC0, s0  }
0x12e: {  	v14 =	vld [tilespmem:s0+$0x16C00]  }
0x12f: {  	v16 =	vld [tilespmem:s0+$0x16C10]  }
0x130: {  	v15 =	vld [tilespmem:s0+$0x16C20]  }
0x131: {  	v13 =	vld [tilespmem:s0+$0x16C30];
	_ =	sdelay $0x3  }
0x132: {  	v17 =	vadd.f32 v17, v14;
	v18 =	vadd.f32 v18, v16  }
0x133: {  	v27 =	vadd.f32 v19, v15;
	v28 =	vadd.f32 v20, v13  }
0x134: {  	v19 =	vadd.f32 v18, v17  }
0x135: {  	v20 =	vmul.f32 v17, v17;
	v21 =	vadd.f32 v28, v27;
	v22 =	vmul.f32 v18, v18  }
0x136: {  	v23 =	vmul.f32 v27, v27;
	v24 =	vmul.f32 v28, v28  }
0x137: {  	v19 =	vadd.f32 v21, v19  }
0x138: {  	v20 =	vadd.f32 v22, v20;
	v21 =	vadd.f32 v24, v23;
	_ =	sdelay $0x1  }
0x139: {  	(xrf2) =	vadd.scan.msk.f32 $0xffff, v19;
	v19 =	vadd.f32 v21, v20;
	_ =	sdelay $0x1  }
0x13a: {  	(xrf2) =	vadd.scan.msk.f32 $0xffff, v19;
	_ =	sdelay $0x3  }
0x13b: {  	v22 =	vld [tilespmem:s9+$0xFFFFFFF0]  }
0x13c: {  	v19 =	vld [tilespmem:s9+$0xFFFFFFD0]  }
0x13d: {  	v20 =	vld [tilespmem:s9+$0xFFFFFFE0]  }
0x13e: {  	v21 =	vld [tilespmem:s9+$0xFFFFFFC0]  }
0x13f: {  	v23, _, _ =	vpop (xrf2)  }
0x140: {  	v23 =	vperm.xlane v23, v1  }
0x141: {  	v29 =	vadd.f32 v19, v16;
	v24, _, _ =	vpop (xrf2)  }
0x142: {  	v26 =	vadd.f32 v22, v13;
	v30 =	vmul.f32 $1.562500000e-02, v23;
	v19 =	vperm.xlane v24, v1  }
0x143: {  	v31 =	vadd.f32 v21, v14;
	v25 =	vadd.f32 v20, v15;
	v21 =	vmul.f32 v29, v29  }
0x144: {  	v19 =	vmul.f32 $1.562500000e-02, v19;
	v20 =	vmul.f32 v30, v30  }
0x145: {  	s10 =	simm.s32 $0x84C0;
	v22 =	vadd.f32 v29, v31;
	v23 =	vadd.f32 v26, v25;
	v24 =	vmul.f32 v31, v31  }
0x146: {  	v33 =	vld [tilespmem:s10+$0x0];
	v32 =	vmul.f32 v26, v26;
	v19 =	vsub.f32 v19, v20;
	v20 =	vmul.f32 v25, v25  }
0x147: {  	v43 =	vld [tilespmem:s10+$0x20];
	v22 =	vadd.f32 v23, v22;
	v21 =	vadd.f32 v21, v24  }
0x148: {  	v23 =	vld [tilespmem:s10+$0x10];
	v19 =	vadd.f32 $9.999999960e-13, v19;
	v20 =	vadd.f32 v32, v20  }
0x149: {  	v34 =	vld [tilespmem:s10+$0x30]  }
0x14a: {  	(xrf2) =	vadd.scan.msk.f32 $0xffff, v22;
	v22 =	vshra.s32 v19, $0x1;
	v19 =	vmul.f32 $5.000000000e-01, v19;
	v20 =	vadd.f32 v20, v21  }
0x14b: {  	v35 =	vsub.s32 $0x5F3759DF, v22  }
0x14c: {  	v24 =	vadd.f32 v33, v14;
	v21 =	vmul.f32 v35, v19;
	(xrf2) =	vadd.scan.msk.f32 $0xffff, v20  }
0x14d: {  	v23 =	vadd.f32 v23, v16;
	v22 =	vadd.f32 v43, v15  }
0x14e: {  	v33 =	vmul.f32 v24, v24;
	v20 =	vmul.f32 v35, v21;
	v21 =	vadd.f32 v34, v13  }
0x14f: {  	v44 =	vadd.f32 v23, v24;
	v36 =	vmul.f32 v23, v23;
	v37 =	vmul.f32 v22, v22  }
0x150: {  	v50 =	vld [tilespmem:s10+$0xFFFFFFE0];
	v20 =	vsub.f32 $1.500000000e+00, v20;
	v34 =	vadd.f32 v21, v22;
	v38 =	vmul.f32 v21, v21  }
0x151: {  	v39 =	vld [tilespmem:s10+$0xFFFFFFF0];
	v33 =	vadd.f32 v36, v33  }
0x152: {  	v35 =	vmul.f32 v35, v20;
	v20 =	vadd.f32 v34, v44;
	v46 =	vadd.f32 v38, v37  }
0x153: {  	v47 =	vld [tilespmem:s10+$0xFFFFFFD0]  }
0x154: {  	v48 =	vld [tilespmem:s10+$0xFFFFFFC0];
	v52 =	vsub.f32 v17, v30;
	v45, _, _ =	vpop (xrf2);
	(xrf2) =	vadd.scan.msk.f32 $0xffff, v20;
	v20 =	vadd.f32 v46, v33  }
0x155: {  	v17 =	vadd.f32 v50, v15;
	v54 =	vsub.f32 v18, v30  }
0x156: {  	v18 =	vadd.f32 v39, v13;
	v32 =	vperm.xlane v45, v1;
	v19 =	vmul.f32 v35, v19;
	v49, _, _ =	vpop (xrf2);
	(xrf2) =	vadd.scan.msk.f32 $0xffff, v20  }
0x157: {  	v27 =	vsub.f32 v27, v30;
	v28 =	vsub.f32 v28, v30  }
0x158: {  	s11 =	simm.s32 $0x1;
	v41 =	vadd.f32 v18, v17;
	v33 =	vmul.f32 $1.562500000e-02, v32;
	v51 =	vmul.f32 v19, v35  }
0x159: {  	v55 =	vmov s11;
	v38 =	vadd.f32 v47, v16;
	v37 =	vadd.f32 v48, v14  }
0x15a: {  	v45 =	vmul.f32 v17, v17;
	v19 =	vsub.f32 v31, v33;
	v31 =	vsub.f32 $1.500000000e+00, v51  }
0x15b: {  	v36 =	vand.u32 $0x7F, v55;
	v53 =	vmul.f32 v38, v38;
	v42 =	vmul.f32 v37, v37  }
0x15c: {  	v56 =	vadd.f32 v38, v37;
	v32 =	vperm.xlane v49, v1;
	v31 =	vmul.f32 v31, v35  }
0x15d: {  	v46 =	vmul.f32 v18, v18;
	v40 =	vmul.f32 v33, v33;
	v20 =	vsub.f32 v29, v33  }
0x15e: {  	v30 =	vadd.f32 v41, v56;
	v29 =	vmul.f32 $1.562500000e-02, v32;
	v32 =	vmul.f32 v31, v52;
	v44, _, _ =	vpop (xrf2)  }
0x15f: {  	v59 =	vadd.f32 v46, v45;
	v35 =	vadd.f32 v53, v42;
	v57 =	vperm.xlane v44, v1  }
0x160: {  	v43 =	vadd.s32 v0, v36;
	v29 =	vsub.f32 v29, v40;
	v58 =	vmul.f32 v32, v5;
	v60, _, _ =	vpop (xrf2)  }
0x161: {  	v35 =	vadd.f32 v59, v35;
	(xrf2) =	vadd.scan.msk.f32 $0xffff, v30;
	v32 =	vmul.f32 $1.562500000e-02, v57;
	v61 =	vperm.xlane v60, v1  }
0x162: {  	v63 =	vadd.s32 v3, v36;
	v34 =	vmul.f32 v31, v54;
	v27 =	vmul.f32 v31, v27  }
0x163: {  	v29 =	vadd.f32 $9.999999960e-13, v29;
	(xrf2) =	vadd.scan.msk.f32 $0xffff, v35;
	v39 =	vmul.f32 $1.562500000e-02, v61;
	v62 =	vmul.f32 v32, v32  }
0x164: {  	v28 =	vmul.f32 v31, v28;
	v30 =	vadd.s32 v2, v36;
	v34 =	vmul.f32 v34, v6  }
0x165: {  	v56 =	vshra.s32 v29, $0x1;
	v57 =	vmul.f32 $5.000000000e-01, v29;
	v31 =	vsub.f32 v39, v62  }
0x166: {  	v27 =	vmul.f32 v27, v7;
	v29 =	vadd.f32 v58, v9;
	v58 =	vsub.s32 $0x5F3759DF, v56  }
0x167: {  	v36 =	vadd.s32 v4, v36;
	v35 =	vmul.f32 v58, v57;
	v31 =	vadd.f32 $9.999999960e-13, v31  }
0x168: {  	v28 =	vmul.f32 v28, v8;
	v34 =	vadd.f32 v34, v10;
	v27 =	vadd.f32 v27, v11  }
0x169: {  	s18 =	simm.s32 $0x0;
	s10 =	simm.s32 $0x8540;
	v59 =	vshra.s32 v31, $0x1;
	v42 =	vmul.f32 $5.000000000e-01, v31;
	v31 =	vmul.f32 v58, v35  }
0x16a: {  	v48 =	vld [tilespmem:s10+$0x0];
	v28 =	vadd.f32 v28, v12;
	[tilespmem:v43+s25+$0x0] =	vst.idx.msk $0xffff, v29;
	v29 =	vmov s18;
	v51 =	vsub.s32 $0x5F3759DF, v59  }
0x16b: {  	v47 =	vld [tilespmem:s10+$0x30];
	[tilespmem:v30+s25+$0x0] =	vst.idx.msk $0xffff, v34;
	v60, _, _ =	vpop (xrf2);
	v35 =	vand.u32 $0x7E, v29;
	v30 =	vmul.f32 v51, v42;
	v61 =	vsub.f32 $1.500000000e+00, v31  }
0x16c: {  	v52 =	vld [tilespmem:s10+$0x10];
	v29 =	vsub.f32 v26, v33;
	v31 =	vsub.f32 v25, v33;
	v25 =	vperm.xlane v60, v1  }
0x16d: {  	v46 =	vld [tilespmem:s10+$0x20];
	v26 =	vadd.s32 v0, v35;
	v62, _, _ =	vpop (xrf2);
	v30 =	vmul.f32 v51, v30;
	v34 =	vmul.f32 v58, v61  }
0x16e: {  	v41 =	vld [tilespmem:s10+$0xFFFFFFE0];
	[tilespmem:v63+s25+$0x0] =	vst.idx.msk $0xffff, v27;
	v27 =	vadd.s32 v2, v35;
	v50 =	vperm.xlane v62, v1;
	v33 =	vmul.f32 $1.562500000e-02, v25  }
0x16f: {  	v49 =	vld [tilespmem:s10+$0xFFFFFFC0];
	[tilespmem:v36+s25+$0x0] =	vst.idx.msk $0xffff, v28;
	v25 =	vadd.s32 v3, v35;
	v63 =	vsub.f32 $1.500000000e+00, v30;
	v45 =	vmul.f32 v34, v57  }
0x170: {  	s7 =	simm.s32 $0x4;
	v44 =	vld [tilespmem:s10+$0xFFFFFFD0];
	v36 =	vmul.f32 v33, v33;
	v30 =	vsub.f32 v37, v33;
	v28 =	vsub.f32 v38, v33  }
0x171: {  	s0 =	simm.s32 $0x6;
	s9 =	simm.s32 $0x2;
	s18 =	sshrl.u32 s14, $0x5;
	v43 =	vld [tilespmem:s10+$0xFFFFFFF0];
	v38 =	vadd.f32 v48, v14;
	v37 =	vadd.f32 v52, v16;
	v48 =	vmul.f32 v51, v63  }
.LBB2_11:
0x172: {  	p2 =	slt.u32 s0, $0x7E;
	v46 =	vadd.f32 v46, v15;
	v47 =	vadd.f32 v47, v13;
	v50 =	vmul.f32 $1.562500000e-02, v50  }
0x173: {  	v40 =	vadd.f32 v37, v38;
	v51 =	vmul.f32 v38, v38;
	v42 =	vmul.f32 v48, v42  }
0x174: {  	v53 =	vmul.f32 v37, v37;
	v52 =	vadd.f32 v47, v46;
	v54 =	vmul.f32 v46, v46  }
0x175: {  	v39 =	vadd.f32 v44, v16;
	v44 =	vmul.f32 v47, v47;
	v42 =	vmul.f32 v42, v48  }
0x176: {  	v45 =	vmul.f32 v45, v34;
	v51 =	vadd.f32 v53, v51;
	v52 =	vadd.f32 v52, v40  }
0x177: {  	v53 =	vmul.f32 v39, v39;
	v44 =	vadd.f32 v44, v54;
	v42 =	vsub.f32 $1.500000000e+00, v42  }
0x178: {  	v40 =	vadd.f32 v49, v14;
	v49 =	vadd.f32 v41, v15;
	v41 =	vadd.s32 v4, v35;
	(xrf2) =	vadd.scan.msk.f32 $0xffff, v52  }
0x179: {  	s11 =	sadd.s32 $0x1, s9;
	v35 =	vadd.f32 v44, v51;
	v44 =	vsub.f32 v24, v32;
	v24 =	vmovc v38;
	v42 =	vmul.f32 v42, v48  }
0x17a: {  	v38 =	vadd.f32 v43, v13;
	v43 =	vmov s11;
	v48 =	vsub.f32 v23, v32;
	v23 =	vmovc v37  }
0x17b: {  	v37 =	vand.u32 $0x7F, v43;
	v43 =	vsub.f32 v22, v32;
	v22 =	vmovc v46;
	(xrf2) =	vadd.scan.msk.f32 $0xffff, v35;
	v35 =	vmul.f32 v42, v44  }
0x17c: {  	v32 =	vsub.f32 v21, v32;
	v21 =	vmovc v47;
	v44 =	vadd.s32 v0, v37;
	v46 =	vmul.f32 v42, v48  }
0x17d: {  	v47 =	vadd.s32 v2, v37;
	v43 =	vmul.f32 v42, v43;
	v35 =	vmul.f32 v35, v5  }
0x17e: {  	v48 =	vadd.s32 v3, v37;
	v32 =	vmul.f32 v42, v32;
	v46 =	vmul.f32 v46, v6  }
0x17f: {  	v37 =	vadd.s32 v4, v37;
	v42 =	vmul.f32 v43, v7;
	v35 =	vadd.f32 v35, v9  }
0x180: {  	v43 =	vadd.f32 v39, v40;
	v32 =	vmul.f32 v32, v8;
	v46 =	vadd.f32 v46, v10  }
0x181: {  	v51 =	vadd.f32 v38, v49;
	[tilespmem:v44+s25+$0x0] =	vst.idx.msk $0xffff, v35;
	v35 =	vadd.f32 v42, v11  }
0x182: {  	v45 =	vsub.f32 $1.500000000e+00, v45;
	v32 =	vadd.f32 v32, v12;
	v42 =	vmul.f32 v40, v40;
	v44, _, _ =	vpop (xrf2);
	[tilespmem:v47+s25+$0x0] =	vst.idx.msk $0xffff, v46  }
0x183: {  	v54 =	vmul.f32 v49, v49;
	v52 =	vmov s9;
	s9 =	smov.u32 s7;
	s7 =	smov.u32 s0;
	v47 =	vmul.f32 v38, v38;
	[tilespmem:v48+s25+$0x0] =	vst.idx.msk $0xffff, v35  }
0x184: {  	v43 =	vadd.f32 v51, v43;
	v44 =	vperm.xlane v44, v1;
	v35 =	vand.u32 $0x7E, v52;
	[tilespmem:v37+s25+$0x0] =	vst.idx.msk $0xffff, v32  }
0x185: {  	v34 =	vmul.f32 v45, v34;
	v37 =	vadd.f32 v53, v42;
	v42 =	vadd.f32 v47, v54;
	v46, _, _ =	vpop (xrf2)  }
0x186: {  	v36 =	vsub.f32 v50, v36;
	v32 =	vmul.f32 $1.562500000e-02, v44;
	v44 =	vperm.xlane v46, v1;
	(xrf2) =	vadd.scan.msk.f32 $0xffff, v43  }
0x187: {  	v37 =	vadd.f32 v42, v37;
	v42 =	vsub.f32 v17, v33;
	v43 =	vmul.f32 v34, v19;
	v17 =	vmovc v49  }
0x188: {  	v36 =	vadd.f32 $9.999999960e-13, v36;
	v19 =	vmovc v30;
	v45 =	vmul.f32 v32, v32;
	v44 =	vmul.f32 $1.562500000e-02, v44  }
0x189: {  	v30 =	vsub.f32 v18, v33;
	v33 =	vmul.f32 v34, v20;
	(xrf2) =	vadd.scan.msk.f32 $0xffff, v37;
	v37 =	vmul.f32 v34, v31  }
0x18a: {  	v18 =	vmovc v38;
	v31 =	vmovc v42;
	v44 =	vsub.f32 v44, v45;
	v45 =	vshra.s32 v36, $0x1;
	v36 =	vmul.f32 $5.000000000e-01, v36  }
0x18b: {  	v20 =	vmovc v28;
	v42 =	vmul.f32 v43, v5;
	v34 =	vmul.f32 v34, v29;
	v29 =	vmovc v30;
	v38 =	vsub.s32 $0x5F3759DF, v45  }
0x18c: {  	v33 =	vmul.f32 v33, v6;
	v28 =	vadd.f32 $9.999999960e-13, v44;
	v30 =	vmul.f32 v38, v36  }
0x18d: {  	v43 =	vadd.f32 v42, v9;
	v37 =	vmul.f32 v37, v7;
	v34 =	vmul.f32 v34, v8  }
0x18e: {  	s10 =	sadd.s32 $0x80, s10;
	v44 =	vshra.s32 v28, $0x1;
	v42 =	vmul.f32 $5.000000000e-01, v28;
	v28 =	vmul.f32 v38, v30  }
0x18f: {  	v30 =	vadd.f32 v33, v10;
	v33 =	vadd.f32 v37, v11;
	v48 =	vld [tilespmem:s10+$0x0];
	v51 =	vsub.s32 $0x5F3759DF, v44;
	[tilespmem:v26+s25+$0x0] =	vst.idx.msk $0xffff, v43  }
0x190: {  	v45 =	vadd.f32 v34, v12;
	v37 =	vld [tilespmem:s10+$0x10];
	v43 =	vmul.f32 v51, v42;
	v26, _, _ =	vpop (xrf2);
	v50 =	vsub.f32 $1.500000000e+00, v28  }
0x191: {  	v46 =	vld [tilespmem:s10+$0x20];
	v49 =	vperm.xlane v26, v1;
	v26 =	vadd.s32 v0, v35;
	[tilespmem:v27+s25+$0x0] =	vst.idx.msk $0xffff, v30  }
.Ltmp5:
0x192: {  	v47 =	vld [tilespmem:s10+$0x30];
	v30 =	vmul.f32 v51, v43;
	v34 =	vmul.f32 v38, v50;
	[tilespmem:v25+s25+$0x0] =	vst.idx.msk $0xffff, v33;
	(pc) =	sbr.rel @p2 .LBB2_11-.Ltmp5, $4  }
0x193: {  	v27 =	vadd.s32 v2, v35;
	v25 =	vadd.s32 v3, v35;
	v44 =	vld [tilespmem:s10+$0xFFFFFFD0];
	v33 =	vmul.f32 $1.562500000e-02, v49;
	v28, _, _ =	vpop (xrf2);
	[tilespmem:v41+s25+$0x0] =	vst.idx.msk $0xffff, v45  }
0x194: {  	v41 =	vld [tilespmem:s10+$0xFFFFFFE0];
	v50 =	vperm.xlane v28, v1;
	v52 =	vsub.f32 $1.500000000e+00, v30;
	v45 =	vmul.f32 v34, v36  }
0x195: {  	v43 =	vld [tilespmem:s10+$0xFFFFFFF0];
	v36 =	vmul.f32 v33, v33;
	v30 =	vsub.f32 v40, v33;
	v28 =	vsub.f32 v39, v33  }
0x196: {  	s0 =	sadd.s32 $0x2, s0;
	v38 =	vadd.f32 v48, v14;
	v37 =	vadd.f32 v37, v16;
	v49 =	vld [tilespmem:s10+$0xFFFFFFC0];
	v48 =	vmul.f32 v51, v52  }
0x197: {  	v40 =	vadd.f32 v46, v15;
	v39 =	vadd.f32 v47, v13  }
0x198: {  	v59 =	vadd.f32 v37, v38;
	v60 =	vmul.f32 v38, v38;
	v52 =	vmul.f32 v37, v37  }
0x199: {  	v51 =	vadd.f32 v39, v40;
	v53 =	vmul.f32 v40, v40;
	v54 =	vmul.f32 v39, v39  }
0x19a: {  	v47 =	vadd.f32 v52, v60  }
0x19b: {  	v46 =	vadd.f32 v51, v59;
	v61 =	vadd.f32 v54, v53  }
0x19c: {  	v45 =	vmul.f32 v45, v34;
	v24 =	vsub.f32 v24, v32  }
0x19d: {  	v35 =	vadd.s32 v4, v35;
	v23 =	vsub.f32 v23, v32;
	(xrf2) =	vadd.scan.msk.f32 $0xffff, v46;
	v62 =	vadd.f32 v61, v47  }
0x19e: {  	v22 =	vsub.f32 v22, v32;
	v21 =	vsub.f32 v21, v32;
	v42 =	vmul.f32 v48, v42  }
0x19f: {  	v17 =	vsub.f32 v17, v33;
	v16 =	vadd.f32 v44, v16;
	v44 =	vmul.f32 $1.562500000e-02, v50;
	(xrf2) =	vadd.scan.msk.f32 $0xffff, v62  }
0x1a0: {  	s0 =	sadd.s32 $0x1, s9;
	v18 =	vsub.f32 v18, v33;
	v45 =	vsub.f32 $1.500000000e+00, v45;
	v42 =	vmul.f32 v42, v48  }
0x1a1: {  	v56 =	vmov s0;
	v13 =	vadd.f32 v43, v13;
	v36 =	vsub.f32 v44, v36  }
0x1a2: {  	v63 =	vmul.f32 v16, v16;
	v42 =	vsub.f32 $1.500000000e+00, v42;
	v47 =	vadd.f32 v49, v14  }
0x1a3: {  	v36 =	vadd.f32 $9.999999960e-13, v36;
	v14 =	vadd.f32 v41, v15;
	v41 =	vand.u32 $0x7F, v56  }
0x1a4: {  	v61 =	vmul.f32 v13, v13;
	v15 =	vmul.f32 v42, v48;
	v57 =	vadd.f32 v16, v47  }
0x1a5: {  	v43 =	vadd.f32 v13, v14;
	v58 =	vmul.f32 v47, v47;
	v60 =	vmul.f32 v14, v14  }
0x1a6: {  	v42 =	vadd.s32 v0, v41;
	v24 =	vmul.f32 v15, v24;
	v23 =	vmul.f32 v15, v23  }
0x1a7: {  	v22 =	vmul.f32 v15, v22;
	v15 =	vmul.f32 v15, v21;
	v32 =	vadd.f32 v43, v57;
	v59, _, _ =	vpop (xrf2)  }
0x1a8: {  	v62 =	vadd.f32 v63, v58;
	v53 =	vadd.f32 v61, v60;
	v49 =	vperm.xlane v59, v1  }
0x1a9: {  	v58 =	vmul.f32 v45, v34;
	v61 =	vshra.s32 v36, $0x1;
	v36 =	vmul.f32 $5.000000000e-01, v36;
	v63, _, _ =	vpop (xrf2)  }
0x1aa: {  	v54 =	vadd.f32 v53, v62;
	(xrf2) =	vadd.scan.msk.f32 $0xffff, v32;
	v49 =	vmul.f32 $1.562500000e-02, v49;
	v46 =	vperm.xlane v63, v1  }
0x1ab: {  	v51 =	vadd.s32 v2, v41;
	v24 =	vmul.f32 v24, v5;
	v23 =	vmul.f32 v23, v6  }
0x1ac: {  	v50 =	vadd.s32 v3, v41;
	(xrf2) =	vadd.scan.msk.f32 $0xffff, v54;
	v55 =	vmul.f32 $1.562500000e-02, v46;
	v56 =	vmul.f32 v49, v49  }
0x1ad: {  	v41 =	vadd.s32 v4, v41;
	v22 =	vmul.f32 v22, v7;
	v15 =	vmul.f32 v15, v8  }
0x1ae: {  	v44 =	vsub.s32 $0x5F3759DF, v61;
	v19 =	vmul.f32 v58, v19;
	v57 =	vsub.f32 v55, v56  }
0x1af: {  	v20 =	vmul.f32 v58, v20;
	v31 =	vmul.f32 v58, v31;
	v24 =	vadd.f32 v24, v9  }
0x1b0: {  	v23 =	vadd.f32 v23, v10;
	v63 =	vmul.f32 v44, v36;
	v21 =	vadd.f32 $9.999999960e-13, v57  }
0x1b1: {  	v29 =	vmul.f32 v58, v29;
	v22 =	vadd.f32 v22, v11;
	v15 =	vadd.f32 v15, v12  }
0x1b2: {  	v32 =	vmul.f32 v44, v63;
	v60 =	vshra.s32 v21, $0x1;
	v21 =	vmul.f32 $5.000000000e-01, v21  }
0x1b3: {  	v19 =	vmul.f32 v19, v5;
	v20 =	vmul.f32 v20, v6;
	v43 =	vsub.s32 $0x5F3759DF, v60  }
0x1b4: {  	v31 =	vmul.f32 v31, v7;
	v32 =	vsub.f32 $1.500000000e+00, v32;
	v48, _, _ =	vpop (xrf2);
	v62 =	vmul.f32 v43, v21  }
0x1b5: {  	v29 =	vmul.f32 v29, v8;
	v19 =	vadd.f32 v19, v9;
	v52 =	vperm.xlane v48, v1  }
0x1b6: {  	v20 =	vadd.f32 v20, v10;
	v32 =	vmul.f32 v44, v32;
	v53, _, _ =	vpop (xrf2);
	v45 =	vmul.f32 v43, v62  }
0x1b7: {  	v31 =	vadd.f32 v31, v11;
	v33 =	vmul.f32 $1.562500000e-02, v52;
	v46 =	vperm.xlane v53, v1  }
0x1b8: {  	[tilespmem:v42+s25+$0x0] =	vst.idx.msk $0xffff, v24;
	v29 =	vadd.f32 v29, v12;
	v36 =	vmul.f32 v32, v36;
	v45 =	vsub.f32 $1.500000000e+00, v45  }
0x1b9: {  	s11 =	sadd.s32 $0x1, s7;
	[tilespmem:v51+s25+$0x0] =	vst.idx.msk $0xffff, v23;
	v59 =	vmov s9;
	v54 =	vmul.f32 v33, v33;
	v46 =	vmul.f32 $1.562500000e-02, v46  }
0x1ba: {  	[tilespmem:v50+s25+$0x0] =	vst.idx.msk $0xffff, v22;
	v34 =	vand.u32 $0x7E, v59;
	v59 =	vmov s11;
	v43 =	vmul.f32 v43, v45  }
0x1bb: {  	v24 =	vadd.s32 v3, v34;
	v55 =	vmul.f32 v36, v32;
	v45 =	vsub.f32 v46, v54  }
0x1bc: {  	[tilespmem:v26+s25+$0x0] =	vst.idx.msk $0xffff, v19;
	v22 =	vadd.s32 v4, v34;
	v19 =	vand.u32 $0x7F, v59;
	v21 =	vmul.f32 v43, v21  }
0x1bd: {  	v50 =	vadd.s32 v3, v19;
	v23 =	vsub.f32 $1.500000000e+00, v55;
	v45 =	vadd.f32 $9.999999960e-13, v45  }
0x1be: {  	v58 =	vsub.f32 v38, v49;
	v44 =	vadd.s32 v0, v34;
	v21 =	vmul.f32 v21, v43  }
0x1bf: {  	[tilespmem:v41+s25+$0x0] =	vst.idx.msk $0xffff, v15;
	v23 =	vmul.f32 v23, v32;
	v56 =	vshra.s32 v45, $0x1;
	v57 =	vmul.f32 $5.000000000e-01, v45  }
0x1c0: {  	[tilespmem:v27+s25+$0x0] =	vst.idx.msk $0xffff, v20;
	v46 =	vadd.s32 v2, v34;
	v34 =	vsub.s32 $0x5F3759DF, v56;
	v21 =	vsub.f32 $1.500000000e+00, v21  }
0x1c1: {  	v63 =	vsub.f32 v40, v49;
	v60 =	vsub.f32 v37, v49;
	v61 =	vmul.f32 v34, v57  }
0x1c2: {  	v42 =	vsub.f32 v47, v33;
	v52 =	vmul.f32 v23, v30;
	v15 =	vmul.f32 v21, v43  }
0x1c3: {  	v16 =	vsub.f32 v16, v33;
	v53 =	vmul.f32 v23, v28;
	v37 =	vmul.f32 v34, v61  }
0x1c4: {  	v47 =	vadd.s32 v2, v19;
	v17 =	vmul.f32 v23, v17;
	v62 =	vmul.f32 v15, v58  }
0x1c5: {  	[tilespmem:v25+s25+$0x0] =	vst.idx.msk $0xffff, v31;
	v45 =	vsub.f32 v39, v49;
	v26 =	vmul.f32 v15, v60;
	v49 =	vsub.f32 $1.500000000e+00, v37  }
0x1c6: {  	v54 =	vmul.f32 v52, v5;
	v43 =	vadd.s32 v0, v19;
	v20 =	vmul.f32 v62, v5  }
0x1c7: {  	v14 =	vsub.f32 v14, v33;
	v48 =	vmul.f32 v26, v6;
	v26 =	vmul.f32 v34, v49  }
0x1c8: {  	v13 =	vsub.f32 v13, v33;
	v21 =	vmul.f32 v15, v63;
	v15 =	vmul.f32 v15, v45  }
0x1c9: {  	v55 =	vmul.f32 v53, v6;
	v20 =	vadd.f32 v20, v9;
	v51 =	vmul.f32 v26, v57  }
0x1ca: {  	v19 =	vadd.s32 v4, v19;
	v21 =	vmul.f32 v21, v7;
	v15 =	vmul.f32 v15, v8  }
0x1cb: {  	v25 =	vadd.f32 v48, v10;
	[tilespmem:v43+s25+$0x0] =	vst.idx.msk $0xffff, v20;
	v20 =	vmul.f32 v51, v26  }
0x1cc: {  	[tilespmem:v35+s25+$0x0] =	vst.idx.msk $0xffff, v29;
	v17 =	vmul.f32 v17, v7;
	v58 =	vmov s7;
	v21 =	vadd.f32 v21, v11  }
0x1cd: {  	v59 =	vand.u32 $0x7E, v58;
	v15 =	vadd.f32 v15, v12;
	[tilespmem:v47+s25+$0x0] =	vst.idx.msk $0xffff, v25;
	v56 =	vsub.f32 $1.500000000e+00, v20  }
0x1ce: {  	v17 =	vadd.f32 v17, v11;
	v61 =	vadd.s32 v2, v59;
	[tilespmem:v50+s25+$0x0] =	vst.idx.msk $0xffff, v21  }
0x1cf: {  	v57 =	vadd.f32 v54, v9;
	[tilespmem:v19+s25+$0x0] =	vst.idx.msk $0xffff, v15;
	v19 =	vmul.f32 v56, v26  }
0x1d0: {  	v62 =	vadd.s32 v3, v59;
	v63 =	vadd.s32 v4, v59;
	v15 =	vmul.f32 v23, v18  }
0x1d1: {  	[tilespmem:v44+s25+$0x0] =	vst.idx.msk $0xffff, v57;
	v18 =	vadd.f32 v55, v10;
	v60 =	vmul.f32 v19, v42  }
0x1d2: {  	v21 =	vadd.s32 v0, v59;
	v15 =	vmul.f32 v15, v8;
	v16 =	vmul.f32 v19, v16  }
0x1d3: {  	[tilespmem:v46+s25+$0x0] =	vst.idx.msk $0xffff, v18;
	v14 =	vmul.f32 v19, v14;
	v18 =	vmul.f32 v60, v5  }
0x1d4: {  	v13 =	vmul.f32 v19, v13;
	v15 =	vadd.f32 v15, v12;
	v16 =	vmul.f32 v16, v6  }
0x1d5: {  	[tilespmem:v24+s25+$0x0] =	vst.idx.msk $0xffff, v17;
	v14 =	vmul.f32 v14, v7;
	v18 =	vadd.f32 v18, v9  }
0x1d6: {  	v13 =	vmul.f32 v13, v8;
	[tilespmem:v22+s25+$0x0] =	vst.idx.msk $0xffff, v15;
	v15 =	vadd.f32 v16, v10  }
0x1d7: {  	s14 =	sshll.u32 s14, $0x7;
	v14 =	vadd.f32 v14, v11;
	[tilespmem:v21+s25+$0x0] =	vst.idx.msk $0xffff, v18  }
0x1d8: {  	s0 =	sand.u32 $0xE80, s14;
	v13 =	vadd.f32 v13, v12;
	[tilespmem:v61+s25+$0x0] =	vst.idx.msk $0xffff, v15  }
0x1d9: {  	s18 =	sshll.u32 s18, $0xF;
	s0 =	sadd.s32 s4, s0;
	[tilespmem:v62+s25+$0x0] =	vst.idx.msk $0xffff, v14  }
0x1da: {  	s9 =	simm.s32 $0x10600;
	s7 =	sadd.s32 s18, s0;
	[tilespmem:v63+s25+$0x0] =	vst.idx.msk $0xffff, v13  }
0x1db: {  	[hbm4b:s7+s5] =	stream.linear.scatter [tilespmem:s9], [sflag:$0x6], $0x80, $0x38;
	[tilespmem:$0x19E80] =	vst v63  }
0x1dc: {  	s10 =	simm.s32 $0x10688;
	s11 =	sadd.s32 $0x10, s7  }
0x1dd: {  	[hbm4b:s11+s5] =	stream.linear.scatter [tilespmem:s10], [sflag:$0x6], $0x80, $0x38;
	[tilespmem:$0x19E80] =	vst v63  }
0x1de: {  	s14 =	simm.s32 $0x10710;
	s18 =	sadd.s32 $0x20, s7  }
0x1df: {  	[hbm4b:s18+s5] =	stream.linear.scatter [tilespmem:s14], [sflag:$0x6], $0x80, $0x38;
	[tilespmem:$0x19E80] =	vst v63  }
0x1e0: {  	s10 =	simm.s32 $0x10798;
	s11 =	sadd.s32 $0x30, s7  }
0x1e1: {  	[hbm4b:s11+s5] =	stream.linear.scatter [tilespmem:s10], [sflag:$0x6], $0x80, $0x38;
	[tilespmem:$0x19E80] =	vst v63  }
0x1e2: {  	s14 =	simm.s32 $0x10820;
	s18 =	sadd.s32 $0x40, s7  }
0x1e3: {  	[hbm4b:s18+s5] =	stream.linear.scatter [tilespmem:s14], [sflag:$0x6], $0x80, $0x38;
	[tilespmem:$0x19E80] =	vst v63  }
0x1e4: {  	s0 =	simm.s32 $0x440;
	s10 =	simm.s32 $0x108A8;
	s11 =	sadd.s32 $0x50, s7  }
0x1e5: {  	[hbm4b:s11+s5] =	stream.linear.scatter [tilespmem:s10], [sflag:$0x6], $0x80, $0x38;
	[tilespmem:$0x19E80] =	vst v63  }
0x1e6: {  	s9 =	simm.s32 $0x2200;
	s14 =	simm.s32 $0x10930;
	s18 =	sadd.s32 $0x60, s7  }
0x1e7: {  	[hbm4b:s18+s5] =	stream.linear.scatter [tilespmem:s14], [sflag:$0x6], $0x80, $0x38;
	[tilespmem:$0x19E80] =	vst v63  }
0x1e8: {  	s10 =	simm.s32 $0x109B8;
	s14 =	sadd.s32 $0x70, s7;
	s7 =	sadd.s32 $0x1000, s7  }
.LBB2_13:
0x1e9: {  	[hbm4b:s14+s5] =	stream.linear.scatter [tilespmem:s10], [sflag:$0x6], $0x80, $0x38;
	[tilespmem:$0x19E80] =	vst v63  }
0x1ea: {  	s10 =	smov.u32 s0;
	s0 =	smov.u32 s9  }
0x1eb: {  	s11 =	sadd.s32 $0x1100, s9;
	s0 =	sshra.s32 s0, $0x2;
	s14 =	sadd.s32 $0x10600, s10  }
0x1ec: {  	[hbm4b:s7+s5] =	stream.linear.scatter [tilespmem:s14], [sflag:$0x6], $0x80, $0x38;
	[tilespmem:$0x19E80] =	vst v63  }
0x1ed: {  	p2 =	sne.s32 s9, $0x7700;
	s9 =	sadd.s32 $0x10688, s10;
	s14 =	sadd.s32 $0x10, s7  }
0x1ee: {  	[hbm4b:s14+s5] =	stream.linear.scatter [tilespmem:s9], [sflag:$0x6], $0x80, $0x38;
	[tilespmem:$0x19E80] =	vst v63  }
0x1ef: {  	s9 =	sadd.s32 $0x10710, s10;
	s14 =	sadd.s32 $0x20, s7  }
0x1f0: {  	[hbm4b:s14+s5] =	stream.linear.scatter [tilespmem:s9], [sflag:$0x6], $0x80, $0x38;
	[tilespmem:$0x19E80] =	vst v63  }
0x1f1: {  	s9 =	sadd.s32 $0x10798, s10;
	s14 =	sadd.s32 $0x30, s7  }
0x1f2: {  	[hbm4b:s14+s5] =	stream.linear.scatter [tilespmem:s9], [sflag:$0x6], $0x80, $0x38;
	[tilespmem:$0x19E80] =	vst v63  }
0x1f3: {  	s9 =	sadd.s32 $0x10820, s10;
	s14 =	sadd.s32 $0x40, s7  }
0x1f4: {  	[hbm4b:s14+s5] =	stream.linear.scatter [tilespmem:s9], [sflag:$0x6], $0x80, $0x38;
	[tilespmem:$0x19E80] =	vst v63  }
.Ltmp6:
0x1f5: {  	s9 =	sadd.s32 $0x108A8, s10;
	s14 =	sadd.s32 $0x50, s7;
	(pc) =	sbr.rel @p2 .LBB2_13-.Ltmp6, $4  }
0x1f6: {  	[hbm4b:s14+s5] =	stream.linear.scatter [tilespmem:s9], [sflag:$0x6], $0x80, $0x38;
	[tilespmem:$0x19E80] =	vst v63  }
0x1f7: {  	s9 =	sadd.s32 $0x10930, s10;
	s14 =	sadd.s32 $0x60, s7;
	s10 =	sadd.s32 $0x109B8, s10  }
0x1f8: {  	[hbm4b:s14+s5] =	stream.linear.scatter [tilespmem:s9], [sflag:$0x6], $0x80, $0x38;
	[tilespmem:$0x19E80] =	vst v63  }
0x1f9: {  	s14 =	sadd.s32 $0x70, s7;
	s7 =	sadd.s32 $0x1000, s7;
	s9 =	smov.u32 s11  }
0x1fa: {  	[hbm4b:s14+s5] =	stream.linear.scatter [tilespmem:s10], [sflag:$0x6], $0x80, $0x38;
	[tilespmem:$0x19E80] =	vst v63  }
0x1fb: {  	s9 =	sadd.s32 $0x10600, s0  }
0x1fc: {  	[hbm4b:s7+s5] =	stream.linear.scatter [tilespmem:s9], [sflag:$0x6], $0x80, $0x38;
	[tilespmem:$0x19E80] =	vst v63  }
0x1fd: {  	s14 =	sadd.s32 $0x10688, s0;
	s18 =	sadd.s32 $0x10, s7  }
0x1fe: {  	[hbm4b:s18+s5] =	stream.linear.scatter [tilespmem:s14], [sflag:$0x6], $0x80, $0x38;
	[tilespmem:$0x19E80] =	vst v63  }
0x1ff: {  	s10 =	sadd.s32 $0x10710, s0;
	s11 =	sadd.s32 $0x20, s7  }
0x200: {  	[hbm4b:s11+s5] =	stream.linear.scatter [tilespmem:s10], [sflag:$0x6], $0x80, $0x38;
	[tilespmem:$0x19E80] =	vst v63  }
0x201: {  	s14 =	sadd.s32 $0x10798, s0;
	s18 =	sadd.s32 $0x30, s7  }
0x202: {  	[hbm4b:s18+s5] =	stream.linear.scatter [tilespmem:s14], [sflag:$0x6], $0x80, $0x38;
	[tilespmem:$0x19E80] =	vst v63  }
0x203: {  	s10 =	sadd.s32 $0x10820, s0;
	s11 =	sadd.s32 $0x40, s7  }
0x204: {  	[hbm4b:s11+s5] =	stream.linear.scatter [tilespmem:s10], [sflag:$0x6], $0x80, $0x38;
	[tilespmem:$0x19E80] =	vst v63  }
0x205: {  	s14 =	sadd.s32 $0x108A8, s0;
	s18 =	sadd.s32 $0x50, s7  }
0x206: {  	[hbm4b:s18+s5] =	stream.linear.scatter [tilespmem:s14], [sflag:$0x6], $0x80, $0x38;
	[tilespmem:$0x19E80] =	vst v63  }
.Ltmp7:
0x207: {  	_ = 	snop;
	(pc) =	sbr.rel @p1 .LBB2_16-.Ltmp7, $4  }
0x208: {  	s10 =	sadd.s32 $0x10930, s0;
	s11 =	sadd.s32 $0x60, s7  }
0x209: {  	[hbm4b:s11+s5] =	stream.linear.scatter [tilespmem:s10], [sflag:$0x6], $0x80, $0x38;
	[tilespmem:$0x19E80] =	vst v63  }
0x20a: {  	s14 =	sadd.s32 $0x109B8, s0;
	s18 =	sadd.s32 $0x70, s7  }
0x20b: {  	[hbm4b:s18+s5] =	stream.linear.scatter [tilespmem:s14], [sflag:$0x6], $0x80, $0x38;
	[tilespmem:$0x19E80] =	vst v63  }
.Ltmp8:
0x20c: {  	(pc) =	sbr.rel .LBB2_17-.Ltmp8, $4  }
0x20d: {  	_ = 	snop  }
0x20e: {  	_ =	swait.ge [sflag:s26], $0x2000  }
0x20f: {  	[sflag:s26] =	ssyncset.done $0x0  }
0x210: {  	[sflag:s26] =	ssyncadd.s32 $0xFFFFE000  }
.LBB2_16:
0x211: {  	s0 =	sshll.u32 s3, $0x9  }
0x212: {  	s0 =	sand.u32 $0x3FFFFE00, s0  }
.Ltmp9:
0x213: {  	s0 =	sadd.s32 $0x280, s0;
	(pc) =	sbr.rel @p0 .LBB2_18-.Ltmp9, $4  }
0x214: {  	[tilespmem:s17], [sflag:$0x2] =	stream.indirect.gather [hbm4b:s6+s15], $0x40, s0, s15, $0xb8;
	[tilespmem:$0x19E80] =	vst v63  }
0x215: {  	_ =	swait.ge [sflag:s26], $0x2000  }
0x216: {  	[sflag:s26] =	ssyncset.done $0x0  }
0x217: {  	[sflag:s26] =	ssyncadd.s32 $0xFFFFE000  }
.LBB2_17:
0x218: {  	_ =	swait.ge [sflag:s28], $0x2000  }
0x219: {  	[sflag:s28] =	ssyncset.done $0x0  }
0x21a: {  	[sflag:s28] =	ssyncadd.s32 $0xFFFFE000  }
.LBB2_18:
0x21b: {  	s10 =	simm.s32 $0xA440  }
0x21c: {  	s0 =	sor.u32 $0x2, s13;
	v17 =	vld [tilespmem:s10+$0x0]  }
0x21d: {  	s13 =	sadd.s32 s8, s0;
	v18 =	vld [tilespmem:s10+$0x10]  }
0x21e: {  	v19 =	vld [tilespmem:s10+$0x20];
	s0 =	sshll.u32 s13, $0x1  }
0x21f: {  	v20 =	vld [tilespmem:s10+$0x30];
	s0 =	sand.u32 $0x3FFFFFC0, s0  }
0x220: {  	v14 =	vld [tilespmem:s0+$0x16C00]  }
0x221: {  	v16 =	vld [tilespmem:s0+$0x16C10]  }
0x222: {  	v15 =	vld [tilespmem:s0+$0x16C20]  }
0x223: {  	v13 =	vld [tilespmem:s0+$0x16C30];
	_ =	sdelay $0x3  }
0x224: {  	v17 =	vadd.f32 v17, v14;
	v18 =	vadd.f32 v18, v16  }
0x225: {  	v27 =	vadd.f32 v19, v15;
	v28 =	vadd.f32 v20, v13  }
0x226: {  	v19 =	vadd.f32 v18, v17  }
0x227: {  	v20 =	vmul.f32 v17, v17;
	v21 =	vadd.f32 v28, v27;
	v22 =	vmul.f32 v18, v18  }
0x228: {  	v23 =	vmul.f32 v27, v27;
	v24 =	vmul.f32 v28, v28  }
0x229: {  	v19 =	vadd.f32 v21, v19  }
0x22a: {  	v20 =	vadd.f32 v22, v20;
	v21 =	vadd.f32 v24, v23;
	_ =	sdelay $0x1  }
0x22b: {  	(xrf2) =	vadd.scan.msk.f32 $0xffff, v19;
	v19 =	vadd.f32 v21, v20;
	_ =	sdelay $0x1  }
0x22c: {  	(xrf2) =	vadd.scan.msk.f32 $0xffff, v19;
	_ =	sdelay $0x3  }
0x22d: {  	v22 =	vld [tilespmem:s10+$0xFFFFFFF0]  }
0x22e: {  	v19 =	vld [tilespmem:s10+$0xFFFFFFD0]  }
0x22f: {  	v20 =	vld [tilespmem:s10+$0xFFFFFFE0]  }
0x230: {  	v21 =	vld [tilespmem:s10+$0xFFFFFFC0]  }
0x231: {  	v23, _, _ =	vpop (xrf2)  }
0x232: {  	v23 =	vperm.xlane v23, v1  }
0x233: {  	v29 =	vadd.f32 v19, v16;
	v24, _, _ =	vpop (xrf2)  }
0x234: {  	v26 =	vadd.f32 v22, v13;
	v30 =	vmul.f32 $1.562500000e-02, v23;
	v19 =	vperm.xlane v24, v1  }
0x235: {  	v31 =	vadd.f32 v21, v14;
	v25 =	vadd.f32 v20, v15;
	v21 =	vmul.f32 v29, v29  }
0x236: {  	v19 =	vmul.f32 $1.562500000e-02, v19;
	v20 =	vmul.f32 v30, v30  }
0x237: {  	s11 =	simm.s32 $0xA4C0;
	v22 =	vadd.f32 v29, v31;
	v23 =	vadd.f32 v26, v25;
	v24 =	vmul.f32 v31, v31  }
0x238: {  	v33 =	vld [tilespmem:s11+$0x0];
	v32 =	vmul.f32 v26, v26;
	v19 =	vsub.f32 v19, v20;
	v20 =	vmul.f32 v25, v25  }
0x239: {  	v43 =	vld [tilespmem:s11+$0x20];
	v22 =	vadd.f32 v23, v22;
	v21 =	vadd.f32 v21, v24  }
0x23a: {  	v23 =	vld [tilespmem:s11+$0x10];
	v19 =	vadd.f32 $9.999999960e-13, v19;
	v20 =	vadd.f32 v32, v20  }
0x23b: {  	v34 =	vld [tilespmem:s11+$0x30]  }
0x23c: {  	(xrf2) =	vadd.scan.msk.f32 $0xffff, v22;
	v22 =	vshra.s32 v19, $0x1;
	v19 =	vmul.f32 $5.000000000e-01, v19;
	v20 =	vadd.f32 v20, v21  }
0x23d: {  	v35 =	vsub.s32 $0x5F3759DF, v22  }
0x23e: {  	v24 =	vadd.f32 v33, v14;
	v21 =	vmul.f32 v35, v19;
	(xrf2) =	vadd.scan.msk.f32 $0xffff, v20  }
0x23f: {  	v23 =	vadd.f32 v23, v16;
	v22 =	vadd.f32 v43, v15  }
0x240: {  	v33 =	vmul.f32 v24, v24;
	v20 =	vmul.f32 v35, v21;
	v21 =	vadd.f32 v34, v13  }
0x241: {  	v44 =	vadd.f32 v23, v24;
	v36 =	vmul.f32 v23, v23;
	v37 =	vmul.f32 v22, v22  }
0x242: {  	v50 =	vld [tilespmem:s11+$0xFFFFFFE0];
	v20 =	vsub.f32 $1.500000000e+00, v20;
	v34 =	vadd.f32 v21, v22;
	v38 =	vmul.f32 v21, v21  }
0x243: {  	v39 =	vld [tilespmem:s11+$0xFFFFFFF0];
	v33 =	vadd.f32 v36, v33  }
0x244: {  	v35 =	vmul.f32 v35, v20;
	v20 =	vadd.f32 v34, v44;
	v46 =	vadd.f32 v38, v37  }
0x245: {  	v47 =	vld [tilespmem:s11+$0xFFFFFFD0]  }
0x246: {  	v48 =	vld [tilespmem:s11+$0xFFFFFFC0];
	v52 =	vsub.f32 v17, v30;
	v45, _, _ =	vpop (xrf2);
	(xrf2) =	vadd.scan.msk.f32 $0xffff, v20;
	v20 =	vadd.f32 v46, v33  }
0x247: {  	v17 =	vadd.f32 v50, v15;
	v54 =	vsub.f32 v18, v30  }
0x248: {  	v18 =	vadd.f32 v39, v13;
	v32 =	vperm.xlane v45, v1;
	v19 =	vmul.f32 v35, v19;
	v49, _, _ =	vpop (xrf2);
	(xrf2) =	vadd.scan.msk.f32 $0xffff, v20  }
0x249: {  	v27 =	vsub.f32 v27, v30;
	v28 =	vsub.f32 v28, v30  }
0x24a: {  	s14 =	simm.s32 $0x1;
	v41 =	vadd.f32 v18, v17;
	v33 =	vmul.f32 $1.562500000e-02, v32;
	v51 =	vmul.f32 v19, v35  }
0x24b: {  	v55 =	vmov s14;
	v38 =	vadd.f32 v47, v16;
	v37 =	vadd.f32 v48, v14  }
0x24c: {  	v45 =	vmul.f32 v17, v17;
	v19 =	vsub.f32 v31, v33;
	v31 =	vsub.f32 $1.500000000e+00, v51  }
0x24d: {  	v36 =	vand.u32 $0x7F, v55;
	v53 =	vmul.f32 v38, v38;
	v42 =	vmul.f32 v37, v37  }
0x24e: {  	v56 =	vadd.f32 v38, v37;
	v32 =	vperm.xlane v49, v1;
	v31 =	vmul.f32 v31, v35  }
0x24f: {  	v46 =	vmul.f32 v18, v18;
	v40 =	vmul.f32 v33, v33;
	v20 =	vsub.f32 v29, v33  }
0x250: {  	v30 =	vadd.f32 v41, v56;
	v29 =	vmul.f32 $1.562500000e-02, v32;
	v32 =	vmul.f32 v31, v52;
	v44, _, _ =	vpop (xrf2)  }
0x251: {  	v59 =	vadd.f32 v46, v45;
	v35 =	vadd.f32 v53, v42;
	v57 =	vperm.xlane v44, v1  }
0x252: {  	v43 =	vadd.s32 v0, v36;
	v29 =	vsub.f32 v29, v40;
	v58 =	vmul.f32 v32, v5;
	v60, _, _ =	vpop (xrf2)  }
0x253: {  	v35 =	vadd.f32 v59, v35;
	(xrf2) =	vadd.scan.msk.f32 $0xffff, v30;
	v32 =	vmul.f32 $1.562500000e-02, v57;
	v61 =	vperm.xlane v60, v1  }
0x254: {  	v63 =	vadd.s32 v3, v36;
	v34 =	vmul.f32 v31, v54;
	v27 =	vmul.f32 v31, v27  }
0x255: {  	v29 =	vadd.f32 $9.999999960e-13, v29;
	(xrf2) =	vadd.scan.msk.f32 $0xffff, v35;
	v39 =	vmul.f32 $1.562500000e-02, v61;
	v62 =	vmul.f32 v32, v32  }
0x256: {  	v28 =	vmul.f32 v31, v28;
	v30 =	vadd.s32 v2, v36;
	v34 =	vmul.f32 v34, v6  }
0x257: {  	v56 =	vshra.s32 v29, $0x1;
	v57 =	vmul.f32 $5.000000000e-01, v29;
	v31 =	vsub.f32 v39, v62  }
0x258: {  	v27 =	vmul.f32 v27, v7;
	v29 =	vadd.f32 v58, v9;
	v58 =	vsub.s32 $0x5F3759DF, v56  }
0x259: {  	v36 =	vadd.s32 v4, v36;
	v35 =	vmul.f32 v58, v57;
	v31 =	vadd.f32 $9.999999960e-13, v31  }
0x25a: {  	v28 =	vmul.f32 v28, v8;
	v34 =	vadd.f32 v34, v10;
	v27 =	vadd.f32 v27, v11  }
0x25b: {  	s18 =	simm.s32 $0x0;
	s10 =	simm.s32 $0xA540;
	v59 =	vshra.s32 v31, $0x1;
	v42 =	vmul.f32 $5.000000000e-01, v31;
	v31 =	vmul.f32 v58, v35  }
0x25c: {  	v48 =	vld [tilespmem:s10+$0x0];
	v28 =	vadd.f32 v28, v12;
	[tilespmem:v43+s29+$0x0] =	vst.idx.msk $0xffff, v29;
	v29 =	vmov s18;
	v51 =	vsub.s32 $0x5F3759DF, v59  }
0x25d: {  	v47 =	vld [tilespmem:s10+$0x30];
	[tilespmem:v30+s29+$0x0] =	vst.idx.msk $0xffff, v34;
	v60, _, _ =	vpop (xrf2);
	v35 =	vand.u32 $0x7E, v29;
	v30 =	vmul.f32 v51, v42;
	v61 =	vsub.f32 $1.500000000e+00, v31  }
0x25e: {  	v52 =	vld [tilespmem:s10+$0x10];
	v29 =	vsub.f32 v26, v33;
	v31 =	vsub.f32 v25, v33;
	v25 =	vperm.xlane v60, v1  }
0x25f: {  	v46 =	vld [tilespmem:s10+$0x20];
	v26 =	vadd.s32 v0, v35;
	v62, _, _ =	vpop (xrf2);
	v30 =	vmul.f32 v51, v30;
	v34 =	vmul.f32 v58, v61  }
0x260: {  	v41 =	vld [tilespmem:s10+$0xFFFFFFE0];
	[tilespmem:v63+s29+$0x0] =	vst.idx.msk $0xffff, v27;
	v27 =	vadd.s32 v2, v35;
	v50 =	vperm.xlane v62, v1;
	v33 =	vmul.f32 $1.562500000e-02, v25  }
0x261: {  	v49 =	vld [tilespmem:s10+$0xFFFFFFC0];
	[tilespmem:v36+s29+$0x0] =	vst.idx.msk $0xffff, v28;
	v25 =	vadd.s32 v3, v35;
	v63 =	vsub.f32 $1.500000000e+00, v30;
	v45 =	vmul.f32 v34, v57  }
0x262: {  	s9 =	simm.s32 $0x2;
	v44 =	vld [tilespmem:s10+$0xFFFFFFD0];
	v36 =	vmul.f32 v33, v33;
	v30 =	vsub.f32 v37, v33;
	v28 =	vsub.f32 v38, v33  }
0x263: {  	s7 =	simm.s32 $0x4;
	s14 =	sshrl.u32 s13, $0x5;
	s0 =	simm.s32 $0x6;
	v43 =	vld [tilespmem:s10+$0xFFFFFFF0];
	v38 =	vadd.f32 v48, v14;
	v37 =	vadd.f32 v52, v16;
	v48 =	vmul.f32 v51, v63  }
.LBB2_19:
0x264: {  	p2 =	slt.u32 s0, $0x7E;
	v46 =	vadd.f32 v46, v15;
	v47 =	vadd.f32 v47, v13;
	v50 =	vmul.f32 $1.562500000e-02, v50  }
0x265: {  	v40 =	vadd.f32 v37, v38;
	v51 =	vmul.f32 v38, v38;
	v42 =	vmul.f32 v48, v42  }
0x266: {  	v53 =	vmul.f32 v37, v37;
	v52 =	vadd.f32 v47, v46;
	v54 =	vmul.f32 v46, v46  }
0x267: {  	v39 =	vadd.f32 v44, v16;
	v44 =	vmul.f32 v47, v47;
	v42 =	vmul.f32 v42, v48  }
0x268: {  	v45 =	vmul.f32 v45, v34;
	v51 =	vadd.f32 v53, v51;
	v52 =	vadd.f32 v52, v40  }
0x269: {  	v53 =	vmul.f32 v39, v39;
	v44 =	vadd.f32 v44, v54;
	v42 =	vsub.f32 $1.500000000e+00, v42  }
0x26a: {  	v40 =	vadd.f32 v49, v14;
	v49 =	vadd.f32 v41, v15;
	v41 =	vadd.s32 v4, v35;
	(xrf2) =	vadd.scan.msk.f32 $0xffff, v52  }
0x26b: {  	s11 =	sadd.s32 $0x1, s9;
	v35 =	vadd.f32 v44, v51;
	v44 =	vsub.f32 v24, v32;
	v24 =	vmovc v38;
	v42 =	vmul.f32 v42, v48  }
0x26c: {  	v38 =	vadd.f32 v43, v13;
	v43 =	vmov s11;
	v48 =	vsub.f32 v23, v32;
	v23 =	vmovc v37  }
0x26d: {  	v37 =	vand.u32 $0x7F, v43;
	v43 =	vsub.f32 v22, v32;
	v22 =	vmovc v46;
	(xrf2) =	vadd.scan.msk.f32 $0xffff, v35;
	v35 =	vmul.f32 v42, v44  }
0x26e: {  	v32 =	vsub.f32 v21, v32;
	v21 =	vmovc v47;
	v44 =	vadd.s32 v0, v37;
	v46 =	vmul.f32 v42, v48  }
0x26f: {  	v47 =	vadd.s32 v2, v37;
	v43 =	vmul.f32 v42, v43;
	v35 =	vmul.f32 v35, v5  }
0x270: {  	v48 =	vadd.s32 v3, v37;
	v32 =	vmul.f32 v42, v32;
	v46 =	vmul.f32 v46, v6  }
0x271: {  	v37 =	vadd.s32 v4, v37;
	v42 =	vmul.f32 v43, v7;
	v35 =	vadd.f32 v35, v9  }
0x272: {  	v43 =	vadd.f32 v39, v40;
	v32 =	vmul.f32 v32, v8;
	v46 =	vadd.f32 v46, v10  }
0x273: {  	v51 =	vadd.f32 v38, v49;
	[tilespmem:v44+s29+$0x0] =	vst.idx.msk $0xffff, v35;
	v35 =	vadd.f32 v42, v11  }
0x274: {  	v45 =	vsub.f32 $1.500000000e+00, v45;
	v32 =	vadd.f32 v32, v12;
	v42 =	vmul.f32 v40, v40;
	v44, _, _ =	vpop (xrf2);
	[tilespmem:v47+s29+$0x0] =	vst.idx.msk $0xffff, v46  }
0x275: {  	v54 =	vmul.f32 v49, v49;
	v52 =	vmov s9;
	s9 =	smov.u32 s7;
	s7 =	smov.u32 s0;
	v47 =	vmul.f32 v38, v38;
	[tilespmem:v48+s29+$0x0] =	vst.idx.msk $0xffff, v35  }
0x276: {  	v43 =	vadd.f32 v51, v43;
	v44 =	vperm.xlane v44, v1;
	v35 =	vand.u32 $0x7E, v52;
	[tilespmem:v37+s29+$0x0] =	vst.idx.msk $0xffff, v32  }
0x277: {  	v34 =	vmul.f32 v45, v34;
	v37 =	vadd.f32 v53, v42;
	v42 =	vadd.f32 v47, v54;
	v46, _, _ =	vpop (xrf2)  }
0x278: {  	v36 =	vsub.f32 v50, v36;
	v32 =	vmul.f32 $1.562500000e-02, v44;
	v44 =	vperm.xlane v46, v1;
	(xrf2) =	vadd.scan.msk.f32 $0xffff, v43  }
0x279: {  	v37 =	vadd.f32 v42, v37;
	v42 =	vsub.f32 v17, v33;
	v43 =	vmul.f32 v34, v19;
	v17 =	vmovc v49  }
0x27a: {  	v36 =	vadd.f32 $9.999999960e-13, v36;
	v19 =	vmovc v30;
	v45 =	vmul.f32 v32, v32;
	v44 =	vmul.f32 $1.562500000e-02, v44  }
0x27b: {  	v30 =	vsub.f32 v18, v33;
	v33 =	vmul.f32 v34, v20;
	(xrf2) =	vadd.scan.msk.f32 $0xffff, v37;
	v37 =	vmul.f32 v34, v31  }
0x27c: {  	v18 =	vmovc v38;
	v31 =	vmovc v42;
	v44 =	vsub.f32 v44, v45;
	v45 =	vshra.s32 v36, $0x1;
	v36 =	vmul.f32 $5.000000000e-01, v36  }
0x27d: {  	v20 =	vmovc v28;
	v42 =	vmul.f32 v43, v5;
	v34 =	vmul.f32 v34, v29;
	v29 =	vmovc v30;
	v38 =	vsub.s32 $0x5F3759DF, v45  }
0x27e: {  	v33 =	vmul.f32 v33, v6;
	v28 =	vadd.f32 $9.999999960e-13, v44;
	v30 =	vmul.f32 v38, v36  }
0x27f: {  	v43 =	vadd.f32 v42, v9;
	v37 =	vmul.f32 v37, v7;
	v34 =	vmul.f32 v34, v8  }
0x280: {  	s10 =	sadd.s32 $0x80, s10;
	v44 =	vshra.s32 v28, $0x1;
	v42 =	vmul.f32 $5.000000000e-01, v28;
	v28 =	vmul.f32 v38, v30  }
0x281: {  	v30 =	vadd.f32 v33, v10;
	v33 =	vadd.f32 v37, v11;
	v48 =	vld [tilespmem:s10+$0x0];
	v51 =	vsub.s32 $0x5F3759DF, v44;
	[tilespmem:v26+s29+$0x0] =	vst.idx.msk $0xffff, v43  }
0x282: {  	v45 =	vadd.f32 v34, v12;
	v37 =	vld [tilespmem:s10+$0x10];
	v43 =	vmul.f32 v51, v42;
	v26, _, _ =	vpop (xrf2);
	v50 =	vsub.f32 $1.500000000e+00, v28  }
0x283: {  	v46 =	vld [tilespmem:s10+$0x20];
	v49 =	vperm.xlane v26, v1;
	v26 =	vadd.s32 v0, v35;
	[tilespmem:v27+s29+$0x0] =	vst.idx.msk $0xffff, v30  }
.Ltmp10:
0x284: {  	v47 =	vld [tilespmem:s10+$0x30];
	v30 =	vmul.f32 v51, v43;
	v34 =	vmul.f32 v38, v50;
	[tilespmem:v25+s29+$0x0] =	vst.idx.msk $0xffff, v33;
	(pc) =	sbr.rel @p2 .LBB2_19-.Ltmp10, $4  }
0x285: {  	v27 =	vadd.s32 v2, v35;
	v25 =	vadd.s32 v3, v35;
	v44 =	vld [tilespmem:s10+$0xFFFFFFD0];
	v33 =	vmul.f32 $1.562500000e-02, v49;
	v28, _, _ =	vpop (xrf2);
	[tilespmem:v41+s29+$0x0] =	vst.idx.msk $0xffff, v45  }
0x286: {  	v41 =	vld [tilespmem:s10+$0xFFFFFFE0];
	v50 =	vperm.xlane v28, v1;
	v52 =	vsub.f32 $1.500000000e+00, v30;
	v45 =	vmul.f32 v34, v36  }
0x287: {  	v43 =	vld [tilespmem:s10+$0xFFFFFFF0];
	v36 =	vmul.f32 v33, v33;
	v30 =	vsub.f32 v40, v33;
	v28 =	vsub.f32 v39, v33  }
0x288: {  	s0 =	sadd.s32 $0x2, s0;
	v38 =	vadd.f32 v48, v14;
	v37 =	vadd.f32 v37, v16;
	v49 =	vld [tilespmem:s10+$0xFFFFFFC0];
	v48 =	vmul.f32 v51, v52  }
0x289: {  	v40 =	vadd.f32 v46, v15;
	v39 =	vadd.f32 v47, v13  }
0x28a: {  	v59 =	vadd.f32 v37, v38;
	v60 =	vmul.f32 v38, v38;
	v52 =	vmul.f32 v37, v37  }
0x28b: {  	v51 =	vadd.f32 v39, v40;
	v53 =	vmul.f32 v40, v40;
	v54 =	vmul.f32 v39, v39  }
0x28c: {  	v47 =	vadd.f32 v52, v60  }
0x28d: {  	v46 =	vadd.f32 v51, v59;
	v61 =	vadd.f32 v54, v53  }
0x28e: {  	v45 =	vmul.f32 v45, v34;
	v24 =	vsub.f32 v24, v32  }
0x28f: {  	v35 =	vadd.s32 v4, v35;
	v23 =	vsub.f32 v23, v32;
	(xrf2) =	vadd.scan.msk.f32 $0xffff, v46;
	v62 =	vadd.f32 v61, v47  }
0x290: {  	v22 =	vsub.f32 v22, v32;
	v21 =	vsub.f32 v21, v32;
	v42 =	vmul.f32 v48, v42  }
0x291: {  	v17 =	vsub.f32 v17, v33;
	v16 =	vadd.f32 v44, v16;
	v44 =	vmul.f32 $1.562500000e-02, v50;
	(xrf2) =	vadd.scan.msk.f32 $0xffff, v62  }
0x292: {  	s0 =	sadd.s32 $0x1, s9;
	v18 =	vsub.f32 v18, v33;
	v45 =	vsub.f32 $1.500000000e+00, v45;
	v42 =	vmul.f32 v42, v48  }
0x293: {  	v56 =	vmov s0;
	v13 =	vadd.f32 v43, v13;
	v36 =	vsub.f32 v44, v36  }
0x294: {  	v63 =	vmul.f32 v16, v16;
	v42 =	vsub.f32 $1.500000000e+00, v42;
	v47 =	vadd.f32 v49, v14  }
0x295: {  	v36 =	vadd.f32 $9.999999960e-13, v36;
	v14 =	vadd.f32 v41, v15;
	v41 =	vand.u32 $0x7F, v56  }
0x296: {  	v61 =	vmul.f32 v13, v13;
	v15 =	vmul.f32 v42, v48;
	v57 =	vadd.f32 v16, v47  }
0x297: {  	v43 =	vadd.f32 v13, v14;
	v58 =	vmul.f32 v47, v47;
	v60 =	vmul.f32 v14, v14  }
0x298: {  	v42 =	vadd.s32 v0, v41;
	v24 =	vmul.f32 v15, v24;
	v23 =	vmul.f32 v15, v23  }
0x299: {  	v22 =	vmul.f32 v15, v22;
	v15 =	vmul.f32 v15, v21;
	v32 =	vadd.f32 v43, v57;
	v59, _, _ =	vpop (xrf2)  }
0x29a: {  	v62 =	vadd.f32 v63, v58;
	v53 =	vadd.f32 v61, v60;
	v49 =	vperm.xlane v59, v1  }
0x29b: {  	v58 =	vmul.f32 v45, v34;
	v61 =	vshra.s32 v36, $0x1;
	v36 =	vmul.f32 $5.000000000e-01, v36;
	v63, _, _ =	vpop (xrf2)  }
0x29c: {  	v54 =	vadd.f32 v53, v62;
	(xrf2) =	vadd.scan.msk.f32 $0xffff, v32;
	v49 =	vmul.f32 $1.562500000e-02, v49;
	v46 =	vperm.xlane v63, v1  }
0x29d: {  	v51 =	vadd.s32 v2, v41;
	v24 =	vmul.f32 v24, v5;
	v23 =	vmul.f32 v23, v6  }
0x29e: {  	v50 =	vadd.s32 v3, v41;
	(xrf2) =	vadd.scan.msk.f32 $0xffff, v54;
	v55 =	vmul.f32 $1.562500000e-02, v46;
	v56 =	vmul.f32 v49, v49  }
0x29f: {  	v41 =	vadd.s32 v4, v41;
	v22 =	vmul.f32 v22, v7;
	v15 =	vmul.f32 v15, v8  }
0x2a0: {  	v44 =	vsub.s32 $0x5F3759DF, v61;
	v19 =	vmul.f32 v58, v19;
	v57 =	vsub.f32 v55, v56  }
0x2a1: {  	v20 =	vmul.f32 v58, v20;
	v31 =	vmul.f32 v58, v31;
	v24 =	vadd.f32 v24, v9  }
0x2a2: {  	v23 =	vadd.f32 v23, v10;
	v63 =	vmul.f32 v44, v36;
	v21 =	vadd.f32 $9.999999960e-13, v57  }
0x2a3: {  	v29 =	vmul.f32 v58, v29;
	v22 =	vadd.f32 v22, v11;
	v15 =	vadd.f32 v15, v12  }
0x2a4: {  	v32 =	vmul.f32 v44, v63;
	v60 =	vshra.s32 v21, $0x1;
	v21 =	vmul.f32 $5.000000000e-01, v21  }
0x2a5: {  	v19 =	vmul.f32 v19, v5;
	v20 =	vmul.f32 v20, v6;
	v43 =	vsub.s32 $0x5F3759DF, v60  }
0x2a6: {  	v31 =	vmul.f32 v31, v7;
	v32 =	vsub.f32 $1.500000000e+00, v32;
	v48, _, _ =	vpop (xrf2);
	v62 =	vmul.f32 v43, v21  }
0x2a7: {  	v29 =	vmul.f32 v29, v8;
	v19 =	vadd.f32 v19, v9;
	v52 =	vperm.xlane v48, v1  }
0x2a8: {  	v20 =	vadd.f32 v20, v10;
	v32 =	vmul.f32 v44, v32;
	v53, _, _ =	vpop (xrf2);
	v45 =	vmul.f32 v43, v62  }
0x2a9: {  	v31 =	vadd.f32 v31, v11;
	v33 =	vmul.f32 $1.562500000e-02, v52;
	v46 =	vperm.xlane v53, v1  }
0x2aa: {  	[tilespmem:v42+s29+$0x0] =	vst.idx.msk $0xffff, v24;
	v29 =	vadd.f32 v29, v12;
	v36 =	vmul.f32 v32, v36;
	v45 =	vsub.f32 $1.500000000e+00, v45  }
0x2ab: {  	s11 =	sadd.s32 $0x1, s7;
	[tilespmem:v51+s29+$0x0] =	vst.idx.msk $0xffff, v23;
	v59 =	vmov s9;
	v54 =	vmul.f32 v33, v33;
	v46 =	vmul.f32 $1.562500000e-02, v46  }
0x2ac: {  	[tilespmem:v50+s29+$0x0] =	vst.idx.msk $0xffff, v22;
	v34 =	vand.u32 $0x7E, v59;
	v59 =	vmov s11;
	v43 =	vmul.f32 v43, v45  }
0x2ad: {  	v24 =	vadd.s32 v3, v34;
	v55 =	vmul.f32 v36, v32;
	v45 =	vsub.f32 v46, v54  }
0x2ae: {  	[tilespmem:v26+s29+$0x0] =	vst.idx.msk $0xffff, v19;
	v22 =	vadd.s32 v4, v34;
	v19 =	vand.u32 $0x7F, v59;
	v21 =	vmul.f32 v43, v21  }
0x2af: {  	v50 =	vadd.s32 v3, v19;
	v23 =	vsub.f32 $1.500000000e+00, v55;
	v45 =	vadd.f32 $9.999999960e-13, v45  }
0x2b0: {  	v58 =	vsub.f32 v38, v49;
	v44 =	vadd.s32 v0, v34;
	v21 =	vmul.f32 v21, v43  }
0x2b1: {  	[tilespmem:v41+s29+$0x0] =	vst.idx.msk $0xffff, v15;
	v23 =	vmul.f32 v23, v32;
	v56 =	vshra.s32 v45, $0x1;
	v57 =	vmul.f32 $5.000000000e-01, v45  }
0x2b2: {  	[tilespmem:v27+s29+$0x0] =	vst.idx.msk $0xffff, v20;
	v46 =	vadd.s32 v2, v34;
	v34 =	vsub.s32 $0x5F3759DF, v56;
	v21 =	vsub.f32 $1.500000000e+00, v21  }
0x2b3: {  	v63 =	vsub.f32 v40, v49;
	v60 =	vsub.f32 v37, v49;
	v61 =	vmul.f32 v34, v57  }
0x2b4: {  	v42 =	vsub.f32 v47, v33;
	v52 =	vmul.f32 v23, v30;
	v15 =	vmul.f32 v21, v43  }
0x2b5: {  	v16 =	vsub.f32 v16, v33;
	v53 =	vmul.f32 v23, v28;
	v37 =	vmul.f32 v34, v61  }
0x2b6: {  	v47 =	vadd.s32 v2, v19;
	v17 =	vmul.f32 v23, v17;
	v62 =	vmul.f32 v15, v58  }
0x2b7: {  	[tilespmem:v25+s29+$0x0] =	vst.idx.msk $0xffff, v31;
	v45 =	vsub.f32 v39, v49;
	v26 =	vmul.f32 v15, v60;
	v49 =	vsub.f32 $1.500000000e+00, v37  }
0x2b8: {  	v54 =	vmul.f32 v52, v5;
	v43 =	vadd.s32 v0, v19;
	v20 =	vmul.f32 v62, v5  }
0x2b9: {  	v14 =	vsub.f32 v14, v33;
	v48 =	vmul.f32 v26, v6;
	v26 =	vmul.f32 v34, v49  }
0x2ba: {  	v13 =	vsub.f32 v13, v33;
	v21 =	vmul.f32 v15, v63;
	v15 =	vmul.f32 v15, v45  }
0x2bb: {  	v55 =	vmul.f32 v53, v6;
	v20 =	vadd.f32 v20, v9;
	v51 =	vmul.f32 v26, v57  }
0x2bc: {  	v19 =	vadd.s32 v4, v19;
	v21 =	vmul.f32 v21, v7;
	v15 =	vmul.f32 v15, v8  }
0x2bd: {  	v25 =	vadd.f32 v48, v10;
	[tilespmem:v43+s29+$0x0] =	vst.idx.msk $0xffff, v20;
	v20 =	vmul.f32 v51, v26  }
0x2be: {  	[tilespmem:v35+s29+$0x0] =	vst.idx.msk $0xffff, v29;
	v17 =	vmul.f32 v17, v7;
	v58 =	vmov s7;
	v21 =	vadd.f32 v21, v11  }
0x2bf: {  	v59 =	vand.u32 $0x7E, v58;
	v15 =	vadd.f32 v15, v12;
	[tilespmem:v47+s29+$0x0] =	vst.idx.msk $0xffff, v25;
	v56 =	vsub.f32 $1.500000000e+00, v20  }
0x2c0: {  	v17 =	vadd.f32 v17, v11;
	v61 =	vadd.s32 v2, v59;
	[tilespmem:v50+s29+$0x0] =	vst.idx.msk $0xffff, v21  }
0x2c1: {  	v57 =	vadd.f32 v54, v9;
	[tilespmem:v19+s29+$0x0] =	vst.idx.msk $0xffff, v15;
	v19 =	vmul.f32 v56, v26  }
0x2c2: {  	v62 =	vadd.s32 v3, v59;
	v63 =	vadd.s32 v4, v59;
	v15 =	vmul.f32 v23, v18  }
0x2c3: {  	[tilespmem:v44+s29+$0x0] =	vst.idx.msk $0xffff, v57;
	v18 =	vadd.f32 v55, v10;
	v60 =	vmul.f32 v19, v42  }
0x2c4: {  	v21 =	vadd.s32 v0, v59;
	v15 =	vmul.f32 v15, v8;
	v16 =	vmul.f32 v19, v16  }
0x2c5: {  	[tilespmem:v46+s29+$0x0] =	vst.idx.msk $0xffff, v18;
	v14 =	vmul.f32 v19, v14;
	v18 =	vmul.f32 v60, v5  }
0x2c6: {  	v13 =	vmul.f32 v19, v13;
	v15 =	vadd.f32 v15, v12;
	v16 =	vmul.f32 v16, v6  }
0x2c7: {  	[tilespmem:v24+s29+$0x0] =	vst.idx.msk $0xffff, v17;
	v14 =	vmul.f32 v14, v7;
	v18 =	vadd.f32 v18, v9  }
0x2c8: {  	v13 =	vmul.f32 v13, v8;
	[tilespmem:v22+s29+$0x0] =	vst.idx.msk $0xffff, v15;
	v15 =	vadd.f32 v16, v10  }
0x2c9: {  	s13 =	sshll.u32 s13, $0x7;
	v14 =	vadd.f32 v14, v11;
	[tilespmem:v21+s29+$0x0] =	vst.idx.msk $0xffff, v18  }
0x2ca: {  	s0 =	sand.u32 $0xF00, s13;
	v13 =	vadd.f32 v13, v12;
	[tilespmem:v61+s29+$0x0] =	vst.idx.msk $0xffff, v15  }
0x2cb: {  	s14 =	sshll.u32 s14, $0xF;
	s0 =	sadd.s32 s4, s0;
	[tilespmem:v62+s29+$0x0] =	vst.idx.msk $0xffff, v14  }
0x2cc: {  	s18 =	simm.s32 $0x12800;
	s7 =	sadd.s32 s14, s0;
	[tilespmem:v63+s29+$0x0] =	vst.idx.msk $0xffff, v13  }
0x2cd: {  	[hbm4b:s7+s5] =	stream.linear.scatter [tilespmem:s18], [sflag:$0x7], $0x80, $0x38;
	[tilespmem:$0x19E80] =	vst v63  }
0x2ce: {  	s9 =	simm.s32 $0x12888;
	s10 =	sadd.s32 $0x10, s7  }
0x2cf: {  	[hbm4b:s10+s5] =	stream.linear.scatter [tilespmem:s9], [sflag:$0x7], $0x80, $0x38;
	[tilespmem:$0x19E80] =	vst v63  }
0x2d0: {  	s11 =	simm.s32 $0x12910;
	s14 =	simm.s32 $0x12998;
	s13 =	sadd.s32 $0x20, s7  }
0x2d1: {  	[hbm4b:s13+s5] =	stream.linear.scatter [tilespmem:s11], [sflag:$0x7], $0x80, $0x38;
	[tilespmem:$0x19E80] =	vst v63  }
0x2d2: {  	s0 =	simm.s32 $0x440;
	s18 =	sadd.s32 $0x30, s7;
	s9 =	simm.s32 $0x12A20  }
0x2d3: {  	[hbm4b:s18+s5] =	stream.linear.scatter [tilespmem:s14], [sflag:$0x7], $0x80, $0x38;
	[tilespmem:$0x19E80] =	vst v63  }
0x2d4: {  	s10 =	sadd.s32 $0x40, s7;
	s11 =	simm.s32 $0x12AA8;
	s13 =	sadd.s32 $0x50, s7  }
0x2d5: {  	[hbm4b:s10+s5] =	stream.linear.scatter [tilespmem:s9], [sflag:$0x7], $0x80, $0x38;
	[tilespmem:$0x19E80] =	vst v63  }
0x2d6: {  	s14 =	simm.s32 $0x12B30;
	s18 =	sadd.s32 $0x60, s7;
	s9 =	simm.s32 $0x2200  }
0x2d7: {  	[hbm4b:s13+s5] =	stream.linear.scatter [tilespmem:s11], [sflag:$0x7], $0x80, $0x38;
	[tilespmem:$0x19E80] =	vst v63  }
0x2d8: {  	s10 =	simm.s32 $0x12BB8;
	s13 =	sadd.s32 $0x70, s7;
	s7 =	sadd.s32 $0x1000, s7  }
0x2d9: {  	[hbm4b:s18+s5] =	stream.linear.scatter [tilespmem:s14], [sflag:$0x7], $0x80, $0x38;
	[tilespmem:$0x19E80] =	vst v63  }
.LBB2_21:
0x2da: {  	[hbm4b:s13+s5] =	stream.linear.scatter [tilespmem:s10], [sflag:$0x7], $0x80, $0x38;
	[tilespmem:$0x19E80] =	vst v63  }
0x2db: {  	s10 =	smov.u32 s0;
	s0 =	smov.u32 s9  }
0x2dc: {  	s11 =	sadd.s32 $0x1100, s9;
	s0 =	sshra.s32 s0, $0x2;
	s13 =	sadd.s32 $0x12800, s10  }
0x2dd: {  	[hbm4b:s7+s5] =	stream.linear.scatter [tilespmem:s13], [sflag:$0x7], $0x80, $0x38;
	[tilespmem:$0x19E80] =	vst v63  }
0x2de: {  	p2 =	sne.s32 s9, $0x7700;
	s9 =	sadd.s32 $0x12888, s10;
	s13 =	sadd.s32 $0x10, s7  }
0x2df: {  	[hbm4b:s13+s5] =	stream.linear.scatter [tilespmem:s9], [sflag:$0x7], $0x80, $0x38;
	[tilespmem:$0x19E80] =	vst v63  }
0x2e0: {  	s9 =	sadd.s32 $0x12910, s10;
	s13 =	sadd.s32 $0x20, s7  }
0x2e1: {  	[hbm4b:s13+s5] =	stream.linear.scatter [tilespmem:s9], [sflag:$0x7], $0x80, $0x38;
	[tilespmem:$0x19E80] =	vst v63  }
0x2e2: {  	s9 =	sadd.s32 $0x12998, s10;
	s13 =	sadd.s32 $0x30, s7  }
0x2e3: {  	[hbm4b:s13+s5] =	stream.linear.scatter [tilespmem:s9], [sflag:$0x7], $0x80, $0x38;
	[tilespmem:$0x19E80] =	vst v63  }
0x2e4: {  	s9 =	sadd.s32 $0x12A20, s10;
	s13 =	sadd.s32 $0x40, s7  }
0x2e5: {  	[hbm4b:s13+s5] =	stream.linear.scatter [tilespmem:s9], [sflag:$0x7], $0x80, $0x38;
	[tilespmem:$0x19E80] =	vst v63  }
.Ltmp11:
0x2e6: {  	s9 =	sadd.s32 $0x12AA8, s10;
	s13 =	sadd.s32 $0x50, s7;
	(pc) =	sbr.rel @p2 .LBB2_21-.Ltmp11, $4  }
0x2e7: {  	[hbm4b:s13+s5] =	stream.linear.scatter [tilespmem:s9], [sflag:$0x7], $0x80, $0x38;
	[tilespmem:$0x19E80] =	vst v63  }
0x2e8: {  	s9 =	sadd.s32 $0x12B30, s10;
	s13 =	sadd.s32 $0x60, s7;
	s10 =	sadd.s32 $0x12BB8, s10  }
0x2e9: {  	[hbm4b:s13+s5] =	stream.linear.scatter [tilespmem:s9], [sflag:$0x7], $0x80, $0x38;
	[tilespmem:$0x19E80] =	vst v63  }
0x2ea: {  	s13 =	sadd.s32 $0x70, s7;
	s7 =	sadd.s32 $0x1000, s7;
	s9 =	smov.u32 s11  }
0x2eb: {  	[hbm4b:s13+s5] =	stream.linear.scatter [tilespmem:s10], [sflag:$0x7], $0x80, $0x38;
	[tilespmem:$0x19E80] =	vst v63  }
0x2ec: {  	s9 =	sadd.s32 $0x12800, s0  }
0x2ed: {  	[hbm4b:s7+s5] =	stream.linear.scatter [tilespmem:s9], [sflag:$0x7], $0x80, $0x38;
	[tilespmem:$0x19E80] =	vst v63  }
0x2ee: {  	s14 =	sadd.s32 $0x12888, s0;
	s18 =	sadd.s32 $0x10, s7  }
0x2ef: {  	[hbm4b:s18+s5] =	stream.linear.scatter [tilespmem:s14], [sflag:$0x7], $0x80, $0x38;
	[tilespmem:$0x19E80] =	vst v63  }
0x2f0: {  	s11 =	sadd.s32 $0x12910, s0;
	s13 =	sadd.s32 $0x20, s7  }
0x2f1: {  	[hbm4b:s13+s5] =	stream.linear.scatter [tilespmem:s11], [sflag:$0x7], $0x80, $0x38;
	[tilespmem:$0x19E80] =	vst v63  }
0x2f2: {  	s14 =	sadd.s32 $0x12998, s0;
	s18 =	sadd.s32 $0x30, s7  }
0x2f3: {  	[hbm4b:s18+s5] =	stream.linear.scatter [tilespmem:s14], [sflag:$0x7], $0x80, $0x38;
	[tilespmem:$0x19E80] =	vst v63  }
0x2f4: {  	s11 =	sadd.s32 $0x12A20, s0;
	s13 =	sadd.s32 $0x40, s7  }
0x2f5: {  	[hbm4b:s13+s5] =	stream.linear.scatter [tilespmem:s11], [sflag:$0x7], $0x80, $0x38;
	[tilespmem:$0x19E80] =	vst v63  }
0x2f6: {  	s14 =	sadd.s32 $0x12AA8, s0;
	s18 =	sadd.s32 $0x50, s7  }
0x2f7: {  	[hbm4b:s18+s5] =	stream.linear.scatter [tilespmem:s14], [sflag:$0x7], $0x80, $0x38;
	[tilespmem:$0x19E80] =	vst v63  }
.Ltmp12:
0x2f8: {  	_ = 	snop;
	(pc) =	sbr.rel @p1 .LBB2_24-.Ltmp12, $4  }
0x2f9: {  	s11 =	sadd.s32 $0x12B30, s0;
	s13 =	sadd.s32 $0x60, s7  }
0x2fa: {  	[hbm4b:s13+s5] =	stream.linear.scatter [tilespmem:s11], [sflag:$0x7], $0x80, $0x38;
	[tilespmem:$0x19E80] =	vst v63  }
0x2fb: {  	s14 =	sadd.s32 $0x12BB8, s0;
	s18 =	sadd.s32 $0x70, s7  }
0x2fc: {  	[hbm4b:s18+s5] =	stream.linear.scatter [tilespmem:s14], [sflag:$0x7], $0x80, $0x38;
	[tilespmem:$0x19E80] =	vst v63  }
.Ltmp13:
0x2fd: {  	(pc) =	sbr.rel .LBB2_25-.Ltmp13, $4  }
0x2fe: {  	_ = 	snop  }
0x2ff: {  	_ =	swait.ge [sflag:s30], $0x2000  }
0x300: {  	[sflag:s30] =	ssyncset.done $0x0  }
0x301: {  	[sflag:s30] =	ssyncadd.s32 $0xFFFFE000  }
.LBB2_24:
0x302: {  	s0 =	sshll.u32 s3, $0x9  }
0x303: {  	s0 =	sand.u32 $0x3FFFFE00, s0  }
.Ltmp14:
0x304: {  	s0 =	sadd.s32 $0x300, s0;
	(pc) =	sbr.rel @p0 .LBB2_26-.Ltmp14, $4  }
0x305: {  	[tilespmem:s19], [sflag:$0x3] =	stream.indirect.gather [hbm4b:s6+s15], $0x40, s0, s15, $0xb8;
	[tilespmem:$0x19E80] =	vst v63  }
0x306: {  	_ =	swait.ge [sflag:s30], $0x2000  }
0x307: {  	[sflag:s30] =	ssyncset.done $0x0  }
0x308: {  	[sflag:s30] =	ssyncadd.s32 $0xFFFFE000  }
.LBB2_25:
0x309: {  	_ =	swait.ge [sflag:s31], $0x2000  }
0x30a: {  	[sflag:s31] =	ssyncset.done $0x0  }
0x30b: {  	[sflag:s31] =	ssyncadd.s32 $0xFFFFE000  }
.LBB2_26:
0x30c: {  	s11 =	simm.s32 $0xC440  }
0x30d: {  	v17 =	vld [tilespmem:s11+$0x0]  }
0x30e: {  	s12 =	sadd.s32 s8, s12;
	v18 =	vld [tilespmem:s11+$0x10]  }
0x30f: {  	s0 =	sshll.u32 s12, $0x1;
	v19 =	vld [tilespmem:s11+$0x20]  }
0x310: {  	v20 =	vld [tilespmem:s11+$0x30];
	s0 =	sand.u32 $0x3FFFFFC0, s0  }
0x311: {  	v14 =	vld [tilespmem:s0+$0x16C00]  }
0x312: {  	v16 =	vld [tilespmem:s0+$0x16C10]  }
0x313: {  	v15 =	vld [tilespmem:s0+$0x16C20]  }
0x314: {  	v13 =	vld [tilespmem:s0+$0x16C30];
	_ =	sdelay $0x3  }
0x315: {  	v17 =	vadd.f32 v17, v14;
	v18 =	vadd.f32 v18, v16  }
0x316: {  	v27 =	vadd.f32 v19, v15;
	v28 =	vadd.f32 v20, v13  }
0x317: {  	v19 =	vadd.f32 v18, v17  }
0x318: {  	v20 =	vmul.f32 v17, v17;
	v21 =	vadd.f32 v28, v27;
	v22 =	vmul.f32 v18, v18  }
0x319: {  	v23 =	vmul.f32 v27, v27;
	v24 =	vmul.f32 v28, v28  }
0x31a: {  	v19 =	vadd.f32 v21, v19  }
0x31b: {  	v20 =	vadd.f32 v22, v20;
	v21 =	vadd.f32 v24, v23;
	_ =	sdelay $0x1  }
0x31c: {  	(xrf2) =	vadd.scan.msk.f32 $0xffff, v19;
	v19 =	vadd.f32 v21, v20;
	_ =	sdelay $0x1  }
0x31d: {  	(xrf2) =	vadd.scan.msk.f32 $0xffff, v19;
	_ =	sdelay $0x3  }
0x31e: {  	v22 =	vld [tilespmem:s11+$0xFFFFFFF0]  }
0x31f: {  	v19 =	vld [tilespmem:s11+$0xFFFFFFD0]  }
0x320: {  	v20 =	vld [tilespmem:s11+$0xFFFFFFE0]  }
0x321: {  	v21 =	vld [tilespmem:s11+$0xFFFFFFC0]  }
0x322: {  	v23, _, _ =	vpop (xrf2)  }
0x323: {  	v23 =	vperm.xlane v23, v1  }
0x324: {  	v29 =	vadd.f32 v19, v16;
	v24, _, _ =	vpop (xrf2)  }
0x325: {  	v26 =	vadd.f32 v22, v13;
	v30 =	vmul.f32 $1.562500000e-02, v23;
	v19 =	vperm.xlane v24, v1  }
0x326: {  	v31 =	vadd.f32 v21, v14;
	v25 =	vadd.f32 v20, v15;
	v21 =	vmul.f32 v29, v29  }
0x327: {  	v19 =	vmul.f32 $1.562500000e-02, v19;
	v20 =	vmul.f32 v30, v30  }
0x328: {  	s13 =	simm.s32 $0xC4C0;
	v22 =	vadd.f32 v29, v31;
	v23 =	vadd.f32 v26, v25;
	v24 =	vmul.f32 v31, v31  }
0x329: {  	v33 =	vld [tilespmem:s13+$0x0];
	v32 =	vmul.f32 v26, v26;
	v19 =	vsub.f32 v19, v20;
	v20 =	vmul.f32 v25, v25  }
0x32a: {  	v43 =	vld [tilespmem:s13+$0x20];
	v22 =	vadd.f32 v23, v22;
	v21 =	vadd.f32 v21, v24  }
0x32b: {  	v23 =	vld [tilespmem:s13+$0x10];
	v19 =	vadd.f32 $9.999999960e-13, v19;
	v20 =	vadd.f32 v32, v20  }
0x32c: {  	v34 =	vld [tilespmem:s13+$0x30]  }
0x32d: {  	(xrf2) =	vadd.scan.msk.f32 $0xffff, v22;
	v22 =	vshra.s32 v19, $0x1;
	v19 =	vmul.f32 $5.000000000e-01, v19;
	v20 =	vadd.f32 v20, v21  }
0x32e: {  	v35 =	vsub.s32 $0x5F3759DF, v22  }
0x32f: {  	v24 =	vadd.f32 v33, v14;
	v21 =	vmul.f32 v35, v19;
	(xrf2) =	vadd.scan.msk.f32 $0xffff, v20  }
0x330: {  	v23 =	vadd.f32 v23, v16;
	v22 =	vadd.f32 v43, v15  }
0x331: {  	v33 =	vmul.f32 v24, v24;
	v20 =	vmul.f32 v35, v21;
	v21 =	vadd.f32 v34, v13  }
0x332: {  	v44 =	vadd.f32 v23, v24;
	v36 =	vmul.f32 v23, v23;
	v37 =	vmul.f32 v22, v22  }
0x333: {  	v50 =	vld [tilespmem:s13+$0xFFFFFFE0];
	v20 =	vsub.f32 $1.500000000e+00, v20;
	v34 =	vadd.f32 v21, v22;
	v38 =	vmul.f32 v21, v21  }
0x334: {  	v39 =	vld [tilespmem:s13+$0xFFFFFFF0];
	v33 =	vadd.f32 v36, v33  }
0x335: {  	v35 =	vmul.f32 v35, v20;
	v20 =	vadd.f32 v34, v44;
	v46 =	vadd.f32 v38, v37  }
0x336: {  	v47 =	vld [tilespmem:s13+$0xFFFFFFD0]  }
0x337: {  	v48 =	vld [tilespmem:s13+$0xFFFFFFC0];
	v52 =	vsub.f32 v17, v30;
	v45, _, _ =	vpop (xrf2);
	(xrf2) =	vadd.scan.msk.f32 $0xffff, v20;
	v20 =	vadd.f32 v46, v33  }
0x338: {  	v17 =	vadd.f32 v50, v15;
	v54 =	vsub.f32 v18, v30  }
0x339: {  	v18 =	vadd.f32 v39, v13;
	v32 =	vperm.xlane v45, v1;
	v19 =	vmul.f32 v35, v19;
	v49, _, _ =	vpop (xrf2);
	(xrf2) =	vadd.scan.msk.f32 $0xffff, v20  }
0x33a: {  	v27 =	vsub.f32 v27, v30;
	v28 =	vsub.f32 v28, v30  }
0x33b: {  	s14 =	simm.s32 $0x1;
	v41 =	vadd.f32 v18, v17;
	v33 =	vmul.f32 $1.562500000e-02, v32;
	v51 =	vmul.f32 v19, v35  }
0x33c: {  	v55 =	vmov s14;
	v38 =	vadd.f32 v47, v16;
	v37 =	vadd.f32 v48, v14  }
0x33d: {  	v45 =	vmul.f32 v17, v17;
	v19 =	vsub.f32 v31, v33;
	v31 =	vsub.f32 $1.500000000e+00, v51  }
0x33e: {  	v36 =	vand.u32 $0x7F, v55;
	v53 =	vmul.f32 v38, v38;
	v42 =	vmul.f32 v37, v37  }
0x33f: {  	v56 =	vadd.f32 v38, v37;
	v32 =	vperm.xlane v49, v1;
	v31 =	vmul.f32 v31, v35  }
0x340: {  	v46 =	vmul.f32 v18, v18;
	v40 =	vmul.f32 v33, v33;
	v20 =	vsub.f32 v29, v33  }
0x341: {  	v30 =	vadd.f32 v41, v56;
	v29 =	vmul.f32 $1.562500000e-02, v32;
	v32 =	vmul.f32 v31, v52;
	v44, _, _ =	vpop (xrf2)  }
0x342: {  	v59 =	vadd.f32 v46, v45;
	v35 =	vadd.f32 v53, v42;
	v57 =	vperm.xlane v44, v1  }
0x343: {  	v43 =	vadd.s32 v0, v36;
	v29 =	vsub.f32 v29, v40;
	v58 =	vmul.f32 v32, v5;
	v60, _, _ =	vpop (xrf2)  }
0x344: {  	v35 =	vadd.f32 v59, v35;
	(xrf2) =	vadd.scan.msk.f32 $0xffff, v30;
	v32 =	vmul.f32 $1.562500000e-02, v57;
	v61 =	vperm.xlane v60, v1  }
0x345: {  	v63 =	vadd.s32 v3, v36;
	v34 =	vmul.f32 v31, v54;
	v27 =	vmul.f32 v31, v27  }
0x346: {  	v29 =	vadd.f32 $9.999999960e-13, v29;
	(xrf2) =	vadd.scan.msk.f32 $0xffff, v35;
	v39 =	vmul.f32 $1.562500000e-02, v61;
	v62 =	vmul.f32 v32, v32  }
0x347: {  	v28 =	vmul.f32 v31, v28;
	v30 =	vadd.s32 v2, v36;
	v34 =	vmul.f32 v34, v6  }
0x348: {  	v56 =	vshra.s32 v29, $0x1;
	v57 =	vmul.f32 $5.000000000e-01, v29;
	v31 =	vsub.f32 v39, v62  }
0x349: {  	v27 =	vmul.f32 v27, v7;
	v29 =	vadd.f32 v58, v9;
	v58 =	vsub.s32 $0x5F3759DF, v56  }
0x34a: {  	v36 =	vadd.s32 v4, v36;
	v35 =	vmul.f32 v58, v57;
	v31 =	vadd.f32 $9.999999960e-13, v31  }
0x34b: {  	v28 =	vmul.f32 v28, v8;
	v34 =	vadd.f32 v34, v10;
	v27 =	vadd.f32 v27, v11  }
0x34c: {  	s18 =	simm.s32 $0x0;
	s10 =	simm.s32 $0xC540;
	v59 =	vshra.s32 v31, $0x1;
	v42 =	vmul.f32 $5.000000000e-01, v31;
	v31 =	vmul.f32 v58, v35  }
0x34d: {  	v48 =	vld [tilespmem:s10+$0x0];
	v28 =	vadd.f32 v28, v12;
	[tilespmem:v43+s2+$0x0] =	vst.idx.msk $0xffff, v29;
	v29 =	vmov s18;
	v51 =	vsub.s32 $0x5F3759DF, v59  }
0x34e: {  	v47 =	vld [tilespmem:s10+$0x30];
	[tilespmem:v30+s2+$0x0] =	vst.idx.msk $0xffff, v34;
	v60, _, _ =	vpop (xrf2);
	v35 =	vand.u32 $0x7E, v29;
	v30 =	vmul.f32 v51, v42;
	v61 =	vsub.f32 $1.500000000e+00, v31  }
0x34f: {  	v52 =	vld [tilespmem:s10+$0x10];
	v29 =	vsub.f32 v26, v33;
	v31 =	vsub.f32 v25, v33;
	v25 =	vperm.xlane v60, v1  }
0x350: {  	v46 =	vld [tilespmem:s10+$0x20];
	v26 =	vadd.s32 v0, v35;
	v62, _, _ =	vpop (xrf2);
	v30 =	vmul.f32 v51, v30;
	v34 =	vmul.f32 v58, v61  }
0x351: {  	v41 =	vld [tilespmem:s10+$0xFFFFFFE0];
	[tilespmem:v63+s2+$0x0] =	vst.idx.msk $0xffff, v27;
	v27 =	vadd.s32 v2, v35;
	v50 =	vperm.xlane v62, v1;
	v33 =	vmul.f32 $1.562500000e-02, v25  }
0x352: {  	v49 =	vld [tilespmem:s10+$0xFFFFFFC0];
	[tilespmem:v36+s2+$0x0] =	vst.idx.msk $0xffff, v28;
	v25 =	vadd.s32 v3, v35;
	v63 =	vsub.f32 $1.500000000e+00, v30;
	v45 =	vmul.f32 v34, v57  }
0x353: {  	s9 =	simm.s32 $0x2;
	v44 =	vld [tilespmem:s10+$0xFFFFFFD0];
	v36 =	vmul.f32 v33, v33;
	v30 =	vsub.f32 v37, v33;
	v28 =	vsub.f32 v38, v33  }
0x354: {  	s7 =	simm.s32 $0x4;
	s0 =	simm.s32 $0x6;
	s13 =	sshrl.u32 s12, $0x5;
	v43 =	vld [tilespmem:s10+$0xFFFFFFF0];
	v38 =	vadd.f32 v48, v14;
	v37 =	vadd.f32 v52, v16;
	v48 =	vmul.f32 v51, v63  }
.LBB2_27:
0x355: {  	p0 =	slt.u32 s0, $0x7E;
	v46 =	vadd.f32 v46, v15;
	v47 =	vadd.f32 v47, v13;
	v50 =	vmul.f32 $1.562500000e-02, v50  }
0x356: {  	v40 =	vadd.f32 v37, v38;
	v51 =	vmul.f32 v38, v38;
	v42 =	vmul.f32 v48, v42  }
0x357: {  	v53 =	vmul.f32 v37, v37;
	v52 =	vadd.f32 v47, v46;
	v54 =	vmul.f32 v46, v46  }
0x358: {  	v39 =	vadd.f32 v44, v16;
	v44 =	vmul.f32 v47, v47;
	v42 =	vmul.f32 v42, v48  }
0x359: {  	v45 =	vmul.f32 v45, v34;
	v51 =	vadd.f32 v53, v51;
	v52 =	vadd.f32 v52, v40  }
0x35a: {  	v53 =	vmul.f32 v39, v39;
	v44 =	vadd.f32 v44, v54;
	v42 =	vsub.f32 $1.500000000e+00, v42  }
0x35b: {  	v40 =	vadd.f32 v49, v14;
	v49 =	vadd.f32 v41, v15;
	v41 =	vadd.s32 v4, v35;
	(xrf2) =	vadd.scan.msk.f32 $0xffff, v52  }
0x35c: {  	s11 =	sadd.s32 $0x1, s9;
	v35 =	vadd.f32 v44, v51;
	v44 =	vsub.f32 v24, v32;
	v24 =	vmovc v38;
	v42 =	vmul.f32 v42, v48  }
0x35d: {  	v38 =	vadd.f32 v43, v13;
	v43 =	vmov s11;
	v48 =	vsub.f32 v23, v32;
	v23 =	vmovc v37  }
0x35e: {  	v37 =	vand.u32 $0x7F, v43;
	v43 =	vsub.f32 v22, v32;
	v22 =	vmovc v46;
	(xrf2) =	vadd.scan.msk.f32 $0xffff, v35;
	v35 =	vmul.f32 v42, v44  }
0x35f: {  	v32 =	vsub.f32 v21, v32;
	v21 =	vmovc v47;
	v44 =	vadd.s32 v0, v37;
	v46 =	vmul.f32 v42, v48  }
0x360: {  	v47 =	vadd.s32 v2, v37;
	v43 =	vmul.f32 v42, v43;
	v35 =	vmul.f32 v35, v5  }
0x361: {  	v48 =	vadd.s32 v3, v37;
	v32 =	vmul.f32 v42, v32;
	v46 =	vmul.f32 v46, v6  }
0x362: {  	v37 =	vadd.s32 v4, v37;
	v42 =	vmul.f32 v43, v7;
	v35 =	vadd.f32 v35, v9  }
0x363: {  	v43 =	vadd.f32 v39, v40;
	v32 =	vmul.f32 v32, v8;
	v46 =	vadd.f32 v46, v10  }
0x364: {  	v51 =	vadd.f32 v38, v49;
	[tilespmem:v44+s2+$0x0] =	vst.idx.msk $0xffff, v35;
	v35 =	vadd.f32 v42, v11  }
0x365: {  	v45 =	vsub.f32 $1.500000000e+00, v45;
	v32 =	vadd.f32 v32, v12;
	v42 =	vmul.f32 v40, v40;
	v44, _, _ =	vpop (xrf2);
	[tilespmem:v47+s2+$0x0] =	vst.idx.msk $0xffff, v46  }
0x366: {  	v54 =	vmul.f32 v49, v49;
	v52 =	vmov s9;
	s9 =	smov.u32 s7;
	s7 =	smov.u32 s0;
	v47 =	vmul.f32 v38, v38;
	[tilespmem:v48+s2+$0x0] =	vst.idx.msk $0xffff, v35  }
0x367: {  	v43 =	vadd.f32 v51, v43;
	v44 =	vperm.xlane v44, v1;
	v35 =	vand.u32 $0x7E, v52;
	[tilespmem:v37+s2+$0x0] =	vst.idx.msk $0xffff, v32  }
0x368: {  	v34 =	vmul.f32 v45, v34;
	v37 =	vadd.f32 v53, v42;
	v42 =	vadd.f32 v47, v54;
	v46, _, _ =	vpop (xrf2)  }
0x369: {  	v36 =	vsub.f32 v50, v36;
	v32 =	vmul.f32 $1.562500000e-02, v44;
	v44 =	vperm.xlane v46, v1;
	(xrf2) =	vadd.scan.msk.f32 $0xffff, v43  }
0x36a: {  	v37 =	vadd.f32 v42, v37;
	v42 =	vsub.f32 v17, v33;
	v43 =	vmul.f32 v34, v19;
	v17 =	vmovc v49  }
0x36b: {  	v36 =	vadd.f32 $9.999999960e-13, v36;
	v19 =	vmovc v30;
	v45 =	vmul.f32 v32, v32;
	v44 =	vmul.f32 $1.562500000e-02, v44  }
0x36c: {  	v30 =	vsub.f32 v18, v33;
	v33 =	vmul.f32 v34, v20;
	(xrf2) =	vadd.scan.msk.f32 $0xffff, v37;
	v37 =	vmul.f32 v34, v31  }
0x36d: {  	v18 =	vmovc v38;
	v31 =	vmovc v42;
	v44 =	vsub.f32 v44, v45;
	v45 =	vshra.s32 v36, $0x1;
	v36 =	vmul.f32 $5.000000000e-01, v36  }
0x36e: {  	v20 =	vmovc v28;
	v42 =	vmul.f32 v43, v5;
	v34 =	vmul.f32 v34, v29;
	v29 =	vmovc v30;
	v38 =	vsub.s32 $0x5F3759DF, v45  }
0x36f: {  	v33 =	vmul.f32 v33, v6;
	v28 =	vadd.f32 $9.999999960e-13, v44;
	v30 =	vmul.f32 v38, v36  }
0x370: {  	v43 =	vadd.f32 v42, v9;
	v37 =	vmul.f32 v37, v7;
	v34 =	vmul.f32 v34, v8  }
0x371: {  	s10 =	sadd.s32 $0x80, s10;
	v44 =	vshra.s32 v28, $0x1;
	v42 =	vmul.f32 $5.000000000e-01, v28;
	v28 =	vmul.f32 v38, v30  }
0x372: {  	v30 =	vadd.f32 v33, v10;
	v33 =	vadd.f32 v37, v11;
	v48 =	vld [tilespmem:s10+$0x0];
	v51 =	vsub.s32 $0x5F3759DF, v44;
	[tilespmem:v26+s2+$0x0] =	vst.idx.msk $0xffff, v43  }
0x373: {  	v45 =	vadd.f32 v34, v12;
	v37 =	vld [tilespmem:s10+$0x10];
	v43 =	vmul.f32 v51, v42;
	v26, _, _ =	vpop (xrf2);
	v50 =	vsub.f32 $1.500000000e+00, v28  }
0x374: {  	v46 =	vld [tilespmem:s10+$0x20];
	v49 =	vperm.xlane v26, v1;
	v26 =	vadd.s32 v0, v35;
	[tilespmem:v27+s2+$0x0] =	vst.idx.msk $0xffff, v30  }
.Ltmp15:
0x375: {  	v47 =	vld [tilespmem:s10+$0x30];
	v30 =	vmul.f32 v51, v43;
	v34 =	vmul.f32 v38, v50;
	[tilespmem:v25+s2+$0x0] =	vst.idx.msk $0xffff, v33;
	(pc) =	sbr.rel @p0 .LBB2_27-.Ltmp15, $4  }
0x376: {  	v27 =	vadd.s32 v2, v35;
	v25 =	vadd.s32 v3, v35;
	v44 =	vld [tilespmem:s10+$0xFFFFFFD0];
	v33 =	vmul.f32 $1.562500000e-02, v49;
	v28, _, _ =	vpop (xrf2);
	[tilespmem:v41+s2+$0x0] =	vst.idx.msk $0xffff, v45  }
0x377: {  	v41 =	vld [tilespmem:s10+$0xFFFFFFE0];
	v50 =	vperm.xlane v28, v1;
	v52 =	vsub.f32 $1.500000000e+00, v30;
	v45 =	vmul.f32 v34, v36  }
0x378: {  	v43 =	vld [tilespmem:s10+$0xFFFFFFF0];
	v36 =	vmul.f32 v33, v33;
	v30 =	vsub.f32 v40, v33;
	v28 =	vsub.f32 v39, v33  }
0x379: {  	s0 =	sadd.s32 $0x2, s0;
	v38 =	vadd.f32 v48, v14;
	v37 =	vadd.f32 v37, v16;
	v49 =	vld [tilespmem:s10+$0xFFFFFFC0];
	v48 =	vmul.f32 v51, v52  }
0x37a: {  	v40 =	vadd.f32 v46, v15;
	v39 =	vadd.f32 v47, v13  }
0x37b: {  	v59 =	vadd.f32 v37, v38;
	v60 =	vmul.f32 v38, v38;
	v52 =	vmul.f32 v37, v37  }
0x37c: {  	v51 =	vadd.f32 v39, v40;
	v53 =	vmul.f32 v40, v40;
	v54 =	vmul.f32 v39, v39  }
0x37d: {  	v47 =	vadd.f32 v52, v60  }
0x37e: {  	v46 =	vadd.f32 v51, v59;
	v61 =	vadd.f32 v54, v53  }
0x37f: {  	v45 =	vmul.f32 v45, v34;
	v24 =	vsub.f32 v24, v32  }
0x380: {  	v35 =	vadd.s32 v4, v35;
	v23 =	vsub.f32 v23, v32;
	(xrf2) =	vadd.scan.msk.f32 $0xffff, v46;
	v62 =	vadd.f32 v61, v47  }
0x381: {  	v22 =	vsub.f32 v22, v32;
	v21 =	vsub.f32 v21, v32;
	v42 =	vmul.f32 v48, v42  }
0x382: {  	v17 =	vsub.f32 v17, v33;
	v16 =	vadd.f32 v44, v16;
	v44 =	vmul.f32 $1.562500000e-02, v50;
	(xrf2) =	vadd.scan.msk.f32 $0xffff, v62  }
0x383: {  	s0 =	sadd.s32 $0x1, s9;
	v18 =	vsub.f32 v18, v33;
	v45 =	vsub.f32 $1.500000000e+00, v45;
	v42 =	vmul.f32 v42, v48  }
0x384: {  	v56 =	vmov s0;
	v13 =	vadd.f32 v43, v13;
	v36 =	vsub.f32 v44, v36  }
0x385: {  	v63 =	vmul.f32 v16, v16;
	v42 =	vsub.f32 $1.500000000e+00, v42;
	v47 =	vadd.f32 v49, v14  }
0x386: {  	v36 =	vadd.f32 $9.999999960e-13, v36;
	v14 =	vadd.f32 v41, v15;
	v41 =	vand.u32 $0x7F, v56  }
0x387: {  	v61 =	vmul.f32 v13, v13;
	v15 =	vmul.f32 v42, v48;
	v57 =	vadd.f32 v16, v47  }
0x388: {  	v43 =	vadd.f32 v13, v14;
	v58 =	vmul.f32 v47, v47;
	v60 =	vmul.f32 v14, v14  }
0x389: {  	v42 =	vadd.s32 v0, v41;
	v24 =	vmul.f32 v15, v24;
	v23 =	vmul.f32 v15, v23  }
0x38a: {  	v22 =	vmul.f32 v15, v22;
	v15 =	vmul.f32 v15, v21;
	v32 =	vadd.f32 v43, v57;
	v59, _, _ =	vpop (xrf2)  }
0x38b: {  	v62 =	vadd.f32 v63, v58;
	v53 =	vadd.f32 v61, v60;
	v49 =	vperm.xlane v59, v1  }
0x38c: {  	v58 =	vmul.f32 v45, v34;
	v61 =	vshra.s32 v36, $0x1;
	v36 =	vmul.f32 $5.000000000e-01, v36;
	v63, _, _ =	vpop (xrf2)  }
0x38d: {  	v54 =	vadd.f32 v53, v62;
	(xrf2) =	vadd.scan.msk.f32 $0xffff, v32;
	v49 =	vmul.f32 $1.562500000e-02, v49;
	v46 =	vperm.xlane v63, v1  }
0x38e: {  	v51 =	vadd.s32 v2, v41;
	v24 =	vmul.f32 v24, v5;
	v23 =	vmul.f32 v23, v6  }
0x38f: {  	v50 =	vadd.s32 v3, v41;
	(xrf2) =	vadd.scan.msk.f32 $0xffff, v54;
	v55 =	vmul.f32 $1.562500000e-02, v46;
	v56 =	vmul.f32 v49, v49  }
0x390: {  	v41 =	vadd.s32 v4, v41;
	v22 =	vmul.f32 v22, v7;
	v15 =	vmul.f32 v15, v8  }
0x391: {  	v44 =	vsub.s32 $0x5F3759DF, v61;
	v19 =	vmul.f32 v58, v19;
	v57 =	vsub.f32 v55, v56  }
0x392: {  	v20 =	vmul.f32 v58, v20;
	v31 =	vmul.f32 v58, v31;
	v24 =	vadd.f32 v24, v9  }
0x393: {  	v23 =	vadd.f32 v23, v10;
	v63 =	vmul.f32 v44, v36;
	v21 =	vadd.f32 $9.999999960e-13, v57  }
0x394: {  	v29 =	vmul.f32 v58, v29;
	v22 =	vadd.f32 v22, v11;
	v15 =	vadd.f32 v15, v12  }
0x395: {  	v32 =	vmul.f32 v44, v63;
	v60 =	vshra.s32 v21, $0x1;
	v21 =	vmul.f32 $5.000000000e-01, v21  }
0x396: {  	v19 =	vmul.f32 v19, v5;
	v20 =	vmul.f32 v20, v6;
	v43 =	vsub.s32 $0x5F3759DF, v60  }
0x397: {  	v31 =	vmul.f32 v31, v7;
	v32 =	vsub.f32 $1.500000000e+00, v32;
	v48, _, _ =	vpop (xrf2);
	v62 =	vmul.f32 v43, v21  }
0x398: {  	v29 =	vmul.f32 v29, v8;
	v19 =	vadd.f32 v19, v9;
	v52 =	vperm.xlane v48, v1  }
0x399: {  	v20 =	vadd.f32 v20, v10;
	v32 =	vmul.f32 v44, v32;
	v53, _, _ =	vpop (xrf2);
	v45 =	vmul.f32 v43, v62  }
0x39a: {  	v31 =	vadd.f32 v31, v11;
	v33 =	vmul.f32 $1.562500000e-02, v52;
	v46 =	vperm.xlane v53, v1  }
0x39b: {  	[tilespmem:v42+s2+$0x0] =	vst.idx.msk $0xffff, v24;
	v29 =	vadd.f32 v29, v12;
	v36 =	vmul.f32 v32, v36;
	v45 =	vsub.f32 $1.500000000e+00, v45  }
0x39c: {  	s11 =	sadd.s32 $0x1, s7;
	[tilespmem:v51+s2+$0x0] =	vst.idx.msk $0xffff, v23;
	v59 =	vmov s9;
	v54 =	vmul.f32 v33, v33;
	v46 =	vmul.f32 $1.562500000e-02, v46  }
0x39d: {  	[tilespmem:v50+s2+$0x0] =	vst.idx.msk $0xffff, v22;
	v34 =	vand.u32 $0x7E, v59;
	v59 =	vmov s11;
	v43 =	vmul.f32 v43, v45  }
0x39e: {  	v24 =	vadd.s32 v3, v34;
	v55 =	vmul.f32 v36, v32;
	v45 =	vsub.f32 v46, v54  }
0x39f: {  	[tilespmem:v26+s2+$0x0] =	vst.idx.msk $0xffff, v19;
	v22 =	vadd.s32 v4, v34;
	v19 =	vand.u32 $0x7F, v59;
	v21 =	vmul.f32 v43, v21  }
0x3a0: {  	v50 =	vadd.s32 v3, v19;
	v23 =	vsub.f32 $1.500000000e+00, v55;
	v45 =	vadd.f32 $9.999999960e-13, v45  }
0x3a1: {  	v58 =	vsub.f32 v38, v49;
	v44 =	vadd.s32 v0, v34;
	v21 =	vmul.f32 v21, v43  }
0x3a2: {  	[tilespmem:v41+s2+$0x0] =	vst.idx.msk $0xffff, v15;
	v23 =	vmul.f32 v23, v32;
	v56 =	vshra.s32 v45, $0x1;
	v57 =	vmul.f32 $5.000000000e-01, v45  }
0x3a3: {  	[tilespmem:v27+s2+$0x0] =	vst.idx.msk $0xffff, v20;
	v46 =	vadd.s32 v2, v34;
	v34 =	vsub.s32 $0x5F3759DF, v56;
	v21 =	vsub.f32 $1.500000000e+00, v21  }
0x3a4: {  	v63 =	vsub.f32 v40, v49;
	v60 =	vsub.f32 v37, v49;
	v61 =	vmul.f32 v34, v57  }
0x3a5: {  	v42 =	vsub.f32 v47, v33;
	v52 =	vmul.f32 v23, v30;
	v15 =	vmul.f32 v21, v43  }
0x3a6: {  	v16 =	vsub.f32 v16, v33;
	v53 =	vmul.f32 v23, v28;
	v37 =	vmul.f32 v34, v61  }
0x3a7: {  	v47 =	vadd.s32 v2, v19;
	v17 =	vmul.f32 v23, v17;
	v62 =	vmul.f32 v15, v58  }
0x3a8: {  	[tilespmem:v25+s2+$0x0] =	vst.idx.msk $0xffff, v31;
	v45 =	vsub.f32 v39, v49;
	v26 =	vmul.f32 v15, v60;
	v49 =	vsub.f32 $1.500000000e+00, v37  }
0x3a9: {  	v54 =	vmul.f32 v52, v5;
	v43 =	vadd.s32 v0, v19;
	v20 =	vmul.f32 v62, v5  }
0x3aa: {  	v14 =	vsub.f32 v14, v33;
	v48 =	vmul.f32 v26, v6;
	v26 =	vmul.f32 v34, v49  }
0x3ab: {  	v13 =	vsub.f32 v13, v33;
	v21 =	vmul.f32 v15, v63;
	v15 =	vmul.f32 v15, v45  }
0x3ac: {  	v55 =	vmul.f32 v53, v6;
	v20 =	vadd.f32 v20, v9;
	v51 =	vmul.f32 v26, v57  }
0x3ad: {  	v19 =	vadd.s32 v4, v19;
	v21 =	vmul.f32 v21, v7;
	v15 =	vmul.f32 v15, v8  }
0x3ae: {  	v25 =	vadd.f32 v48, v10;
	[tilespmem:v43+s2+$0x0] =	vst.idx.msk $0xffff, v20;
	v20 =	vmul.f32 v51, v26  }
0x3af: {  	[tilespmem:v35+s2+$0x0] =	vst.idx.msk $0xffff, v29;
	v17 =	vmul.f32 v17, v7;
	v58 =	vmov s7;
	v21 =	vadd.f32 v21, v11  }
0x3b0: {  	v59 =	vand.u32 $0x7E, v58;
	v15 =	vadd.f32 v15, v12;
	[tilespmem:v47+s2+$0x0] =	vst.idx.msk $0xffff, v25;
	v56 =	vsub.f32 $1.500000000e+00, v20  }
0x3b1: {  	v17 =	vadd.f32 v17, v11;
	v61 =	vadd.s32 v2, v59;
	[tilespmem:v50+s2+$0x0] =	vst.idx.msk $0xffff, v21  }
0x3b2: {  	v57 =	vadd.f32 v54, v9;
	[tilespmem:v19+s2+$0x0] =	vst.idx.msk $0xffff, v15;
	v19 =	vmul.f32 v56, v26  }
0x3b3: {  	v62 =	vadd.s32 v3, v59;
	v63 =	vadd.s32 v4, v59;
	v15 =	vmul.f32 v23, v18  }
0x3b4: {  	[tilespmem:v44+s2+$0x0] =	vst.idx.msk $0xffff, v57;
	v18 =	vadd.f32 v55, v10;
	v60 =	vmul.f32 v19, v42  }
0x3b5: {  	v21 =	vadd.s32 v0, v59;
	v15 =	vmul.f32 v15, v8;
	v16 =	vmul.f32 v19, v16  }
0x3b6: {  	[tilespmem:v46+s2+$0x0] =	vst.idx.msk $0xffff, v18;
	v14 =	vmul.f32 v19, v14;
	v18 =	vmul.f32 v60, v5  }
0x3b7: {  	v13 =	vmul.f32 v19, v13;
	v15 =	vadd.f32 v15, v12;
	v16 =	vmul.f32 v16, v6  }
0x3b8: {  	[tilespmem:v24+s2+$0x0] =	vst.idx.msk $0xffff, v17;
	v14 =	vmul.f32 v14, v7;
	v18 =	vadd.f32 v18, v9  }
0x3b9: {  	v13 =	vmul.f32 v13, v8;
	[tilespmem:v22+s2+$0x0] =	vst.idx.msk $0xffff, v15;
	v15 =	vadd.f32 v16, v10  }
0x3ba: {  	s14 =	sshll.u32 s12, $0x7;
	v14 =	vadd.f32 v14, v11;
	[tilespmem:v21+s2+$0x0] =	vst.idx.msk $0xffff, v18  }
0x3bb: {  	s0 =	sand.u32 $0xF80, s14;
	v13 =	vadd.f32 v13, v12;
	[tilespmem:v61+s2+$0x0] =	vst.idx.msk $0xffff, v15  }
0x3bc: {  	s18 =	sshll.u32 s13, $0xF;
	s0 =	sadd.s32 s4, s0;
	[tilespmem:v62+s2+$0x0] =	vst.idx.msk $0xffff, v14  }
0x3bd: {  	s9 =	simm.s32 $0x14A00;
	s7 =	sadd.s32 s18, s0;
	[tilespmem:v63+s2+$0x0] =	vst.idx.msk $0xffff, v13  }
0x3be: {  	[hbm4b:s7+s5] =	stream.linear.scatter [tilespmem:s9], [sflag:$0x8], $0x80, $0x38;
	[tilespmem:$0x19E80] =	vst v63  }
0x3bf: {  	s10 =	simm.s32 $0x14A88;
	s11 =	sadd.s32 $0x10, s7  }
0x3c0: {  	[hbm4b:s11+s5] =	stream.linear.scatter [tilespmem:s10], [sflag:$0x8], $0x80, $0x38;
	[tilespmem:$0x19E80] =	vst v63  }
0x3c1: {  	s12 =	simm.s32 $0x14B10;
	s14 =	simm.s32 $0x14B98;
	s13 =	sadd.s32 $0x20, s7  }
0x3c2: {  	[hbm4b:s13+s5] =	stream.linear.scatter [tilespmem:s12], [sflag:$0x8], $0x80, $0x38;
	[tilespmem:$0x19E80] =	vst v63  }
0x3c3: {  	s0 =	simm.s32 $0x440;
	s18 =	sadd.s32 $0x30, s7;
	s9 =	simm.s32 $0x2200  }
0x3c4: {  	[hbm4b:s18+s5] =	stream.linear.scatter [tilespmem:s14], [sflag:$0x8], $0x80, $0x38;
	[tilespmem:$0x19E80] =	vst v63  }
0x3c5: {  	s10 =	simm.s32 $0x14C20;
	s11 =	sadd.s32 $0x40, s7;
	s12 =	simm.s32 $0x14CA8  }
0x3c6: {  	[hbm4b:s11+s5] =	stream.linear.scatter [tilespmem:s10], [sflag:$0x8], $0x80, $0x38;
	[tilespmem:$0x19E80] =	vst v63  }
0x3c7: {  	s13 =	sadd.s32 $0x50, s7;
	s14 =	simm.s32 $0x14D30;
	s18 =	sadd.s32 $0x60, s7  }
0x3c8: {  	[hbm4b:s13+s5] =	stream.linear.scatter [tilespmem:s12], [sflag:$0x8], $0x80, $0x38;
	[tilespmem:$0x19E80] =	vst v63  }
0x3c9: {  	s10 =	simm.s32 $0x14DB8;
	s12 =	sadd.s32 $0x70, s7;
	s7 =	sadd.s32 $0x1000, s7  }
0x3ca: {  	[hbm4b:s18+s5] =	stream.linear.scatter [tilespmem:s14], [sflag:$0x8], $0x80, $0x38;
	[tilespmem:$0x19E80] =	vst v63  }
.LBB2_29:
0x3cb: {  	[hbm4b:s12+s5] =	stream.linear.scatter [tilespmem:s10], [sflag:$0x8], $0x80, $0x38;
	[tilespmem:$0x19E80] =	vst v63  }
0x3cc: {  	s10 =	smov.u32 s0;
	s0 =	smov.u32 s9  }
0x3cd: {  	s11 =	sadd.s32 $0x1100, s9;
	s0 =	sshra.s32 s0, $0x2;
	s12 =	sadd.s32 $0x14A00, s10  }
0x3ce: {  	[hbm4b:s7+s5] =	stream.linear.scatter [tilespmem:s12], [sflag:$0x8], $0x80, $0x38;
	[tilespmem:$0x19E80] =	vst v63  }
0x3cf: {  	p0 =	sne.s32 s9, $0x7700;
	s9 =	sadd.s32 $0x14A88, s10;
	s12 =	sadd.s32 $0x10, s7  }
0x3d0: {  	[hbm4b:s12+s5] =	stream.linear.scatter [tilespmem:s9], [sflag:$0x8], $0x80, $0x38;
	[tilespmem:$0x19E80] =	vst v63  }
0x3d1: {  	s9 =	sadd.s32 $0x14B10, s10;
	s12 =	sadd.s32 $0x20, s7  }
0x3d2: {  	[hbm4b:s12+s5] =	stream.linear.scatter [tilespmem:s9], [sflag:$0x8], $0x80, $0x38;
	[tilespmem:$0x19E80] =	vst v63  }
0x3d3: {  	s9 =	sadd.s32 $0x14B98, s10;
	s12 =	sadd.s32 $0x30, s7  }
0x3d4: {  	[hbm4b:s12+s5] =	stream.linear.scatter [tilespmem:s9], [sflag:$0x8], $0x80, $0x38;
	[tilespmem:$0x19E80] =	vst v63  }
0x3d5: {  	s9 =	sadd.s32 $0x14C20, s10;
	s12 =	sadd.s32 $0x40, s7  }
0x3d6: {  	[hbm4b:s12+s5] =	stream.linear.scatter [tilespmem:s9], [sflag:$0x8], $0x80, $0x38;
	[tilespmem:$0x19E80] =	vst v63  }
.Ltmp16:
0x3d7: {  	s9 =	sadd.s32 $0x14CA8, s10;
	s12 =	sadd.s32 $0x50, s7;
	(pc) =	sbr.rel @p0 .LBB2_29-.Ltmp16, $4  }
0x3d8: {  	[hbm4b:s12+s5] =	stream.linear.scatter [tilespmem:s9], [sflag:$0x8], $0x80, $0x38;
	[tilespmem:$0x19E80] =	vst v63  }
0x3d9: {  	s9 =	sadd.s32 $0x14D30, s10;
	s12 =	sadd.s32 $0x60, s7;
	s10 =	sadd.s32 $0x14DB8, s10  }
0x3da: {  	[hbm4b:s12+s5] =	stream.linear.scatter [tilespmem:s9], [sflag:$0x8], $0x80, $0x38;
	[tilespmem:$0x19E80] =	vst v63  }
0x3db: {  	s12 =	sadd.s32 $0x70, s7;
	s7 =	sadd.s32 $0x1000, s7;
	s9 =	smov.u32 s11  }
0x3dc: {  	[hbm4b:s12+s5] =	stream.linear.scatter [tilespmem:s10], [sflag:$0x8], $0x80, $0x38;
	[tilespmem:$0x19E80] =	vst v63  }
0x3dd: {  	s9 =	sadd.s32 $0x14A00, s0  }
0x3de: {  	[hbm4b:s7+s5] =	stream.linear.scatter [tilespmem:s9], [sflag:$0x8], $0x80, $0x38;
	[tilespmem:$0x19E80] =	vst v63  }
0x3df: {  	s14 =	sadd.s32 $0x14A88, s0;
	s18 =	sadd.s32 $0x10, s7  }
0x3e0: {  	[hbm4b:s18+s5] =	stream.linear.scatter [tilespmem:s14], [sflag:$0x8], $0x80, $0x38;
	[tilespmem:$0x19E80] =	vst v63  }
0x3e1: {  	s10 =	sadd.s32 $0x14B10, s0;
	s11 =	sadd.s32 $0x20, s7  }
0x3e2: {  	[hbm4b:s11+s5] =	stream.linear.scatter [tilespmem:s10], [sflag:$0x8], $0x80, $0x38;
	[tilespmem:$0x19E80] =	vst v63  }
0x3e3: {  	s12 =	sadd.s32 $0x14B98, s0;
	s13 =	sadd.s32 $0x30, s7  }
0x3e4: {  	[hbm4b:s13+s5] =	stream.linear.scatter [tilespmem:s12], [sflag:$0x8], $0x80, $0x38;
	[tilespmem:$0x19E80] =	vst v63  }
0x3e5: {  	s3 =	sadd.s32 $0x1, s3;
	s14 =	sadd.s32 $0x14C20, s0;
	s18 =	sadd.s32 $0x40, s7  }
0x3e6: {  	[hbm4b:s18+s5] =	stream.linear.scatter [tilespmem:s14], [sflag:$0x8], $0x80, $0x38;
	[tilespmem:$0x19E80] =	vst v63  }
0x3e7: {  	p0 =	sne.s32 s3, $0x32;
	s10 =	sadd.s32 $0x14CA8, s0;
	s11 =	sadd.s32 $0x50, s7  }
0x3e8: {  	[hbm4b:s11+s5] =	stream.linear.scatter [tilespmem:s10], [sflag:$0x8], $0x80, $0x38;
	[tilespmem:$0x19E80] =	vst v63  }
.Ltmp17:
0x3e9: {  	_ = 	snop;
	(pc) =	sbr.rel @p0 .LBB2_2-.Ltmp17, $4  }
0x3ea: {  	s12 =	sadd.s32 $0x14D30, s0;
	s13 =	sadd.s32 $0x60, s7  }
0x3eb: {  	[hbm4b:s13+s5] =	stream.linear.scatter [tilespmem:s12], [sflag:$0x8], $0x80, $0x38;
	[tilespmem:$0x19E80] =	vst v63  }
0x3ec: {  	s14 =	sadd.s32 $0x14DB8, s0;
	s18 =	sadd.s32 $0x70, s7  }
0x3ed: {  	[hbm4b:s18+s5] =	stream.linear.scatter [tilespmem:s14], [sflag:$0x8], $0x80, $0x38;
	[tilespmem:$0x19E80] =	vst v63  }
0x3ee: {  	s0 =	simm.s32 $0x5  }
0x3ef: {  	_ =	swait.ge [sflag:s0], $0x2000  }
0x3f0: {  	[sflag:s0] =	ssyncset.done $0x0  }
0x3f1: {  	[sflag:s0] =	ssyncadd.s32 $0xFFFFE000  }
0x3f2: {  	_ =	swait.ge [sflag:s24], $0x2000  }
0x3f3: {  	[sflag:s24] =	ssyncset.done $0x0  }
0x3f4: {  	[sflag:s24] =	ssyncadd.s32 $0xFFFFE000  }
0x3f5: {  	_ =	swait.ge [sflag:s28], $0x2000  }
0x3f6: {  	[sflag:s28] =	ssyncset.done $0x0  }
0x3f7: {  	[sflag:s28] =	ssyncadd.s32 $0xFFFFE000  }
0x3f8: {  	_ =	swait.ge [sflag:s31], $0x2000  }
0x3f9: {  	s1 =	sadd.s32 $0x1, s1;
	s18 =	rddreg [dreg:$0x7]  }
0x3fa: {  	p0 =	sne.s32 s1, s18  }
.Ltmp18:
0x3fb: {  	_ = 	snop;
	(pc) =	sbr.rel @p0 .LBB2_1-.Ltmp18, $3  }
0x3fc: {  	_ =	sdelay $0x1  }
0x3fd: {  	[sflag:s31] =	ssyncset.done $0x0  }
0x3fe: {  	[sflag:s31] =	ssyncadd.s32 $0xFFFFE000  }
0x3ff: {  	_ =	sfence.sel $0x180000  }
0x400: {  	[bflag:$0x0] =	sbarrier.arrive $0xFFFF  }
0x401: {  	_ =	strace $0x9000004A  }
0x402: {  	s0 =	stileid.u32;
	[bflag:$0x2] =	sbarrier.arrive $0xFFFF  }
0x403: {  	p0 =	sne.s32 s0, $0x0;
	s0 =	rddreg [dreg:$0x4]  }
0x404: {  	s0 =	sadd.s32 @!p0 $0x100000, s0  }
0x405: {  	[sflag:s0] =	ssyncadd.tile.s32 @!p0 $0x1;
	_ =	shalt  }
.Lfunc_end2:
_tile_overlayer_lowered:
.L_overlay_start_2:
0x406: {  	(tag) =	ssettag $0x2  }
0x407: {  	s0 =	rddreg [dreg:$0x0];
	s2 =	stileid.u32  }
0x408: {  	s1 =	rddreg [dreg:$0x1];
	p0 =	sne.s32 s2, $0x0  }
0x409: {  	s3 =	rddreg [dreg:$0x2];
	[bflag:$0x3] =	sbarrier.arrive $0xFFFF;
	s2 =	simm.s32 @!p0 $0x1C09  }
0x40a: {  	[timem:s3], [sflag:s2] =	dma.local @!p0 [hbm:s0], s1  }
0x40b: {  	s0 =	simm.s32 @!p0 $0x9  }
0x40c: {  	_ =	swait.ge @!p0 [sflag:s0], s1  }
0x40d: {  	s1 =	ssub.s32 @!p0 $0x0, s1;
	[sflag:s0] =	ssyncset.done @!p0 $0x0  }
0x40e: {  	[sflag:s0] =	ssyncadd.s32 @!p0 s1  }
0x40f: {  	[bflag:$0x3] =	sbarrier.arrive $0xFFFF  }
0x410: {  	_ =	shalt  }

// kernel: sparse-core-data-format-call.cloned.1.call-start
scs
called_computation_lowered:
.L_overlay_start_0:
0x0: {  	s2 =	sld [smem:$0x3FD9]  }
0x1: {  	s3 =	sld [smem:$0x3FFE];
	_ =	sdelay $0x1  }
0x2: {  	s1 =	srdreg.scid  }
0x3: {  	s0 =	sand.u32 $0x1, s1  }
0x4: {  	s18 =	sshll.u32 s0, $0xA;
	s2 =	sadd.s32 s3, s2  }
0x5: {  	s2 =	sadd.s32 s2, s18  }
0x6: {  	[smem:$0x3FC3] =	sst s2  }
0x7: {  	_ = 	snop  }
0x8: {  	s2 =	sld [smem:$0x3FC8];
	(tm) =	ssettm $0x1  }
0x9: {  	s19 =	sld [smem:$0x3FFB];
	_ =	sdelay $0x3  }
0xa: {  	_ =	strace s19  }
0xb: {  	s3 =	sld [smem:$0x3FFC];
	_ =	sdelay $0x3  }
0xc: {  	_ =	strace s3  }
0xd: {  	s3 =	sld [smem:$0x3FFD];
	_ =	sdelay $0x3  }
0xe: {  	_ =	strace s3  }
0xf: {  	_ =	strace $0x8FFFFFFF  }
0x10: {  	s20 =	sld [smem:$0x3FDB];
	_ =	sdelay $0x1  }
0x11: {  	s4 =	simm.s32 $_scs_section_size  }
0x12: {  	s5 =	simm.s32 $_size__tile_overlayer_lowered;
	s6 =	simm.s32 $_tile_overlayer_lowered  }
0x13: {  	s23 =	simm.s32 $0x1BFF;
	s22 =	sshll.u32 s6, $0x1;
	s3 =	sadd.s32 s4, s20  }
0x14: {  	s7 =	simm.s32 $0x0;
	s21 =	sshll.u32 s5, $0x1;
	s5 =	sadd.s32 s22, s3  }
0x15: {  	[timem:s7], [sflag:s23] =	dma.local [hbm:s5], s21  }
0x16: {  	_ =	swait.ge [sflag:s23], s21  }
0x17: {  	s4 =	ssub.s32 $0x0, s21;
	[sflag:s23] =	ssyncset.done $0x0  }
0x18: {  	[sflag:s23] =	ssyncadd.s32 s4;
	_ =	sdelay $0x1  }
0x19: {  	s24 =	simm.s32 $0x1B8B  }
0x1a: {  	_ =	swait.ge [sflag:s24], $0x1  }
0x1b: {  	[sflag:s24] =	ssyncset.done $0x0  }
0x1c: {  	s26 =	simm.s32 $0x1B8E;
	s25 =	sld [smem:$0x3FFE];
	[sflag:s24] =	ssyncadd.s32 $0xFFFFFFFF  }
0x1d: {  	s27 =	simm.s32 $execute0_lowered;
	[smem:$0x3FD2] =	sst s26  }
0x1e: {  	s5 =	sshll.u32 s27, $0x1;
	_ =	strace $0x80000046;
	[dreg:$0x1] =	wrdreg $0xFFFFFFFF  }
0x1f: {  	s28 =	simm.s32 $_size_execute0_lowered;
	s3 =	sadd.s32 s3, s5;
	[dreg:$0x0] =	wrdreg $0x0  }
0x20: {  	s5 =	sshll.u32 s28, $0x1;
	[dreg:$0x2] =	wrdreg s3  }
0x21: {  	[dreg:$0x3] =	wrdreg s5  }
0x22: {  	[dreg:$0x4] =	wrdreg $0xC0  }
0x23: {  	_ =	task [dreg:s7], $0x5FFFF  }
0x24: {  	[dreg:$0x1] =	wrdreg $0xFFFFFFFF  }
0x25: {  	[dreg:$0x0] =	wrdreg $0x60  }
0x26: {  	[dreg:$0x2] =	wrdreg s2  }
0x27: {  	[dreg:$0x3] =	wrdreg s25  }
0x28: {  	[dreg:$0x4] =	wrdreg $0x9  }
0x29: {  	_ =	task.clear_ibuf [dreg:s7], $0x5FFFF;
	_ =	strace $0x90000046  }
0x2a: {  	s29 =	simm.s32 $0x9;
	_ =	strace $0x80000048  }
0x2b: {  	_ =	swait.ge [sflag:s29], $0x1  }
0x2c: {  	[sflag:s29] =	ssyncadd.s32 $0xFFFFFFFF  }
0x2d: {  	_ =	strace $0x90000048  }
0x2e: {  	_ =	sfence  }
0x2f: {  	s30 =	sld [smem:$0x0];
	_ =	sdelay $0x2  }
0x30: {  	s31 =	sshll.u32 s1, $0xD;
	s1 =	sshrl.u32 s1, $0x2  }
0x31: {  	s3 =	sand.u32 $0x4000, s31;
	s1 =	sadd.s32 s1, s30  }
0x32: {  	s0 =	sor.u32 s3, s0;
	s1 =	sshll.u32 s1, $0x11  }
0x33: {  	s0 =	sor.u32 s1, s0  }
0x34: {  	s0 =	sadd.s32 $0x8F2B, s0  }
0x35: {  	[sflag:s0] =	ssyncadd.remote.s32 $0x1  }
0x36: {  	_ =	sfence.sel $0xFFFF  }
0x37: {  	[dreg:$0x0] =	wrdreg $0xFFFFFFFF;
	(pc) =	sbr.abs _section_cstart, $3  }
0x38: {  	[dreg:$0x1] =	wrdreg $0xFFFFFFFF  }
0x39: {  	_ =	task.clear_ibuf [dreg:s7], $0x2FFFF;
	_ =	strace $0x9FFFFFFF  }
0x3a: {  	(tm) =	ssettm $0x7FFFFFFF  }
0x3b: {  	_ =	shalt  }
tec
execute0_lowered:
.L_overlay_start_1:
0x0: {  	(tag) =	ssettag $0x1  }
0x1: {  	s0 =	srdreg.scid;
	s2 =	rddreg [dreg:$0x0]  }
0x2: {  	s5 =	rddreg [dreg:$0x1];
	s1 =	stileid.u32  }
0x3: {  	s4 =	simm.s32 $0x1;
	s6 =	simm.s32 $0x2;
	s15 =	simm.s32 $0x0  }
0x4: {  	p0 =	por $0x0, $0x0;
	s8 =	simm.s32 $0x80;
	s0 =	sshll.u32 s0, $0x4  }
0x5: {  	s14 =	simm.s32 $0x0;
	s9 =	simm.s32 $0x0;
	s3 =	sand.u32 $0x10, s0  }
.Ltmp0:
0x6: {  	s10 =	simm.s32 $0x0;
	s3 =	sor.u32 s1, s3;
	(pc) =	sbr.rel .LBB1_1-.Ltmp0, $4  }
0x7: {  	s0 =	rddreg [dreg:$0x2];
	_ =	strace $0x80000047;
	s3 =	sshll.u32 s3, $0x7  }
0x8: {  	s12 =	simm.s32 $0x0;
	[sflag:s4] =	ssyncpa.u1 $0x0;
	s7 =	ssub.s32 $0xF4200, s3  }
0x9: {  	s13 =	simm.s32 $0x0;
	[sflag:s6] =	ssyncpa.u1 $0x0;
	s6 =	sshrl.u32 s7, $0xC  }
0xa: {  	s5 =	sadd.s32 $0xC00, s5;
	s11 =	smov.u32 s3;
	s7 =	sadd.s32 $0x2, s6  }
.LBB1_5:
0xb: {  	p1 =	slt.u32 s13, $0x2  }
0xc: {  	s17 =	smov.u32 s15;
	p2 =	sgt.s32 @!p1 s15, $0xF41C0;
	s16 =	sshra.s32 @!p1 s15, $0x1F  }
0xd: {  	p3 =	sgt.s32 @!p1 s14, $0x40;
	s18 =	sshra.s32 @!p1 s14, $0x1F;
	p2 =	por !p2, p1  }
0xe: {  	s15 =	sand.u32 @!p1 s16, s15;
	p3 =	por !p3, p1;
	s16 =	smov.u32 s14  }
0xf: {  	s14 =	sand.u32 @!p1 s18, s14;
	s17 =	simm.s32 @p2 $0xF41C0;
	s16 =	simm.s32 @p3 $0x40  }
0x10: {  	s15 =	ssub.s32 @!p1 s17, s15;
	s14 =	ssub.s32 @!p1 s16, s14  }
0x11: {  	s18 =	smov.u32 s12;
	s16 =	sadd.s32 @!p1 $0xFFF0BE40, s15;
	s17 =	sadd.s32 @!p1 $0xFFFFFFC0, s14  }
0x12: {  	s15 =	ssub.s32 @!p1 $0xF4240, s15;
	p2 =	sgt.s32 @!p1 s16, $0x7F;
	p3 =	sgt.s32 @!p1 s17, $0x3F  }
0x13: {  	s14 =	ssub.s32 @!p1 $0x80, s14;
	p2 =	por !p2, p1;
	p3 =	por !p3, p1  }
0x14: {  	s16 =	sadd.s32 $0x1000, s11;
	s15 =	simm.s32 @!p2 $0x0;
	s14 =	simm.s32 @!p3 $0x0  }
0x15: {  	p2 =	sgt.s32 s16, $0xF423F;
	s14 =	smul.u32 @!p1 s14, s15;
	s15 =	sadd.s32 $0x40, s12  }
0x16: {  	s18 =	smov.u32 @p2 s15  }
0x17: {  	s16 =	smov.u32 @p2 s3;
	p2 =	sgt.s32 s18, $0x3F  }
0x18: {  	s18 =	simm.s32 @p2 $0x0;
	p2 =	sne.s32 s13, s7  }
.Ltmp1:
0x19: {  	p0 =	por !p0, !p0;
	s17 =	simm.s32 @!p1 $0x2;
	(pc) =	sbr.rel @!p2 .LBB1_6-.Ltmp1, $4  }
0x1a: {  	s15 =	smov.u32 s9;
	s9 =	smov.u32 s11;
	s14 =	sand.u32 @!p1 $0x3FFFFFFF, s14  }
0x1b: {  	s11 =	smov.u32 s16;
	_ =	swait.ge @!p1 [sflag:s17], s14;
	s19 =	ssub.s32 @!p1 $0x0, s14  }
0x1c: {  	s14 =	smov.u32 s10;
	s13 =	sadd.s32 $0x1, s13;
	[sflag:s17] =	ssyncset.done @!p1 $0x0  }
0x1d: {  	s10 =	smov.u32 s12;
	s12 =	smov.u32 s18;
	[sflag:s17] =	ssyncadd.s32 @!p1 s19  }
.LBB1_1:
0x1e: {  	p1 =	sgt.u32 s13, s6  }
0x1f: {  	s16 =	sshrl.u32 @!p1 s12, $0x3  }
0x20: {  	s17 =	sshll.u32 @!p1 s11, $0x3;
	s16 =	smul.u32 @!p1 $0x7A1400, s16  }
0x21: {  	s18 =	sshll.u32 @!p1 s12, $0x7;
	s17 =	sand.u32 @!p1 $0xFFFFFC00, s17  }
0x22: {  	s16 =	sadd.s32 @!p1 s16, s17;
	s17 =	sand.u32 @!p1 $0x380, s18  }
0x23: {  	s18 =	sand.u32 @!p1 $0x7F, s11;
	s16 =	sor.u32 @!p1 s17, s16  }
0x24: {  	s17 =	sor.u32 @!p1 s18, s16  }
0x25: {  	s18 =	smulhi.u32 @!p1 $0x218D6287, s17;
	_ =	sdelay $0x1  }
0x26: {  	s16 =	smulhi.u32 @!p1 $0x218D6287, s16;
	s18 =	sshrl.u32 @!p1 s18, $0x11  }
0x27: {  	s18 =	smul.u32 @!p1 $0xF4280, s18  }
0x28: {  	s19 =	sxor.u32 @!p1 $0xFFFFFFFF, s13;
	s16 =	sshrl.u32 @!p1 s16, $0x11  }
0x29: {  	s19 =	sshll.u32 @!p1 s19, $0xD;
	s16 =	sand.u32 @!p1 $0x3F, s16;
	s17 =	ssub.s32 @!p1 s17, s18  }
0x2a: {  	s16 =	smul.u32 @!p1 $0x1E850, s16;
	s18 =	sshrl.u32 @!p1 s17, $0x3;
	s17 =	sand.u32 @!p1 $0x7, s17  }
0x2b: {  	s19 =	sand.u32 @!p1 $0x2000, s19;
	s18 =	sadd.s32 @!p1 s2, s18;
	s17 =	sshll.u32 @!p1 s17, $0x12  }
0x2c: {  	s16 =	sadd.s32 @!p1 s16, s18;
	s17 =	sor.u32 @!p1 $0x400, s17;
	s18 =	simm.s32 @!p1 $0x7A1400  }
0x2d: {  	[tilespmem:s19], [sflag:$0x1] =	stream.strided.gather @!p1 [hbm4b:s16+s17], $0x2000, s18, s17, $0x38;
	[tilespmem:$0x8100] =	vst v63  }
0x2e: {  	p1 =	seq.s32 s13, $0x0  }
0x2f: {  	p2 =	sge.u32 @!p1 s13, s7  }
0x30: {  	p1 =	por p1, p2  }
.Ltmp2:
0x31: {  	_ = 	snop;
	(pc) =	sbr.rel @p1 .LBB1_5-.Ltmp2, $1  }
0x32: {  	_ =	sdelay $0x3  }
0x33: {  	s16 =	simm.s32 $0x1  }
0x34: {  	_ =	swait.ge [sflag:s4], $0x2000;
	s16 =	simm.s32 @!p0 $0x0  }
0x35: {  	[sflag:s4] =	ssyncset.done $0x0;
	s17 =	sshll.u32 s16, $0xD  }
0x36: {  	[sflag:s4] =	ssyncadd.s32 $0xFFFFE000;
	s17 =	sor.u32 $0x40, s17  }
0x37: {  	s16 =	smul.u32 $0x8200, s16;
	v0 =	vld [tilespmem:s17+$0x30]  }
0x38: {  	v1 =	vld [tilespmem:s17+$0xFFFFFFD0]  }
0x39: {  	s16 =	sshrl.u32 s16, $0x2;
	v5 =	vld [tilespmem:s17+$0xFFFFFFE0]  }
0x3a: {  	v6 =	vld [tilespmem:s17+$0xFFFFFFF0];
	s19 =	sor.u32 $0x4000, s16  }
0x3b: {  	s31 =	sand.u32 $0x1, s13;
	v4 =	vld [tilespmem:s17+$0x0];
	s18 =	sadd.s32 $0x0, s19  }
0x3c: {  	v3 =	vld [tilespmem:s17+$0x10];
	s16 =	smul.u32 $0x8200, s31;
	[tilespmem:s18+$0x1C70 ss:$0x41] =	vst.msk $0xffff, v0  }
0x3d: {  	v2 =	vld [tilespmem:s17+$0x20];
	[tilespmem:s18+$0x410 ss:$0x41] =	vst.msk $0xffff, v1  }
0x3e: {  	s16 =	sshrl.u32 s16, $0x2;
	v1 =	vld [tilespmem:s17+$0xFFFFFFC0];
	[tilespmem:s18+$0x820 ss:$0x41] =	vst.msk $0xffff, v5;
	s17 =	sadd.s32 $0x80, s17  }
0x3f: {  	s20 =	simm.s32 $0x4;
	s21 =	simm.s32 $0x8;
	s16 =	sor.u32 $0x4000, s16;
	[tilespmem:s18+$0xC30 ss:$0x41] =	vst.msk $0xffff, v6;
	v0 =	vld [tilespmem:s17+$0x30]  }
.LBB1_3:
0x40: {  	p1 =	sne.s32 s21, $0xFC;
	v5 =	vld [tilespmem:s17+$0xFFFFFFD0];
	[tilespmem:s18+$0x1040 ss:$0x41] =	vst.msk $0xffff, v4  }
0x41: {  	v6 =	vld [tilespmem:s17+$0xFFFFFFE0];
	[tilespmem:s18+$0x1450 ss:$0x41] =	vst.msk $0xffff, v3  }
0x42: {  	s22 =	sshra.s32 s20, $0x2;
	s20 =	smov.u32 s21;
	v7 =	vld [tilespmem:s17+$0xFFFFFFF0];
	[tilespmem:s18+$0x1860 ss:$0x41] =	vst.msk $0xffff, v2  }
.Ltmp3:
0x43: {  	v4 =	vld [tilespmem:s17+$0x0];
	[tilespmem:s18+$0x0 ss:$0x41] =	vst.msk $0xffff, v1;
	s18 =	sadd.s32 s22, s19;
	(pc) =	sbr.rel @p1 .LBB1_3-.Ltmp3, $4  }
0x44: {  	v3 =	vld [tilespmem:s17+$0x10];
	[tilespmem:s18+$0x1C70 ss:$0x41] =	vst.msk $0xffff, v0  }
0x45: {  	[tilespmem:s18+$0x410 ss:$0x41] =	vst.msk $0xffff, v5;
	v2 =	vld [tilespmem:s17+$0x20]  }
0x46: {  	v1 =	vld [tilespmem:s17+$0xFFFFFFC0];
	[tilespmem:s18+$0x820 ss:$0x41] =	vst.msk $0xffff, v6;
	s17 =	sadd.s32 $0x80, s17  }
0x47: {  	s21 =	sadd.s32 $0x4, s21;
	v0 =	vld [tilespmem:s17+$0x30];
	[tilespmem:s18+$0xC30 ss:$0x41] =	vst.msk $0xffff, v7  }
0x48: {  	s21 =	sshll.u32 s9, $0x7;
	s22 =	sshll.u32 s10, $0x3;
	s20 =	sshra.s32 s20, $0x2  }
0x49: {  	p1 =	sgt.s32 s9, $0xF41C0;
	s30 =	sshra.s32 s9, $0x1F;
	s25 =	sshra.s32 s10, $0x1F  }
0x4a: {  	v5 =	vld [tilespmem:s17+$0xFFFFFFD0];
	s28 =	sshrl.u32 s10, $0x3;
	s23 =	sand.u32 $0xFFFFFC00, s21;
	s22 =	sand.u32 $0xFFFFFC00, s22  }
0x4b: {  	[tilespmem:s18+$0x1040 ss:$0x41] =	vst.msk $0xffff, v4;
	v58 =	vld [tilespmem:s17+$0xFFFFFFE0];
	s21 =	sand.u32 $0x380, s21;
	s19 =	sadd.s32 s20, s19;
	s22 =	sadd.s32 s22, s23  }
0x4c: {  	v59 =	vld [tilespmem:s17+$0xFFFFFFF0];
	[tilespmem:s18+$0x1450 ss:$0x41] =	vst.msk $0xffff, v3;
	s29 =	sor.u32 s21, s22;
	s21 =	smov.u32 s9;
	s22 =	sand.u32 s30, s9  }
0x4d: {  	v60 =	vld [tilespmem:s17+$0x0];
	[tilespmem:s18+$0x1860 ss:$0x41] =	vst.msk $0xffff, v2;
	s30 =	sand.u32 $0x7, s10;
	s20 =	sshrl.u32 s29, $0x7;
	s21 =	simm.s32 @!p1 $0xF41C0  }
0x4e: {  	v61 =	vld [tilespmem:s17+$0x10];
	[tilespmem:s18+$0x0 ss:$0x41] =	vst.msk $0xffff, v1;
	p1 =	sgt.s32 s10, $0x40;
	s24 =	ssub.s32 s21, s22;
	s21 =	smov.u32 s10  }
0x4f: {  	v62 =	vld [tilespmem:s17+$0x20];
	[tilespmem:s19+$0x1C70 ss:$0x41] =	vst.msk $0xffff, v0;
	s31 =	smulhi.u32 $0x218DEF5, s20;
	s22 =	sand.u32 s25, s10;
	s21 =	simm.s32 @!p1 $0x40  }
0x50: {  	v63 =	vld [tilespmem:s17+$0xFFFFFFC0];
	[tilespmem:s19+$0x410 ss:$0x41] =	vst.msk $0xffff, v5;
	s26 =	sadd.s32 $0xFFF0BE40, s24;
	s17 =	ssub.s32 $0xF4240, s24;
	s21 =	ssub.s32 s21, s22  }
0x51: {  	[tilespmem:s19+$0x820 ss:$0x41] =	vst.msk $0xffff, v58;
	s23 =	sshrl.u32 s31, $0xD;
	p1 =	sgt.s32 s26, $0x7F;
	s27 =	sadd.s32 $0xFFFFFFC0, s21  }
0x52: {  	[tilespmem:s19+$0xC30 ss:$0x41] =	vst.msk $0xffff, v59;
	s23 =	smul.u32 $0xF4240, s23;
	s18 =	ssub.s32 $0x80, s21;
	p2 =	sgt.s32 s27, $0x3F  }
.Ltmp4:
0x53: {  	[tilespmem:s19+$0x1040 ss:$0x41] =	vst.msk $0xffff, v60;
	s17 =	simm.s32 @p1 $0x0;
	s18 =	simm.s32 @p2 $0x0;
	(pc) =	sbr.rel .LBB1_5-.Ltmp4, $4  }
0x54: {  	s29 =	sand.u32 $0xF, s28;
	[tilespmem:s19+$0x1450 ss:$0x41] =	vst.msk $0xffff, v61;
	s20 =	ssub.s32 s20, s23;
	s17 =	smul.u32 s18, s17  }
0x55: {  	[tilespmem:s19+$0x1860 ss:$0x41] =	vst.msk $0xffff, v62;
	s21 =	sshll.u32 s30, $0x12;
	s20 =	sshll.u32 s20, $0x4;
	s18 =	sadd.s32 s5, s29  }
0x56: {  	[tilespmem:s19+$0x0 ss:$0x41] =	vst.msk $0xffff, v63;
	s31 =	sor.u32 $0x40, s21;
	s18 =	sadd.s32 s20, s18;
	s17 =	sand.u32 $0x3FFFFFFF, s17  }
0x57: {  	[hbm4b:s18+s31] =	stream.strided.scatter [tilespmem:s16], [sflag:$0x2], s17, s8, s31, $0x18;
	[tilespmem:$0x8100] =	vst v63  }
.LBB1_6:
0x58: {  	_ =	sfence.sel $0x180000  }
0x59: {  	s2 =	simm.s32 $0x1;
	[bflag:$0x0] =	sbarrier.arrive $0xFFFF  }
0x5a: {  	s31 =	simm.s32 $0x2;
	[sflag:s2] =	ssyncpa.u1 $0x1  }
0x5b: {  	[sflag:s31] =	ssyncpa.u1 $0x1  }
0x5c: {  	p0 =	sne.s32 s1, $0x0;
	_ =	strace $0x90000047  }
0x5d: {  	s0 =	sadd.s32 @!p0 $0x100000, s0;
	[bflag:$0x2] =	sbarrier.arrive $0xFFFF  }
0x5e: {  	[sflag:s0] =	ssyncadd.tile.s32 @!p0 $0x1;
	_ =	shalt  }
.Lfunc_end1:
_tile_overlayer_lowered:
.L_overlay_start_2:
0x5f: {  	(tag) =	ssettag $0x2  }
0x60: {  	s0 =	rddreg [dreg:$0x0];
	s2 =	stileid.u32  }
0x61: {  	s1 =	rddreg [dreg:$0x1];
	p0 =	sne.s32 s2, $0x0  }
0x62: {  	s3 =	rddreg [dreg:$0x2];
	[bflag:$0x3] =	sbarrier.arrive $0xFFFF;
	s2 =	simm.s32 @!p0 $0x1C01  }
0x63: {  	[timem:s3], [sflag:s2] =	dma.local @!p0 [hbm:s0], s1  }
0x64: {  	s0 =	simm.s32 @!p0 $0x1  }
0x65: {  	_ =	swait.ge @!p0 [sflag:s0], s1  }
0x66: {  	s1 =	ssub.s32 @!p0 $0x0, s1;
	[sflag:s0] =	ssyncset.done @!p0 $0x0  }
0x67: {  	[sflag:s0] =	ssyncadd.s32 @!p0 s1  }
0x68: {  	[bflag:$0x3] =	sbarrier.arrive $0xFFFF  }
0x69: {  	_ =	shalt  }

</sc_bundles>
